<compile_context>
chip_gen: v7x
topology: tpu7x:2x2x1
jax: 0.10.2.dev20260603
libtpu: 0.0.44.dev20260713+nightly
codegen_flags: <defaults>
</compile_context>

<pallas_src>
import functools

import jax
import jax.numpy as jnp
from jax import lax
from jax.experimental import pallas as pl
from jax.experimental.pallas import tpu as pltpu
from jax.experimental.pallas import tpu_sc as plsc

N = 10000
E = 320000
D = 128
DH = D // 2
DZ = 64
NC, NS = 2, 16
NW = NC * NS
CH = 128
NCH_ALL = E // CH
DEG_Q, DEG_R = NCH_ALL // NW, NCH_ALL % NW
AGG_Q, AGG_R = NCH_ALL // NS, NCH_ALL % NS
NPAD = N + 128
RPS = 624
NREM = N - RPS * NS

_sc_mesh = plsc.VectorSubcoreMesh(core_axis_name="c", subcore_axis_name="s")



@functools.partial(
    pl.kernel,
    out_type=jax.ShapeDtypeStruct((NC, 2, N, 16), jnp.float32),
    mesh=_sc_mesh,
    compiler_params=pltpu.CompilerParams(use_tc_tiling_on_sc=False),
    scratch_types=[
        pltpu.VMEM((CH,), jnp.int32),
        pltpu.VMEM((CH,), jnp.int32),
        pltpu.VMEM((CH,), jnp.int32),
        pltpu.VMEM((CH,), jnp.int32),
        pltpu.VMEM((CH, 16), jnp.float32),
        pltpu.VMEM_SHARED((NPAD, 16), jnp.float32),
        pltpu.VMEM_SHARED((NPAD, 16), jnp.float32),
        pltpu.SemaphoreType.DMA,
        pltpu.SemaphoreType.DMA,
        pltpu.SemaphoreType.DMA,
        pltpu.SemaphoreType.DMA,
    ],
)
def _deg_kernel(srcf_hbm, dstf_hbm, zeros16_hbm, ones16_hbm, out_hbm,
                idx_s0, idx_s1, idx_d0, idx_d1, ones_v, acc_s, acc_d,
                sem_l0, sem_l1, sem_c0, sem_c1):
    cid = lax.axis_index("c")
    sid = lax.axis_index("s")
    wid = cid * NS + sid
    extra = jnp.maximum(wid - (NW - DEG_R), 0)
    nch = DEG_Q + jnp.where(wid >= NW - DEG_R, 1, 0)
    base = (wid * DEG_Q + extra) * CH

    pltpu.sync_copy(ones16_hbm, ones_v)
    for acc in (acc_s, acc_d):
        pltpu.sync_copy(zeros16_hbm, acc.at[pl.ds(sid * RPS, RPS)])
        @pl.when(sid == NS - 1)
        def _(acc=acc):
            pltpu.sync_copy(zeros16_hbm.at[pl.ds(0, NREM)],
                            acc.at[pl.ds(RPS * NS, NREM)])
    plsc.subcore_barrier()

    bufs = ((idx_s0, idx_d0, sem_l0, sem_c0),
            (idx_s1, idx_d1, sem_l1, sem_c1))

    def load(c, b):
        i_s, i_d, s_l, _ = bufs[b]
        eb = base + c * CH
        pltpu.async_copy(srcf_hbm.at[pl.ds(eb, CH)], i_s, s_l)
        pltpu.async_copy(dstf_hbm.at[pl.ds(eb, CH)], i_d, s_l)

    def wait_load(b):
        i_s, i_d, s_l, _ = bufs[b]
        pltpu.make_async_copy(srcf_hbm.at[pl.ds(0, CH)], i_s, s_l).wait()
        pltpu.make_async_copy(dstf_hbm.at[pl.ds(0, CH)], i_d, s_l).wait()

    def scat(b):
        i_s, i_d, _, s_c = bufs[b]
        pltpu.async_copy(ones_v, acc_s.at[i_s], s_c, add=True)
        pltpu.async_copy(ones_v, acc_d.at[i_d], s_c, add=True)

    def wait_scat(b):
        i_s, i_d, _, s_c = bufs[b]
        pltpu.make_async_copy(ones_v, acc_s.at[i_s], s_c).wait()
        pltpu.make_async_copy(ones_v, acc_d.at[i_d], s_c).wait()

    load(0, 0)

    def body(c, _):
        for p in (0, 1):
            @pl.when(c % 2 == p)
            def _(p=p):
                wait_load(p)
                scat(p)
                @pl.when(c > 0)
                def _():
                    wait_scat(1 - p)
                @pl.when(c + 1 < nch)
                def _():
                    load(c + 1, 1 - p)
        return 0
    lax.fori_loop(0, nch, body, 0)
    @pl.when(nch % 2 == 1)
    def _():
        wait_scat(0)
    @pl.when(nch % 2 == 0)
    def _():
        wait_scat(1)
    plsc.subcore_barrier()

    sl = pl.ds(sid * RPS, RPS)
    pltpu.sync_copy(acc_s.at[sl], out_hbm.at[cid, 0, sl])
    pltpu.sync_copy(acc_d.at[sl], out_hbm.at[cid, 1, sl])
    @pl.when(sid == NS - 1)
    def _():
        rem = pl.ds(RPS * NS, NREM)
        pltpu.sync_copy(acc_s.at[rem], out_hbm.at[cid, 0, rem])
        pltpu.sync_copy(acc_d.at[rem], out_hbm.at[cid, 1, rem])



@functools.partial(
    pl.kernel,
    out_type=jax.ShapeDtypeStruct((NC, N, DH), jnp.float32),
    mesh=_sc_mesh,
    compiler_params=pltpu.CompilerParams(use_tc_tiling_on_sc=False),
    scratch_types=[
        pltpu.VMEM((CH,), jnp.int32),
        pltpu.VMEM((CH,), jnp.int32),
        pltpu.VMEM((4, CH), jnp.int32),
        pltpu.VMEM((CH, DH), jnp.float32),
        pltpu.VMEM((CH, DH), jnp.float32),
        pltpu.VMEM_SHARED((N, DH), jnp.float32),
        pltpu.VMEM_SHARED((NPAD, DH), jnp.float32),
        pltpu.SemaphoreType.DMA,
        pltpu.SemaphoreType.DMA,
        pltpu.SemaphoreType.DMA,
        pltpu.SemaphoreType.DMA,
        pltpu.SemaphoreType.DMA,
    ],
)
def _agg_kernel(y2_hbm, srcf_hbm, dstf_hbm, zeros_hbm, out_hbm,
                idx_s0, idx_s1, idx_d, rows0, rows1, ys, acc,
                sem_l0, sem_l1, sem_g0, sem_g1, sem_c):
    cid = lax.axis_index("c")
    sid = lax.axis_index("s")
    extra = jnp.maximum(sid - (NS - AGG_R), 0)
    nch = AGG_Q + jnp.where(sid >= NS - AGG_R, 1, 0)
    base = (sid * AGG_Q + extra) * CH

    sl = pl.ds(sid * RPS, RPS)
    pltpu.sync_copy(y2_hbm.at[cid, sl], ys.at[sl])
    pltpu.sync_copy(zeros_hbm, acc.at[sl])
    @pl.when(sid == NS - 1)
    def _():
        rem = pl.ds(RPS * NS, NREM)
        pltpu.sync_copy(y2_hbm.at[cid, rem], ys.at[rem])
        pltpu.sync_copy(zeros_hbm.at[pl.ds(0, NREM)], acc.at[rem])

    bufs = ((idx_s0, sem_l0, rows0, sem_g0),
            (idx_s1, sem_l1, rows1, sem_g1))

    def load(c, b):
        i_s, s_l, _, _ = bufs[b]
        eb = base + c * CH
        pltpu.async_copy(srcf_hbm.at[pl.ds(eb, CH)], i_s, s_l)
        pltpu.async_copy(dstf_hbm.at[pl.ds(eb, CH)], idx_d.at[c % 4], s_l)

    def wait_load(b):
        i_s, s_l, _, _ = bufs[b]
        pltpu.make_async_copy(srcf_hbm.at[pl.ds(0, CH)], i_s, s_l).wait()
        pltpu.make_async_copy(srcf_hbm.at[pl.ds(0, CH)], i_s, s_l).wait()

    def gather(b):
        i_s, _, r, s_g = bufs[b]
        pltpu.async_copy(ys.at[i_s], r, s_g)

    def wait_gather(b):
        i_s, _, r, s_g = bufs[b]
        pltpu.make_async_copy(ys.at[i_s], r, s_g).wait()

    def scat(c, b):
        _, _, r, _ = bufs[b]
        pltpu.async_copy(r, acc.at[idx_d.at[c % 4]], sem_c, add=True)

    def wait_scat(b):
        _, _, r, _ = bufs[b]
        pltpu.make_async_copy(r, acc.at[idx_d.at[0]], sem_c).wait()

    load(0, 0)
    wait_load(0)
    load(1, 1)
    plsc.subcore_barrier()
    gather(0)

    def body(c, _):
        for p in (0, 1):
            @pl.when(c % 2 == p)
            def _(p=p):
                @pl.when(c + 1 < nch)
                def _():
                    wait_load(1 - p)
                @pl.when(c > 0)
                def _():
                    wait_scat(1 - p)
                @pl.when(c + 1 < nch)
                def _():
                    gather(1 - p)
                wait_gather(p)
                scat(c, p)
                @pl.when(c + 2 < nch)
                def _():
                    load(c + 2, p)
        return 0
    lax.fori_loop(0, nch, body, 0)
    @pl.when(nch % 2 == 1)
    def _():
        wait_scat(0)
    @pl.when(nch % 2 == 0)
    def _():
        wait_scat(1)
    plsc.subcore_barrier()

    pltpu.sync_copy(acc.at[sl], out_hbm.at[cid, sl])
    @pl.when(sid == NS - 1)
    def _():
        rem = pl.ds(RPS * NS, NREM)
        pltpu.sync_copy(acc.at[rem], out_hbm.at[cid, rem])



_RB = 1000
_GRID = N // _RB

_deg_spec = pl.BlockSpec((NC, 2, _RB, 16), lambda r: (0, 0, r, 0))
_half_spec = pl.BlockSpec((2, _RB, DH), lambda r: (0, r, 0))


def _norms(degref):
    deg_out = degref[0, 0, :, :1] + degref[1, 0, :, :1]
    deg_in = degref[0, 1, :, :1] + degref[1, 1, :, :1]
    n_out = lax.rsqrt(jnp.maximum(deg_out, 1.0))
    n_in = lax.rsqrt(jnp.maximum(deg_in, 1.0))
    return n_out, n_in


def _tc1_body(x_ref, w_ref, deg_ref, y_ref):
    n_out, _ = _norms(deg_ref)
    xv = x_ref[...]
    y_ref[0] = jnp.dot(xv, w_ref[:, :DH],
                       preferred_element_type=jnp.float32) * n_out
    y_ref[1] = jnp.dot(xv, w_ref[:, DH:],
                       preferred_element_type=jnp.float32) * n_out


_tc1 = pl.pallas_call(
    _tc1_body,
    grid=(_GRID,),
    in_specs=[
        pl.BlockSpec((_RB, D), lambda r: (r, 0)),
        pl.BlockSpec((D, D), lambda r: (0, 0)),
        _deg_spec,
    ],
    out_specs=_half_spec,
    out_shape=jax.ShapeDtypeStruct((2, N, DH), jnp.float32),
)


def _tc2_body(p_ref, deg_ref, y_ref):
    n_out, n_in = _norms(deg_ref)
    for i in range(2):
        h = jnp.maximum(p_ref[i] * n_in, 0.0)
        y_ref[i] = h * n_out


_tc2 = pl.pallas_call(
    _tc2_body,
    grid=(_GRID,),
    in_specs=[_half_spec, _deg_spec],
    out_specs=_half_spec,
    out_shape=jax.ShapeDtypeStruct((2, N, DH), jnp.float32),
)


def _tc3_body(p_ref, deg_ref, wmu_ref, wlv_ref, eps_ref, z_ref, mu_ref,
              lv_ref):
    _, n_in = _norms(deg_ref)
    a_lo = p_ref[0] * n_in
    a_hi = p_ref[1] * n_in
    mu = (jnp.dot(a_lo, wmu_ref[:DH, :], preferred_element_type=jnp.float32)
          + jnp.dot(a_hi, wmu_ref[DH:, :], preferred_element_type=jnp.float32))
    lv = (jnp.dot(a_lo, wlv_ref[:DH, :], preferred_element_type=jnp.float32)
          + jnp.dot(a_hi, wlv_ref[DH:, :], preferred_element_type=jnp.float32))
    mu_ref[...] = mu
    lv_ref[...] = lv
    z_ref[...] = mu + jnp.exp(0.5 * lv) * eps_ref[...]


_tc3 = pl.pallas_call(
    _tc3_body,
    grid=(_GRID,),
    in_specs=[
        _half_spec,
        _deg_spec,
        pl.BlockSpec((D, DZ), lambda r: (0, 0)),
        pl.BlockSpec((D, DZ), lambda r: (0, 0)),
        pl.BlockSpec((_RB, DZ), lambda r: (r, 0)),
    ],
    out_specs=[
        pl.BlockSpec((_RB, DZ), lambda r: (r, 0)),
        pl.BlockSpec((_RB, DZ), lambda r: (r, 0)),
        pl.BlockSpec((_RB, DZ), lambda r: (r, 0)),
    ],
    out_shape=[
        jax.ShapeDtypeStruct((N, DZ), jnp.float32),
        jax.ShapeDtypeStruct((N, DZ), jnp.float32),
        jax.ShapeDtypeStruct((N, DZ), jnp.float32),
    ],
)


def kernel(x, edge_index, W1, W_mu, W_logvar):
    src = edge_index[0]
    dst = edge_index[1]
    zeros16 = jnp.zeros((RPS, 16), jnp.float32)
    ones16 = jnp.ones((CH, 16), jnp.float32)
    zeros64 = jnp.zeros((RPS, DH), jnp.float32)

    degs = _deg_kernel(src, dst, zeros16, ones16)
    y1 = _tc1(x, W1, degs)
    p1 = _agg_kernel(y1, src, dst, zeros64)
    y2 = _tc2(p1, degs)
    p2 = _agg_kernel(y2, src, dst, zeros64)
    eps = jax.random.normal(jax.random.key(42), (N, DZ), dtype=jnp.float32)
    z, mu, lv = _tc3(p2, degs, W_mu, W_logvar, eps)
    return z, mu, lv

# --- scband reference (transcript-rebuilt; emitter-appended) ---
"""Pipeline reference for scband-encoder-41025527611536 (READ-ONLY COPY).

The authoritative reference and input builder live on the scoring server;
editing this copy changes nothing except your own understanding.
"""

import jax, jax.numpy as jnp
import numpy as np

N_NODES = 10000
N_EDGES = 320000
D_IN = 128
D_HID = 128
D_Z = 64


def setup_inputs(seed: int = 0) -> dict:
    key = jax.random.key(seed)
    k1, k2, k3, k4, k5 = jax.random.split(key, 5)
    x = jax.random.normal(k1, (N_NODES, D_IN), dtype=jnp.float32)
    edge_index = jax.random.randint(k2, (2, N_EDGES), 0, N_NODES, dtype=jnp.int32)
    # GraphConv weights (bias=False), glorot-ish init
    W1 = jax.random.normal(k3, (D_IN, D_HID), dtype=jnp.float32) * (1.0 / np.sqrt(D_IN))
    W_mu = jax.random.normal(k4, (D_HID, D_Z), dtype=jnp.float32) * (1.0 / np.sqrt(D_HID))
    W_logvar = jax.random.normal(k5, (D_HID, D_Z), dtype=jnp.float32) * (1.0 / np.sqrt(D_HID))
    return {"x": x, "edge_index": edge_index, "W1": W1, "W_mu": W_mu, "W_logvar": W_logvar}


def _gcn_layer(x, W, src, dst, n_nodes):
    # DGL GraphConv with norm='both', bias=False:
    # h = D_in^{-1/2} * A * D_out^{-1/2} * X * W
    ones = jnp.ones((src.shape[0],), dtype=jnp.float32)
    deg_out = jnp.zeros((n_nodes,), dtype=jnp.float32).at[src].add(ones)
    deg_in = jnp.zeros((n_nodes,), dtype=jnp.float32).at[dst].add(ones)
    norm_out = 1.0 / jnp.sqrt(jnp.clip(deg_out, 1.0))
    norm_in = 1.0 / jnp.sqrt(jnp.clip(deg_in, 1.0))
    xw = x @ W  # weight applied first (in_feats >= out_feats path)
    m = jnp.take(xw, src, axis=0) * norm_out[src][:, None]
    agg = jax.ops.segment_sum(m, dst, num_segments=n_nodes)
    return agg * norm_in[:, None]


def reference(x, edge_index, W1, W_mu, W_logvar):
    src = edge_index[0]
    dst = edge_index[1]
    n = x.shape[0]
    # hidden GraphConv layer + relu (dropout is identity in eval mode)
    h = jax.nn.relu(_gcn_layer(x, W1, src, dst, n))
    # GaussianSample: two GraphConv heads for mu and log_var + reparameterization
    mu = _gcn_layer(h, W_mu, src, dst, n)
    log_var = _gcn_layer(h, W_logvar, src, dst, n)
    eps = jax.random.normal(jax.random.key(42), mu.shape, dtype=mu.dtype)
    z = mu + jnp.exp(0.5 * log_var) * eps
    return z, mu, log_var

if __name__ == "__main__":
    import jax
    _d = setup_inputs()
    print(jax.jit(kernel)(*tuple(_d.values())))

</pallas_src>

<mosaic_0001>
#map = affine_map<(d0, d1) -> (0)>
#map1 = affine_map<(d0, d1) -> (0, 0)>
#map2 = affine_map<(d0, d1) -> (0, 0, 0, 0)>
module attributes {stable_mosaic.version = 14 : i64} {
  func.func @_deg_kernel(%arg0: i32, %arg1: i32, %arg2: memref<320000xi32, #tpu.memory_space<hbm>>, %arg3: memref<320000xi32, #tpu.memory_space<hbm>>, %arg4: memref<624x16xf32, #tpu.memory_space<hbm>>, %arg5: memref<128x16xf32, #tpu.memory_space<hbm>>, %arg6: memref<2x2x10000x16xf32, #tpu.memory_space<hbm>>, %arg7: memref<128xi32, #tpu.memory_space<vmem>>, %arg8: memref<128xi32, #tpu.memory_space<vmem>>, %arg9: memref<128xi32, #tpu.memory_space<vmem>>, %arg10: memref<128xi32, #tpu.memory_space<vmem>>, %arg11: memref<128x16xf32, #tpu.memory_space<vmem>>, %arg12: memref<10128x16xf32, #tpu.memory_space<vmem_shared>>, %arg13: memref<10128x16xf32, #tpu.memory_space<vmem_shared>>, %arg14: memref<!tpu.dma_semaphore, #tpu.memory_space<semaphore_mem>>, %arg15: memref<!tpu.dma_semaphore, #tpu.memory_space<semaphore_mem>>, %arg16: memref<!tpu.dma_semaphore, #tpu.memory_space<semaphore_mem>>, %arg17: memref<!tpu.dma_semaphore, #tpu.memory_space<semaphore_mem>>) attributes {dimension_semantics = [#tpu.dimension_semantics<core_parallel>, #tpu.dimension_semantics<subcore_parallel>], iteration_bounds = array<i64: 2, 16>, scalar_prefetch = 0 : i64, scratch_operands = 11 : i64, tpu.core_type = #tpu.core_type<sc_vector_subcore>, window_params = [{transform_indices = #map}, {transform_indices = #map}, {transform_indices = #map1}, {transform_indices = #map1}, {transform_indices = #map2}]} {
    %mul3A = arith.constant 16 : i32
    %mul3A_0 = arith.muli %arg0, %mul3A : i32
    %add3A = arith.addi %mul3A_0, %arg1 : i32
    %sub3A = arith.constant 28 : i32
    %sub3A_1 = arith.subi %add3A, %sub3A : i32
    %max3A = arith.constant 0 : i32
    %max3A_2 = arith.maxsi %sub3A_1, %max3A : i32
    %ge3A = arith.constant 28 : i32
    %ge3A_3 = arith.cmpi sge, %add3A, %ge3A : i32
    %jit3A = arith.constant 1 : i32
    %jit3A_4 = arith.constant 0 : i32
    %select_n3A = arith.select %ge3A_3, %jit3A, %jit3A_4 : i32
    %add3A_5 = arith.constant 78 : i32
    %add3A_6 = arith.addi %add3A_5, %select_n3A : i32
    %mul3A_7 = arith.constant 78 : i32
    %mul3A_8 = arith.muli %add3A, %mul3A_7 : i32
    %add3A_9 = arith.addi %mul3A_8, %max3A_2 : i32
    %mul3A_10 = arith.constant 128 : i32
    %mul3A_11 = arith.muli %add3A_9, %mul3A_10 : i32
    "tpu.region"() ({
      %run_scoped3A_86 = tpu.sem_alloc : memref<!tpu.dma_semaphore, #tpu.memory_space<semaphore_mem>>
      tpu.enqueue_dma source(%arg5 : memref<128x16xf32, #tpu.memory_space<hbm>>) target(%arg11 : memref<128x16xf32, #tpu.memory_space<vmem>>) target_semaphore(%run_scoped3A_86 : memref<!tpu.dma_semaphore, #tpu.memory_space<semaphore_mem>>)
      tpu.wait_dma2 semaphore(%run_scoped3A_86 : memref<!tpu.dma_semaphore, #tpu.memory_space<semaphore_mem>>) src(%arg5 : memref<128x16xf32, #tpu.memory_space<hbm>>) dst(%arg11 : memref<128x16xf32, #tpu.memory_space<vmem>>)
      tpu.yield
    }) : () -> ()
    %mul3A_12 = arith.constant 624 : i32
    %mul3A_13 = arith.muli %arg1, %mul3A_12 : i32
    "tpu.region"() ({
      %run_scoped3A_86 = tpu.sem_alloc : memref<!tpu.dma_semaphore, #tpu.memory_space<semaphore_mem>>
      %dma_start3A_87 = arith.constant 0 : i32
      %dma_start3A_88 = tpu.memref_slice %arg12[%mul3A_13, %dma_start3A_87] : memref<10128x16xf32, #tpu.memory_space<vmem_shared>> -> memref<624x16xf32, #tpu.memory_space<vmem_shared>>
      tpu.enqueue_dma source(%arg4 : memref<624x16xf32, #tpu.memory_space<hbm>>) target(%dma_start3A_88 : memref<624x16xf32, #tpu.memory_space<vmem_shared>>) target_semaphore(%run_scoped3A_86 : memref<!tpu.dma_semaphore, #tpu.memory_space<semaphore_mem>>)
      %dma_wait3A = arith.constant 0 : i32
      %dma_wait3A_89 = tpu.memref_slice %arg12[%mul3A_13, %dma_wait3A] : memref<10128x16xf32, #tpu.memory_space<vmem_shared>> -> memref<624x16xf32, #tpu.memory_space<vmem_shared>>
      tpu.wait_dma2 semaphore(%run_scoped3A_86 : memref<!tpu.dma_semaphore, #tpu.memory_space<semaphore_mem>>) src(%arg4 : memref<624x16xf32, #tpu.memory_space<hbm>>) dst(%dma_wait3A_89 : memref<624x16xf32, #tpu.memory_space<vmem_shared>>)
      tpu.yield
    }) : () -> ()
    %eq3A = arith.constant 15 : i32
    %eq3A_14 = arith.cmpi eq, %arg1, %eq3A : i32
    %convert_element_type3A = arith.extui %eq3A_14 : i1 to i32
    %cond3A = arith.constant 0 : i32
    %cond3A_15 = arith.cmpi ne, %convert_element_type3A, %cond3A : i32
    scf.if %cond3A_15 {
      "tpu.region"() ({
        %run_scoped3A_86 = tpu.sem_alloc : memref<!tpu.dma_semaphore, #tpu.memory_space<semaphore_mem>>
        %dma_start3A_87 = arith.constant 9984 : i32
        %dma_start3A_88 = arith.constant 0 : i32
        %dma_start3A_89 = tpu.memref_slice %arg12[%dma_start3A_87, %dma_start3A_88] : memref<10128x16xf32, #tpu.memory_space<vmem_shared>> -> memref<16x16xf32, #tpu.memory_space<vmem_shared>>
        %dma_start3A_90 = arith.constant 0 : i32
        %dma_start3A_91 = arith.constant 0 : i32
        %dma_start3A_92 = tpu.memref_slice %arg4[%dma_start3A_90, %dma_start3A_91] : memref<624x16xf32, #tpu.memory_space<hbm>> -> memref<16x16xf32, #tpu.memory_space<hbm>>
        tpu.enqueue_dma source(%dma_start3A_92 : memref<16x16xf32, #tpu.memory_space<hbm>>) target(%dma_start3A_89 : memref<16x16xf32, #tpu.memory_space<vmem_shared>>) target_semaphore(%run_scoped3A_86 : memref<!tpu.dma_semaphore, #tpu.memory_space<semaphore_mem>>)
        %dma_wait3A = arith.constant 9984 : i32
        %dma_wait3A_93 = arith.constant 0 : i32
        %dma_wait3A_94 = tpu.memref_slice %arg12[%dma_wait3A, %dma_wait3A_93] : memref<10128x16xf32, #tpu.memory_space<vmem_shared>> -> memref<16x16xf32, #tpu.memory_space<vmem_shared>>
        %dma_wait3A_95 = arith.constant 0 : i32
        %dma_wait3A_96 = arith.constant 0 : i32
        %dma_wait3A_97 = tpu.memref_slice %arg4[%dma_wait3A_95, %dma_wait3A_96] : memref<624x16xf32, #tpu.memory_space<hbm>> -> memref<16x16xf32, #tpu.memory_space<hbm>>
        tpu.wait_dma2 semaphore(%run_scoped3A_86 : memref<!tpu.dma_semaphore, #tpu.memory_space<semaphore_mem>>) src(%dma_wait3A_97 : memref<16x16xf32, #tpu.memory_space<hbm>>) dst(%dma_wait3A_94 : memref<16x16xf32, #tpu.memory_space<vmem_shared>>)
        tpu.yield
      }) : () -> ()
    } else {
    }
    %mul3A_16 = arith.constant 624 : i32
    %mul3A_17 = arith.muli %arg1, %mul3A_16 : i32
    "tpu.region"() ({
      %run_scoped3A_86 = tpu.sem_alloc : memref<!tpu.dma_semaphore, #tpu.memory_space<semaphore_mem>>
      %dma_start3A_87 = arith.constant 0 : i32
      %dma_start3A_88 = tpu.memref_slice %arg13[%mul3A_17, %dma_start3A_87] : memref<10128x16xf32, #tpu.memory_space<vmem_shared>> -> memref<624x16xf32, #tpu.memory_space<vmem_shared>>
      tpu.enqueue_dma source(%arg4 : memref<624x16xf32, #tpu.memory_space<hbm>>) target(%dma_start3A_88 : memref<624x16xf32, #tpu.memory_space<vmem_shared>>) target_semaphore(%run_scoped3A_86 : memref<!tpu.dma_semaphore, #tpu.memory_space<semaphore_mem>>)
      %dma_wait3A = arith.constant 0 : i32
      %dma_wait3A_89 = tpu.memref_slice %arg13[%mul3A_17, %dma_wait3A] : memref<10128x16xf32, #tpu.memory_space<vmem_shared>> -> memref<624x16xf32, #tpu.memory_space<vmem_shared>>
      tpu.wait_dma2 semaphore(%run_scoped3A_86 : memref<!tpu.dma_semaphore, #tpu.memory_space<semaphore_mem>>) src(%arg4 : memref<624x16xf32, #tpu.memory_space<hbm>>) dst(%dma_wait3A_89 : memref<624x16xf32, #tpu.memory_space<vmem_shared>>)
      tpu.yield
    }) : () -> ()
    %eq3A_18 = arith.constant 15 : i32
    %eq3A_19 = arith.cmpi eq, %arg1, %eq3A_18 : i32
    %convert_element_type3A_20 = arith.extui %eq3A_19 : i1 to i32
    %cond3A_21 = arith.constant 0 : i32
    %cond3A_22 = arith.cmpi ne, %convert_element_type3A_20, %cond3A_21 : i32
    scf.if %cond3A_22 {
      "tpu.region"() ({
        %run_scoped3A_86 = tpu.sem_alloc : memref<!tpu.dma_semaphore, #tpu.memory_space<semaphore_mem>>
        %dma_start3A_87 = arith.constant 9984 : i32
        %dma_start3A_88 = arith.constant 0 : i32
        %dma_start3A_89 = tpu.memref_slice %arg13[%dma_start3A_87, %dma_start3A_88] : memref<10128x16xf32, #tpu.memory_space<vmem_shared>> -> memref<16x16xf32, #tpu.memory_space<vmem_shared>>
        %dma_start3A_90 = arith.constant 0 : i32
        %dma_start3A_91 = arith.constant 0 : i32
        %dma_start3A_92 = tpu.memref_slice %arg4[%dma_start3A_90, %dma_start3A_91] : memref<624x16xf32, #tpu.memory_space<hbm>> -> memref<16x16xf32, #tpu.memory_space<hbm>>
        tpu.enqueue_dma source(%dma_start3A_92 : memref<16x16xf32, #tpu.memory_space<hbm>>) target(%dma_start3A_89 : memref<16x16xf32, #tpu.memory_space<vmem_shared>>) target_semaphore(%run_scoped3A_86 : memref<!tpu.dma_semaphore, #tpu.memory_space<semaphore_mem>>)
        %dma_wait3A = arith.constant 9984 : i32
        %dma_wait3A_93 = arith.constant 0 : i32
        %dma_wait3A_94 = tpu.memref_slice %arg13[%dma_wait3A, %dma_wait3A_93] : memref<10128x16xf32, #tpu.memory_space<vmem_shared>> -> memref<16x16xf32, #tpu.memory_space<vmem_shared>>
        %dma_wait3A_95 = arith.constant 0 : i32
        %dma_wait3A_96 = arith.constant 0 : i32
        %dma_wait3A_97 = tpu.memref_slice %arg4[%dma_wait3A_95, %dma_wait3A_96] : memref<624x16xf32, #tpu.memory_space<hbm>> -> memref<16x16xf32, #tpu.memory_space<hbm>>
        tpu.wait_dma2 semaphore(%run_scoped3A_86 : memref<!tpu.dma_semaphore, #tpu.memory_space<semaphore_mem>>) src(%dma_wait3A_97 : memref<16x16xf32, #tpu.memory_space<hbm>>) dst(%dma_wait3A_94 : memref<16x16xf32, #tpu.memory_space<vmem_shared>>)
        tpu.yield
      }) : () -> ()
    } else {
    }
    %barrier3A = arith.constant 0 : index
    tpu.barrier barrier_id(%barrier3A)
    %add3A_23 = arith.constant 0 : i32
    %add3A_24 = arith.addi %mul3A_11, %add3A_23 : i32
    %dma_start3A = tpu.memref_slice %arg2[%add3A_24] : memref<320000xi32, #tpu.memory_space<hbm>> -> memref<128xi32, #tpu.memory_space<hbm>>
    %dma_start3A_25 = tpu.memref_slice %arg2[%add3A_24] : memref<320000xi32, #tpu.memory_space<hbm>> -> memref<128xi32, #tpu.memory_space<hbm>>
    tpu.enqueue_dma source(%dma_start3A_25 : memref<128xi32, #tpu.memory_space<hbm>>) target(%arg7 : memref<128xi32, #tpu.memory_space<vmem>>) target_semaphore(%arg14 : memref<!tpu.dma_semaphore, #tpu.memory_space<semaphore_mem>>)
    %dma_start3A_26 = tpu.memref_slice %arg3[%add3A_24] : memref<320000xi32, #tpu.memory_space<hbm>> -> memref<128xi32, #tpu.memory_space<hbm>>
    %dma_start3A_27 = tpu.memref_slice %arg3[%add3A_24] : memref<320000xi32, #tpu.memory_space<hbm>> -> memref<128xi32, #tpu.memory_space<hbm>>
    tpu.enqueue_dma source(%dma_start3A_27 : memref<128xi32, #tpu.memory_space<hbm>>) target(%arg9 : memref<128xi32, #tpu.memory_space<vmem>>) target_semaphore(%arg14 : memref<!tpu.dma_semaphore, #tpu.memory_space<semaphore_mem>>)
    %while3A = arith.constant 0 : i32
    %while3A_28 = arith.constant 0 : i32
    %while3A_29 = arith.subi %add3A_6, %while3A : i32
    %while3A_30 = arith.addi %while3A, %while3A_29 : i32
    %while3A_31 = arith.constant 1 : i32
    %while3A_32 = arith.divsi %while3A_29, %while3A_31 : i32
    %while3A_33 = arith.muli %while3A_32, %while3A_31 : i32
    %while3A_34 = arith.addi %while3A, %while3A_33 : i32
    %while3A_35 = arith.constant 1 : i32
    %while3A_36 = scf.for %while3A_86 = %while3A to %while3A_34 step %while3A_35 iter_args(%while3A_87 = %while3A_28) -> (i32)  : i32 {
      %jit3A_88 = arith.constant 2 : i32
      %eq3A_89 = arith.constant 0 : i32
      %eq3A_90 = arith.cmpi eq, %jit3A_88, %eq3A_89 : i32
      %jit3A_91 = arith.constant 1 : i32
      %select_n3A_92 = arith.select %eq3A_90, %jit3A_91, %jit3A_88 : i32
      %rem3A_93 = arith.remsi %while3A_86, %select_n3A_92 : i32
      %ne3A_94 = arith.constant 0 : i32
      %ne3A_95 = arith.cmpi ne, %rem3A_93, %ne3A_94 : i32
      %lt3A_96 = arith.constant 0 : i32
      %lt3A_97 = arith.cmpi slt, %rem3A_93, %lt3A_96 : i32
      %lt3A_98 = arith.constant 0 : i32
      %lt3A_99 = arith.cmpi slt, %select_n3A_92, %lt3A_98 : i32
      %ne3A_100 = arith.xori %lt3A_97, %lt3A_99 : i1
      %and3A_101 = arith.andi %ne3A_100, %ne3A_95 : i1
      %add3A_102 = arith.addi %rem3A_93, %select_n3A_92 : i32
      %select_n3A_103 = arith.select %and3A_101, %add3A_102, %rem3A_93 : i32
      %eq3A_104 = arith.constant 0 : i32
      %eq3A_105 = arith.cmpi eq, %select_n3A_103, %eq3A_104 : i32
      %convert_element_type3A_106 = arith.extui %eq3A_105 : i1 to i32
      %cond3A_107 = arith.constant 0 : i32
      %cond3A_108 = arith.cmpi ne, %convert_element_type3A_106, %cond3A_107 : i32
      scf.if %cond3A_108 {
        %dma_wait3A = arith.constant 0 : i32
        %dma_wait3A_131 = tpu.memref_slice %arg2[%dma_wait3A] : memref<320000xi32, #tpu.memory_space<hbm>> -> memref<128xi32, #tpu.memory_space<hbm>>
        %dma_wait3A_132 = arith.constant 0 : i32
        %dma_wait3A_133 = tpu.memref_slice %arg2[%dma_wait3A_132] : memref<320000xi32, #tpu.memory_space<hbm>> -> memref<128xi32, #tpu.memory_space<hbm>>
        tpu.wait_dma2 semaphore(%arg14 : memref<!tpu.dma_semaphore, #tpu.memory_space<semaphore_mem>>) src(%dma_wait3A_133 : memref<128xi32, #tpu.memory_space<hbm>>) dst(%arg7 : memref<128xi32, #tpu.memory_space<vmem>>)
        %dma_wait3A_134 = arith.constant 0 : i32
        %dma_wait3A_135 = tpu.memref_slice %arg3[%dma_wait3A_134] : memref<320000xi32, #tpu.memory_space<hbm>> -> memref<128xi32, #tpu.memory_space<hbm>>
        %dma_wait3A_136 = arith.constant 0 : i32
        %dma_wait3A_137 = tpu.memref_slice %arg3[%dma_wait3A_136] : memref<320000xi32, #tpu.memory_space<hbm>> -> memref<128xi32, #tpu.memory_space<hbm>>
        tpu.wait_dma2 semaphore(%arg14 : memref<!tpu.dma_semaphore, #tpu.memory_space<semaphore_mem>>) src(%dma_wait3A_137 : memref<128xi32, #tpu.memory_space<hbm>>) dst(%arg9 : memref<128xi32, #tpu.memory_space<vmem>>)
        %dma_start3A_138 = arith.constant 0 : i32
        %dma_start3A_139 = arith.constant 0 : i32
        %dma_start3A_140 = tpu.memref_slice %arg12[%dma_start3A_138, %dma_start3A_139] : memref<10128x16xf32, #tpu.memory_space<vmem_shared>> -> memref<10128x16xf32, #tpu.memory_space<vmem_shared>>
        tpu.enqueue_indirect_dma source(%arg11 : memref<128x16xf32, #tpu.memory_space<vmem>>) target(%dma_start3A_140 : memref<10128x16xf32, #tpu.memory_space<vmem_shared>>) offsets(%arg7 : memref<128xi32, #tpu.memory_space<vmem>>) semaphore(%arg16 : memref<!tpu.dma_semaphore, #tpu.memory_space<semaphore_mem>>) {add = true}
        %dma_start3A_141 = arith.constant 0 : i32
        %dma_start3A_142 = arith.constant 0 : i32
        %dma_start3A_143 = tpu.memref_slice %arg13[%dma_start3A_141, %dma_start3A_142] : memref<10128x16xf32, #tpu.memory_space<vmem_shared>> -> memref<10128x16xf32, #tpu.memory_space<vmem_shared>>
        tpu.enqueue_indirect_dma source(%arg11 : memref<128x16xf32, #tpu.memory_space<vmem>>) target(%dma_start3A_143 : memref<10128x16xf32, #tpu.memory_space<vmem_shared>>) offsets(%arg9 : memref<128xi32, #tpu.memory_space<vmem>>) semaphore(%arg16 : memref<!tpu.dma_semaphore, #tpu.memory_space<semaphore_mem>>) {add = true}
        %gt3A = arith.constant 0 : i32
        %gt3A_144 = arith.cmpi sgt, %while3A_86, %gt3A : i32
        %convert_element_type3A_145 = arith.extui %gt3A_144 : i1 to i32
        %cond3A_146 = arith.constant 0 : i32
        %cond3A_147 = arith.cmpi ne, %convert_element_type3A_145, %cond3A_146 : i32
        scf.if %cond3A_147 {
          %dma_wait3A_154 = arith.constant 0 : i32
          %dma_wait3A_155 = arith.constant 0 : i32
          %dma_wait3A_156 = tpu.memref_slice %arg12[%dma_wait3A_154, %dma_wait3A_155] : memref<10128x16xf32, #tpu.memory_space<vmem_shared>> -> memref<10128x16xf32, #tpu.memory_space<vmem_shared>>
          tpu.wait_indirect_dma semaphore(%arg17 : memref<!tpu.dma_semaphore, #tpu.memory_space<semaphore_mem>>) src(%arg11 : memref<128x16xf32, #tpu.memory_space<vmem>>) dst(%dma_wait3A_156 : memref<10128x16xf32, #tpu.memory_space<vmem_shared>>)
          %dma_wait3A_157 = arith.constant 0 : i32
          %dma_wait3A_158 = arith.constant 0 : i32
          %dma_wait3A_159 = tpu.memref_slice %arg13[%dma_wait3A_157, %dma_wait3A_158] : memref<10128x16xf32, #tpu.memory_space<vmem_shared>> -> memref<10128x16xf32, #tpu.memory_space<vmem_shared>>
          tpu.wait_indirect_dma semaphore(%arg17 : memref<!tpu.dma_semaphore, #tpu.memory_space<semaphore_mem>>) src(%arg11 : memref<128x16xf32, #tpu.memory_space<vmem>>) dst(%dma_wait3A_159 : memref<10128x16xf32, #tpu.memory_space<vmem_shared>>)
        } else {
        }
        %add3A_148 = arith.constant 1 : i32
        %add3A_149 = arith.addi %while3A_86, %add3A_148 : i32
        %lt3A_150 = arith.cmpi slt, %add3A_149, %add3A_6 : i32
        %convert_element_type3A_151 = arith.extui %lt3A_150 : i1 to i32
        %cond3A_152 = arith.constant 0 : i32
        %cond3A_153 = arith.cmpi ne, %convert_element_type3A_151, %cond3A_152 : i32
        scf.if %cond3A_153 {
          %add3A_154 = arith.constant 1 : i32
          %add3A_155 = arith.addi %while3A_86, %add3A_154 : i32
          %mul3A_156 = arith.constant 128 : i32
          %mul3A_157 = arith.muli %add3A_155, %mul3A_156 : i32
          %add3A_158 = arith.addi %mul3A_11, %mul3A_157 : i32
          %dma_start3A_159 = tpu.memref_slice %arg2[%add3A_158] : memref<320000xi32, #tpu.memory_space<hbm>> -> memref<128xi32, #tpu.memory_space<hbm>>
          %dma_start3A_160 = tpu.memref_slice %arg2[%add3A_158] : memref<320000xi32, #tpu.memory_space<hbm>> -> memref<128xi32, #tpu.memory_space<hbm>>
          tpu.enqueue_dma source(%dma_start3A_160 : memref<128xi32, #tpu.memory_space<hbm>>) target(%arg8 : memref<128xi32, #tpu.memory_space<vmem>>) target_semaphore(%arg15 : memref<!tpu.dma_semaphore, #tpu.memory_space<semaphore_mem>>)
          %dma_start3A_161 = tpu.memref_slice %arg3[%add3A_158] : memref<320000xi32, #tpu.memory_space<hbm>> -> memref<128xi32, #tpu.memory_space<hbm>>
          %dma_start3A_162 = tpu.memref_slice %arg3[%add3A_158] : memref<320000xi32, #tpu.memory_space<hbm>> -> memref<128xi32, #tpu.memory_space<hbm>>
          tpu.enqueue_dma source(%dma_start3A_162 : memref<128xi32, #tpu.memory_space<hbm>>) target(%arg10 : memref<128xi32, #tpu.memory_space<vmem>>) target_semaphore(%arg15 : memref<!tpu.dma_semaphore, #tpu.memory_space<semaphore_mem>>)
        } else {
        }
      } else {
      }
      %jit3A_109 = arith.constant 2 : i32
      %eq3A_110 = arith.constant 0 : i32
      %eq3A_111 = arith.cmpi eq, %jit3A_109, %eq3A_110 : i32
      %jit3A_112 = arith.constant 1 : i32
      %select_n3A_113 = arith.select %eq3A_111, %jit3A_112, %jit3A_109 : i32
      %rem3A_114 = arith.remsi %while3A_86, %select_n3A_113 : i32
      %ne3A_115 = arith.constant 0 : i32
      %ne3A_116 = arith.cmpi ne, %rem3A_114, %ne3A_115 : i32
      %lt3A_117 = arith.constant 0 : i32
      %lt3A_118 = arith.cmpi slt, %rem3A_114, %lt3A_117 : i32
      %lt3A_119 = arith.constant 0 : i32
      %lt3A_120 = arith.cmpi slt, %select_n3A_113, %lt3A_119 : i32
      %ne3A_121 = arith.xori %lt3A_118, %lt3A_120 : i1
      %and3A_122 = arith.andi %ne3A_121, %ne3A_116 : i1
      %add3A_123 = arith.addi %rem3A_114, %select_n3A_113 : i32
      %select_n3A_124 = arith.select %and3A_122, %add3A_123, %rem3A_114 : i32
      %eq3A_125 = arith.constant 1 : i32
      %eq3A_126 = arith.cmpi eq, %select_n3A_124, %eq3A_125 : i32
      %convert_element_type3A_127 = arith.extui %eq3A_126 : i1 to i32
      %cond3A_128 = arith.constant 0 : i32
      %cond3A_129 = arith.cmpi ne, %convert_element_type3A_127, %cond3A_128 : i32
      scf.if %cond3A_129 {
        %dma_wait3A = arith.constant 0 : i32
        %dma_wait3A_131 = tpu.memref_slice %arg2[%dma_wait3A] : memref<320000xi32, #tpu.memory_space<hbm>> -> memref<128xi32, #tpu.memory_space<hbm>>
        %dma_wait3A_132 = arith.constant 0 : i32
        %dma_wait3A_133 = tpu.memref_slice %arg2[%dma_wait3A_132] : memref<320000xi32, #tpu.memory_space<hbm>> -> memref<128xi32, #tpu.memory_space<hbm>>
        tpu.wait_dma2 semaphore(%arg15 : memref<!tpu.dma_semaphore, #tpu.memory_space<semaphore_mem>>) src(%dma_wait3A_133 : memref<128xi32, #tpu.memory_space<hbm>>) dst(%arg8 : memref<128xi32, #tpu.memory_space<vmem>>)
        %dma_wait3A_134 = arith.constant 0 : i32
        %dma_wait3A_135 = tpu.memref_slice %arg3[%dma_wait3A_134] : memref<320000xi32, #tpu.memory_space<hbm>> -> memref<128xi32, #tpu.memory_space<hbm>>
        %dma_wait3A_136 = arith.constant 0 : i32
        %dma_wait3A_137 = tpu.memref_slice %arg3[%dma_wait3A_136] : memref<320000xi32, #tpu.memory_space<hbm>> -> memref<128xi32, #tpu.memory_space<hbm>>
        tpu.wait_dma2 semaphore(%arg15 : memref<!tpu.dma_semaphore, #tpu.memory_space<semaphore_mem>>) src(%dma_wait3A_137 : memref<128xi32, #tpu.memory_space<hbm>>) dst(%arg10 : memref<128xi32, #tpu.memory_space<vmem>>)
        %dma_start3A_138 = arith.constant 0 : i32
        %dma_start3A_139 = arith.constant 0 : i32
        %dma_start3A_140 = tpu.memref_slice %arg12[%dma_start3A_138, %dma_start3A_139] : memref<10128x16xf32, #tpu.memory_space<vmem_shared>> -> memref<10128x16xf32, #tpu.memory_space<vmem_shared>>
        tpu.enqueue_indirect_dma source(%arg11 : memref<128x16xf32, #tpu.memory_space<vmem>>) target(%dma_start3A_140 : memref<10128x16xf32, #tpu.memory_space<vmem_shared>>) offsets(%arg8 : memref<128xi32, #tpu.memory_space<vmem>>) semaphore(%arg17 : memref<!tpu.dma_semaphore, #tpu.memory_space<semaphore_mem>>) {add = true}
        %dma_start3A_141 = arith.constant 0 : i32
        %dma_start3A_142 = arith.constant 0 : i32
        %dma_start3A_143 = tpu.memref_slice %arg13[%dma_start3A_141, %dma_start3A_142] : memref<10128x16xf32, #tpu.memory_space<vmem_shared>> -> memref<10128x16xf32, #tpu.memory_space<vmem_shared>>
        tpu.enqueue_indirect_dma source(%arg11 : memref<128x16xf32, #tpu.memory_space<vmem>>) target(%dma_start3A_143 : memref<10128x16xf32, #tpu.memory_space<vmem_shared>>) offsets(%arg10 : memref<128xi32, #tpu.memory_space<vmem>>) semaphore(%arg17 : memref<!tpu.dma_semaphore, #tpu.memory_space<semaphore_mem>>) {add = true}
        %gt3A = arith.constant 0 : i32
        %gt3A_144 = arith.cmpi sgt, %while3A_86, %gt3A : i32
        %convert_element_type3A_145 = arith.extui %gt3A_144 : i1 to i32
        %cond3A_146 = arith.constant 0 : i32
        %cond3A_147 = arith.cmpi ne, %convert_element_type3A_145, %cond3A_146 : i32
        scf.if %cond3A_147 {
          %dma_wait3A_154 = arith.constant 0 : i32
          %dma_wait3A_155 = arith.constant 0 : i32
          %dma_wait3A_156 = tpu.memref_slice %arg12[%dma_wait3A_154, %dma_wait3A_155] : memref<10128x16xf32, #tpu.memory_space<vmem_shared>> -> memref<10128x16xf32, #tpu.memory_space<vmem_shared>>
          tpu.wait_indirect_dma semaphore(%arg16 : memref<!tpu.dma_semaphore, #tpu.memory_space<semaphore_mem>>) src(%arg11 : memref<128x16xf32, #tpu.memory_space<vmem>>) dst(%dma_wait3A_156 : memref<10128x16xf32, #tpu.memory_space<vmem_shared>>)
          %dma_wait3A_157 = arith.constant 0 : i32
          %dma_wait3A_158 = arith.constant 0 : i32
          %dma_wait3A_159 = tpu.memref_slice %arg13[%dma_wait3A_157, %dma_wait3A_158] : memref<10128x16xf32, #tpu.memory_space<vmem_shared>> -> memref<10128x16xf32, #tpu.memory_space<vmem_shared>>
          tpu.wait_indirect_dma semaphore(%arg16 : memref<!tpu.dma_semaphore, #tpu.memory_space<semaphore_mem>>) src(%arg11 : memref<128x16xf32, #tpu.memory_space<vmem>>) dst(%dma_wait3A_159 : memref<10128x16xf32, #tpu.memory_space<vmem_shared>>)
        } else {
        }
        %add3A_148 = arith.constant 1 : i32
        %add3A_149 = arith.addi %while3A_86, %add3A_148 : i32
        %lt3A_150 = arith.cmpi slt, %add3A_149, %add3A_6 : i32
        %convert_element_type3A_151 = arith.extui %lt3A_150 : i1 to i32
        %cond3A_152 = arith.constant 0 : i32
        %cond3A_153 = arith.cmpi ne, %convert_element_type3A_151, %cond3A_152 : i32
        scf.if %cond3A_153 {
          %add3A_154 = arith.constant 1 : i32
          %add3A_155 = arith.addi %while3A_86, %add3A_154 : i32
          %mul3A_156 = arith.constant 128 : i32
          %mul3A_157 = arith.muli %add3A_155, %mul3A_156 : i32
          %add3A_158 = arith.addi %mul3A_11, %mul3A_157 : i32
          %dma_start3A_159 = tpu.memref_slice %arg2[%add3A_158] : memref<320000xi32, #tpu.memory_space<hbm>> -> memref<128xi32, #tpu.memory_space<hbm>>
          %dma_start3A_160 = tpu.memref_slice %arg2[%add3A_158] : memref<320000xi32, #tpu.memory_space<hbm>> -> memref<128xi32, #tpu.memory_space<hbm>>
          tpu.enqueue_dma source(%dma_start3A_160 : memref<128xi32, #tpu.memory_space<hbm>>) target(%arg7 : memref<128xi32, #tpu.memory_space<vmem>>) target_semaphore(%arg14 : memref<!tpu.dma_semaphore, #tpu.memory_space<semaphore_mem>>)
          %dma_start3A_161 = tpu.memref_slice %arg3[%add3A_158] : memref<320000xi32, #tpu.memory_space<hbm>> -> memref<128xi32, #tpu.memory_space<hbm>>
          %dma_start3A_162 = tpu.memref_slice %arg3[%add3A_158] : memref<320000xi32, #tpu.memory_space<hbm>> -> memref<128xi32, #tpu.memory_space<hbm>>
          tpu.enqueue_dma source(%dma_start3A_162 : memref<128xi32, #tpu.memory_space<hbm>>) target(%arg9 : memref<128xi32, #tpu.memory_space<vmem>>) target_semaphore(%arg14 : memref<!tpu.dma_semaphore, #tpu.memory_space<semaphore_mem>>)
        } else {
        }
      } else {
      }
      %while3A_130 = arith.constant 0 : i32
      scf.yield %while3A_130 : i32
    }
    %while3A_37 = arith.constant 1 : i32
    %while3A_38 = scf.for %while3A_86 = %while3A_34 to %while3A_30 step %while3A_37 iter_args(%while3A_87 = %while3A_36) -> (i32)  : i32 {
      %jit3A_88 = arith.constant 2 : i32
      %eq3A_89 = arith.constant 0 : i32
      %eq3A_90 = arith.cmpi eq, %jit3A_88, %eq3A_89 : i32
      %jit3A_91 = arith.constant 1 : i32
      %select_n3A_92 = arith.select %eq3A_90, %jit3A_91, %jit3A_88 : i32
      %rem3A_93 = arith.remsi %while3A_86, %select_n3A_92 : i32
      %ne3A_94 = arith.constant 0 : i32
      %ne3A_95 = arith.cmpi ne, %rem3A_93, %ne3A_94 : i32
      %lt3A_96 = arith.constant 0 : i32
      %lt3A_97 = arith.cmpi slt, %rem3A_93, %lt3A_96 : i32
      %lt3A_98 = arith.constant 0 : i32
      %lt3A_99 = arith.cmpi slt, %select_n3A_92, %lt3A_98 : i32
      %ne3A_100 = arith.xori %lt3A_97, %lt3A_99 : i1
      %and3A_101 = arith.andi %ne3A_100, %ne3A_95 : i1
      %add3A_102 = arith.addi %rem3A_93, %select_n3A_92 : i32
      %select_n3A_103 = arith.select %and3A_101, %add3A_102, %rem3A_93 : i32
      %eq3A_104 = arith.constant 0 : i32
      %eq3A_105 = arith.cmpi eq, %select_n3A_103, %eq3A_104 : i32
      %convert_element_type3A_106 = arith.extui %eq3A_105 : i1 to i32
      %cond3A_107 = arith.constant 0 : i32
      %cond3A_108 = arith.cmpi ne, %convert_element_type3A_106, %cond3A_107 : i32
      scf.if %cond3A_108 {
        %dma_wait3A = arith.constant 0 : i32
        %dma_wait3A_131 = tpu.memref_slice %arg2[%dma_wait3A] : memref<320000xi32, #tpu.memory_space<hbm>> -> memref<128xi32, #tpu.memory_space<hbm>>
        %dma_wait3A_132 = arith.constant 0 : i32
        %dma_wait3A_133 = tpu.memref_slice %arg2[%dma_wait3A_132] : memref<320000xi32, #tpu.memory_space<hbm>> -> memref<128xi32, #tpu.memory_space<hbm>>
        tpu.wait_dma2 semaphore(%arg14 : memref<!tpu.dma_semaphore, #tpu.memory_space<semaphore_mem>>) src(%dma_wait3A_133 : memref<128xi32, #tpu.memory_space<hbm>>) dst(%arg7 : memref<128xi32, #tpu.memory_space<vmem>>)
        %dma_wait3A_134 = arith.constant 0 : i32
        %dma_wait3A_135 = tpu.memref_slice %arg3[%dma_wait3A_134] : memref<320000xi32, #tpu.memory_space<hbm>> -> memref<128xi32, #tpu.memory_space<hbm>>
        %dma_wait3A_136 = arith.constant 0 : i32
        %dma_wait3A_137 = tpu.memref_slice %arg3[%dma_wait3A_136] : memref<320000xi32, #tpu.memory_space<hbm>> -> memref<128xi32, #tpu.memory_space<hbm>>
        tpu.wait_dma2 semaphore(%arg14 : memref<!tpu.dma_semaphore, #tpu.memory_space<semaphore_mem>>) src(%dma_wait3A_137 : memref<128xi32, #tpu.memory_space<hbm>>) dst(%arg9 : memref<128xi32, #tpu.memory_space<vmem>>)
        %dma_start3A_138 = arith.constant 0 : i32
        %dma_start3A_139 = arith.constant 0 : i32
        %dma_start3A_140 = tpu.memref_slice %arg12[%dma_start3A_138, %dma_start3A_139] : memref<10128x16xf32, #tpu.memory_space<vmem_shared>> -> memref<10128x16xf32, #tpu.memory_space<vmem_shared>>
        tpu.enqueue_indirect_dma source(%arg11 : memref<128x16xf32, #tpu.memory_space<vmem>>) target(%dma_start3A_140 : memref<10128x16xf32, #tpu.memory_space<vmem_shared>>) offsets(%arg7 : memref<128xi32, #tpu.memory_space<vmem>>) semaphore(%arg16 : memref<!tpu.dma_semaphore, #tpu.memory_space<semaphore_mem>>) {add = true}
        %dma_start3A_141 = arith.constant 0 : i32
        %dma_start3A_142 = arith.constant 0 : i32
        %dma_start3A_143 = tpu.memref_slice %arg13[%dma_start3A_141, %dma_start3A_142] : memref<10128x16xf32, #tpu.memory_space<vmem_shared>> -> memref<10128x16xf32, #tpu.memory_space<vmem_shared>>
        tpu.enqueue_indirect_dma source(%arg11 : memref<128x16xf32, #tpu.memory_space<vmem>>) target(%dma_start3A_143 : memref<10128x16xf32, #tpu.memory_space<vmem_shared>>) offsets(%arg9 : memref<128xi32, #tpu.memory_space<vmem>>) semaphore(%arg16 : memref<!tpu.dma_semaphore, #tpu.memory_space<semaphore_mem>>) {add = true}
        %gt3A = arith.constant 0 : i32
        %gt3A_144 = arith.cmpi sgt, %while3A_86, %gt3A : i32
        %convert_element_type3A_145 = arith.extui %gt3A_144 : i1 to i32
        %cond3A_146 = arith.constant 0 : i32
        %cond3A_147 = arith.cmpi ne, %convert_element_type3A_145, %cond3A_146 : i32
        scf.if %cond3A_147 {
          %dma_wait3A_154 = arith.constant 0 : i32
          %dma_wait3A_155 = arith.constant 0 : i32
          %dma_wait3A_156 = tpu.memref_slice %arg12[%dma_wait3A_154, %dma_wait3A_155] : memref<10128x16xf32, #tpu.memory_space<vmem_shared>> -> memref<10128x16xf32, #tpu.memory_space<vmem_shared>>
          tpu.wait_indirect_dma semaphore(%arg17 : memref<!tpu.dma_semaphore, #tpu.memory_space<semaphore_mem>>) src(%arg11 : memref<128x16xf32, #tpu.memory_space<vmem>>) dst(%dma_wait3A_156 : memref<10128x16xf32, #tpu.memory_space<vmem_shared>>)
          %dma_wait3A_157 = arith.constant 0 : i32
          %dma_wait3A_158 = arith.constant 0 : i32
          %dma_wait3A_159 = tpu.memref_slice %arg13[%dma_wait3A_157, %dma_wait3A_158] : memref<10128x16xf32, #tpu.memory_space<vmem_shared>> -> memref<10128x16xf32, #tpu.memory_space<vmem_shared>>
          tpu.wait_indirect_dma semaphore(%arg17 : memref<!tpu.dma_semaphore, #tpu.memory_space<semaphore_mem>>) src(%arg11 : memref<128x16xf32, #tpu.memory_space<vmem>>) dst(%dma_wait3A_159 : memref<10128x16xf32, #tpu.memory_space<vmem_shared>>)
        } else {
        }
        %add3A_148 = arith.constant 1 : i32
        %add3A_149 = arith.addi %while3A_86, %add3A_148 : i32
        %lt3A_150 = arith.cmpi slt, %add3A_149, %add3A_6 : i32
        %convert_element_type3A_151 = arith.extui %lt3A_150 : i1 to i32
        %cond3A_152 = arith.constant 0 : i32
        %cond3A_153 = arith.cmpi ne, %convert_element_type3A_151, %cond3A_152 : i32
        scf.if %cond3A_153 {
          %add3A_154 = arith.constant 1 : i32
          %add3A_155 = arith.addi %while3A_86, %add3A_154 : i32
          %mul3A_156 = arith.constant 128 : i32
          %mul3A_157 = arith.muli %add3A_155, %mul3A_156 : i32
          %add3A_158 = arith.addi %mul3A_11, %mul3A_157 : i32
          %dma_start3A_159 = tpu.memref_slice %arg2[%add3A_158] : memref<320000xi32, #tpu.memory_space<hbm>> -> memref<128xi32, #tpu.memory_space<hbm>>
          %dma_start3A_160 = tpu.memref_slice %arg2[%add3A_158] : memref<320000xi32, #tpu.memory_space<hbm>> -> memref<128xi32, #tpu.memory_space<hbm>>
          tpu.enqueue_dma source(%dma_start3A_160 : memref<128xi32, #tpu.memory_space<hbm>>) target(%arg8 : memref<128xi32, #tpu.memory_space<vmem>>) target_semaphore(%arg15 : memref<!tpu.dma_semaphore, #tpu.memory_space<semaphore_mem>>)
          %dma_start3A_161 = tpu.memref_slice %arg3[%add3A_158] : memref<320000xi32, #tpu.memory_space<hbm>> -> memref<128xi32, #tpu.memory_space<hbm>>
          %dma_start3A_162 = tpu.memref_slice %arg3[%add3A_158] : memref<320000xi32, #tpu.memory_space<hbm>> -> memref<128xi32, #tpu.memory_space<hbm>>
          tpu.enqueue_dma source(%dma_start3A_162 : memref<128xi32, #tpu.memory_space<hbm>>) target(%arg10 : memref<128xi32, #tpu.memory_space<vmem>>) target_semaphore(%arg15 : memref<!tpu.dma_semaphore, #tpu.memory_space<semaphore_mem>>)
        } else {
        }
      } else {
      }
      %jit3A_109 = arith.constant 2 : i32
      %eq3A_110 = arith.constant 0 : i32
      %eq3A_111 = arith.cmpi eq, %jit3A_109, %eq3A_110 : i32
      %jit3A_112 = arith.constant 1 : i32
      %select_n3A_113 = arith.select %eq3A_111, %jit3A_112, %jit3A_109 : i32
      %rem3A_114 = arith.remsi %while3A_86, %select_n3A_113 : i32
      %ne3A_115 = arith.constant 0 : i32
      %ne3A_116 = arith.cmpi ne, %rem3A_114, %ne3A_115 : i32
      %lt3A_117 = arith.constant 0 : i32
      %lt3A_118 = arith.cmpi slt, %rem3A_114, %lt3A_117 : i32
      %lt3A_119 = arith.constant 0 : i32
      %lt3A_120 = arith.cmpi slt, %select_n3A_113, %lt3A_119 : i32
      %ne3A_121 = arith.xori %lt3A_118, %lt3A_120 : i1
      %and3A_122 = arith.andi %ne3A_121, %ne3A_116 : i1
      %add3A_123 = arith.addi %rem3A_114, %select_n3A_113 : i32
      %select_n3A_124 = arith.select %and3A_122, %add3A_123, %rem3A_114 : i32
      %eq3A_125 = arith.constant 1 : i32
      %eq3A_126 = arith.cmpi eq, %select_n3A_124, %eq3A_125 : i32
      %convert_element_type3A_127 = arith.extui %eq3A_126 : i1 to i32
      %cond3A_128 = arith.constant 0 : i32
      %cond3A_129 = arith.cmpi ne, %convert_element_type3A_127, %cond3A_128 : i32
      scf.if %cond3A_129 {
        %dma_wait3A = arith.constant 0 : i32
        %dma_wait3A_131 = tpu.memref_slice %arg2[%dma_wait3A] : memref<320000xi32, #tpu.memory_space<hbm>> -> memref<128xi32, #tpu.memory_space<hbm>>
        %dma_wait3A_132 = arith.constant 0 : i32
        %dma_wait3A_133 = tpu.memref_slice %arg2[%dma_wait3A_132] : memref<320000xi32, #tpu.memory_space<hbm>> -> memref<128xi32, #tpu.memory_space<hbm>>
        tpu.wait_dma2 semaphore(%arg15 : memref<!tpu.dma_semaphore, #tpu.memory_space<semaphore_mem>>) src(%dma_wait3A_133 : memref<128xi32, #tpu.memory_space<hbm>>) dst(%arg8 : memref<128xi32, #tpu.memory_space<vmem>>)
        %dma_wait3A_134 = arith.constant 0 : i32
        %dma_wait3A_135 = tpu.memref_slice %arg3[%dma_wait3A_134] : memref<320000xi32, #tpu.memory_space<hbm>> -> memref<128xi32, #tpu.memory_space<hbm>>
        %dma_wait3A_136 = arith.constant 0 : i32
        %dma_wait3A_137 = tpu.memref_slice %arg3[%dma_wait3A_136] : memref<320000xi32, #tpu.memory_space<hbm>> -> memref<128xi32, #tpu.memory_space<hbm>>
        tpu.wait_dma2 semaphore(%arg15 : memref<!tpu.dma_semaphore, #tpu.memory_space<semaphore_mem>>) src(%dma_wait3A_137 : memref<128xi32, #tpu.memory_space<hbm>>) dst(%arg10 : memref<128xi32, #tpu.memory_space<vmem>>)
        %dma_start3A_138 = arith.constant 0 : i32
        %dma_start3A_139 = arith.constant 0 : i32
        %dma_start3A_140 = tpu.memref_slice %arg12[%dma_start3A_138, %dma_start3A_139] : memref<10128x16xf32, #tpu.memory_space<vmem_shared>> -> memref<10128x16xf32, #tpu.memory_space<vmem_shared>>
        tpu.enqueue_indirect_dma source(%arg11 : memref<128x16xf32, #tpu.memory_space<vmem>>) target(%dma_start3A_140 : memref<10128x16xf32, #tpu.memory_space<vmem_shared>>) offsets(%arg8 : memref<128xi32, #tpu.memory_space<vmem>>) semaphore(%arg17 : memref<!tpu.dma_semaphore, #tpu.memory_space<semaphore_mem>>) {add = true}
        %dma_start3A_141 = arith.constant 0 : i32
        %dma_start3A_142 = arith.constant 0 : i32
        %dma_start3A_143 = tpu.memref_slice %arg13[%dma_start3A_141, %dma_start3A_142] : memref<10128x16xf32, #tpu.memory_space<vmem_shared>> -> memref<10128x16xf32, #tpu.memory_space<vmem_shared>>
        tpu.enqueue_indirect_dma source(%arg11 : memref<128x16xf32, #tpu.memory_space<vmem>>) target(%dma_start3A_143 : memref<10128x16xf32, #tpu.memory_space<vmem_shared>>) offsets(%arg10 : memref<128xi32, #tpu.memory_space<vmem>>) semaphore(%arg17 : memref<!tpu.dma_semaphore, #tpu.memory_space<semaphore_mem>>) {add = true}
        %gt3A = arith.constant 0 : i32
        %gt3A_144 = arith.cmpi sgt, %while3A_86, %gt3A : i32
        %convert_element_type3A_145 = arith.extui %gt3A_144 : i1 to i32
        %cond3A_146 = arith.constant 0 : i32
        %cond3A_147 = arith.cmpi ne, %convert_element_type3A_145, %cond3A_146 : i32
        scf.if %cond3A_147 {
          %dma_wait3A_154 = arith.constant 0 : i32
          %dma_wait3A_155 = arith.constant 0 : i32
          %dma_wait3A_156 = tpu.memref_slice %arg12[%dma_wait3A_154, %dma_wait3A_155] : memref<10128x16xf32, #tpu.memory_space<vmem_shared>> -> memref<10128x16xf32, #tpu.memory_space<vmem_shared>>
          tpu.wait_indirect_dma semaphore(%arg16 : memref<!tpu.dma_semaphore, #tpu.memory_space<semaphore_mem>>) src(%arg11 : memref<128x16xf32, #tpu.memory_space<vmem>>) dst(%dma_wait3A_156 : memref<10128x16xf32, #tpu.memory_space<vmem_shared>>)
          %dma_wait3A_157 = arith.constant 0 : i32
          %dma_wait3A_158 = arith.constant 0 : i32
          %dma_wait3A_159 = tpu.memref_slice %arg13[%dma_wait3A_157, %dma_wait3A_158] : memref<10128x16xf32, #tpu.memory_space<vmem_shared>> -> memref<10128x16xf32, #tpu.memory_space<vmem_shared>>
          tpu.wait_indirect_dma semaphore(%arg16 : memref<!tpu.dma_semaphore, #tpu.memory_space<semaphore_mem>>) src(%arg11 : memref<128x16xf32, #tpu.memory_space<vmem>>) dst(%dma_wait3A_159 : memref<10128x16xf32, #tpu.memory_space<vmem_shared>>)
        } else {
        }
        %add3A_148 = arith.constant 1 : i32
        %add3A_149 = arith.addi %while3A_86, %add3A_148 : i32
        %lt3A_150 = arith.cmpi slt, %add3A_149, %add3A_6 : i32
        %convert_element_type3A_151 = arith.extui %lt3A_150 : i1 to i32
        %cond3A_152 = arith.constant 0 : i32
        %cond3A_153 = arith.cmpi ne, %convert_element_type3A_151, %cond3A_152 : i32
        scf.if %cond3A_153 {
          %add3A_154 = arith.constant 1 : i32
          %add3A_155 = arith.addi %while3A_86, %add3A_154 : i32
          %mul3A_156 = arith.constant 128 : i32
          %mul3A_157 = arith.muli %add3A_155, %mul3A_156 : i32
          %add3A_158 = arith.addi %mul3A_11, %mul3A_157 : i32
          %dma_start3A_159 = tpu.memref_slice %arg2[%add3A_158] : memref<320000xi32, #tpu.memory_space<hbm>> -> memref<128xi32, #tpu.memory_space<hbm>>
          %dma_start3A_160 = tpu.memref_slice %arg2[%add3A_158] : memref<320000xi32, #tpu.memory_space<hbm>> -> memref<128xi32, #tpu.memory_space<hbm>>
          tpu.enqueue_dma source(%dma_start3A_160 : memref<128xi32, #tpu.memory_space<hbm>>) target(%arg7 : memref<128xi32, #tpu.memory_space<vmem>>) target_semaphore(%arg14 : memref<!tpu.dma_semaphore, #tpu.memory_space<semaphore_mem>>)
          %dma_start3A_161 = tpu.memref_slice %arg3[%add3A_158] : memref<320000xi32, #tpu.memory_space<hbm>> -> memref<128xi32, #tpu.memory_space<hbm>>
          %dma_start3A_162 = tpu.memref_slice %arg3[%add3A_158] : memref<320000xi32, #tpu.memory_space<hbm>> -> memref<128xi32, #tpu.memory_space<hbm>>
          tpu.enqueue_dma source(%dma_start3A_162 : memref<128xi32, #tpu.memory_space<hbm>>) target(%arg9 : memref<128xi32, #tpu.memory_space<vmem>>) target_semaphore(%arg14 : memref<!tpu.dma_semaphore, #tpu.memory_space<semaphore_mem>>)
        } else {
        }
      } else {
      }
      %while3A_130 = arith.constant 0 : i32
      scf.yield %while3A_130 : i32
    }
    %jit3A_39 = arith.constant 2 : i32
    %eq3A_40 = arith.constant 0 : i32
    %eq3A_41 = arith.cmpi eq, %jit3A_39, %eq3A_40 : i32
    %jit3A_42 = arith.constant 1 : i32
    %select_n3A_43 = arith.select %eq3A_41, %jit3A_42, %jit3A_39 : i32
    %rem3A = arith.remsi %add3A_6, %select_n3A_43 : i32
    %ne3A = arith.constant 0 : i32
    %ne3A_44 = arith.cmpi ne, %rem3A, %ne3A : i32
    %lt3A = arith.constant 0 : i32
    %lt3A_45 = arith.cmpi slt, %rem3A, %lt3A : i32
    %lt3A_46 = arith.constant 0 : i32
    %lt3A_47 = arith.cmpi slt, %select_n3A_43, %lt3A_46 : i32
    %ne3A_48 = arith.xori %lt3A_45, %lt3A_47 : i1
    %and3A = arith.andi %ne3A_48, %ne3A_44 : i1
    %add3A_49 = arith.addi %rem3A, %select_n3A_43 : i32
    %select_n3A_50 = arith.select %and3A, %add3A_49, %rem3A : i32
    %eq3A_51 = arith.constant 1 : i32
    %eq3A_52 = arith.cmpi eq, %select_n3A_50, %eq3A_51 : i32
    %convert_element_type3A_53 = arith.extui %eq3A_52 : i1 to i32
    %cond3A_54 = arith.constant 0 : i32
    %cond3A_55 = arith.cmpi ne, %convert_element_type3A_53, %cond3A_54 : i32
    scf.if %cond3A_55 {
      %dma_wait3A = arith.constant 0 : i32
      %dma_wait3A_86 = arith.constant 0 : i32
      %dma_wait3A_87 = tpu.memref_slice %arg12[%dma_wait3A, %dma_wait3A_86] : memref<10128x16xf32, #tpu.memory_space<vmem_shared>> -> memref<10128x16xf32, #tpu.memory_space<vmem_shared>>
      tpu.wait_indirect_dma semaphore(%arg16 : memref<!tpu.dma_semaphore, #tpu.memory_space<semaphore_mem>>) src(%arg11 : memref<128x16xf32, #tpu.memory_space<vmem>>) dst(%dma_wait3A_87 : memref<10128x16xf32, #tpu.memory_space<vmem_shared>>)
      %dma_wait3A_88 = arith.constant 0 : i32
      %dma_wait3A_89 = arith.constant 0 : i32
      %dma_wait3A_90 = tpu.memref_slice %arg13[%dma_wait3A_88, %dma_wait3A_89] : memref<10128x16xf32, #tpu.memory_space<vmem_shared>> -> memref<10128x16xf32, #tpu.memory_space<vmem_shared>>
      tpu.wait_indirect_dma semaphore(%arg16 : memref<!tpu.dma_semaphore, #tpu.memory_space<semaphore_mem>>) src(%arg11 : memref<128x16xf32, #tpu.memory_space<vmem>>) dst(%dma_wait3A_90 : memref<10128x16xf32, #tpu.memory_space<vmem_shared>>)
    } else {
    }
    %jit3A_56 = arith.constant 2 : i32
    %eq3A_57 = arith.constant 0 : i32
    %eq3A_58 = arith.cmpi eq, %jit3A_56, %eq3A_57 : i32
    %jit3A_59 = arith.constant 1 : i32
    %select_n3A_60 = arith.select %eq3A_58, %jit3A_59, %jit3A_56 : i32
    %rem3A_61 = arith.remsi %add3A_6, %select_n3A_60 : i32
    %ne3A_62 = arith.constant 0 : i32
    %ne3A_63 = arith.cmpi ne, %rem3A_61, %ne3A_62 : i32
    %lt3A_64 = arith.constant 0 : i32
    %lt3A_65 = arith.cmpi slt, %rem3A_61, %lt3A_64 : i32
    %lt3A_66 = arith.constant 0 : i32
    %lt3A_67 = arith.cmpi slt, %select_n3A_60, %lt3A_66 : i32
    %ne3A_68 = arith.xori %lt3A_65, %lt3A_67 : i1
    %and3A_69 = arith.andi %ne3A_68, %ne3A_63 : i1
    %add3A_70 = arith.addi %rem3A_61, %select_n3A_60 : i32
    %select_n3A_71 = arith.select %and3A_69, %add3A_70, %rem3A_61 : i32
    %eq3A_72 = arith.constant 0 : i32
    %eq3A_73 = arith.cmpi eq, %select_n3A_71, %eq3A_72 : i32
    %convert_element_type3A_74 = arith.extui %eq3A_73 : i1 to i32
    %cond3A_75 = arith.constant 0 : i32
    %cond3A_76 = arith.cmpi ne, %convert_element_type3A_74, %cond3A_75 : i32
    scf.if %cond3A_76 {
      %dma_wait3A = arith.constant 0 : i32
      %dma_wait3A_86 = arith.constant 0 : i32
      %dma_wait3A_87 = tpu.memref_slice %arg12[%dma_wait3A, %dma_wait3A_86] : memref<10128x16xf32, #tpu.memory_space<vmem_shared>> -> memref<10128x16xf32, #tpu.memory_space<vmem_shared>>
      tpu.wait_indirect_dma semaphore(%arg17 : memref<!tpu.dma_semaphore, #tpu.memory_space<semaphore_mem>>) src(%arg11 : memref<128x16xf32, #tpu.memory_space<vmem>>) dst(%dma_wait3A_87 : memref<10128x16xf32, #tpu.memory_space<vmem_shared>>)
      %dma_wait3A_88 = arith.constant 0 : i32
      %dma_wait3A_89 = arith.constant 0 : i32
      %dma_wait3A_90 = tpu.memref_slice %arg13[%dma_wait3A_88, %dma_wait3A_89] : memref<10128x16xf32, #tpu.memory_space<vmem_shared>> -> memref<10128x16xf32, #tpu.memory_space<vmem_shared>>
      tpu.wait_indirect_dma semaphore(%arg17 : memref<!tpu.dma_semaphore, #tpu.memory_space<semaphore_mem>>) src(%arg11 : memref<128x16xf32, #tpu.memory_space<vmem>>) dst(%dma_wait3A_90 : memref<10128x16xf32, #tpu.memory_space<vmem_shared>>)
    } else {
    }
    %barrier3A_77 = arith.constant 0 : index
    tpu.barrier barrier_id(%barrier3A_77)
    %mul3A_78 = arith.constant 624 : i32
    %mul3A_79 = arith.muli %arg1, %mul3A_78 : i32
    %run_scoped3A = arith.constant 0 : i32
    "tpu.region"() ({
      %run_scoped3A_86 = tpu.sem_alloc : memref<!tpu.dma_semaphore, #tpu.memory_space<semaphore_mem>>
      %dma_start3A_87 = arith.constant 0 : i32
      %dma_start3A_88 = tpu.memref_slice %arg6[%arg0, %run_scoped3A, %mul3A_79, %dma_start3A_87] : memref<2x2x10000x16xf32, #tpu.memory_space<hbm>> -> memref<1x1x624x16xf32, #tpu.memory_space<hbm>>
      %dma_start3A_89 = tpu.memref_squeeze %dma_start3A_88 : memref<1x1x624x16xf32, #tpu.memory_space<hbm>> -> memref<624x16xf32, #tpu.memory_space<hbm>>
      %dma_start3A_90 = arith.constant 0 : i32
      %dma_start3A_91 = tpu.memref_slice %arg12[%mul3A_79, %dma_start3A_90] : memref<10128x16xf32, #tpu.memory_space<vmem_shared>> -> memref<624x16xf32, #tpu.memory_space<vmem_shared>>
      tpu.enqueue_dma source(%dma_start3A_91 : memref<624x16xf32, #tpu.memory_space<vmem_shared>>) target(%dma_start3A_89 : memref<624x16xf32, #tpu.memory_space<hbm>>) target_semaphore(%run_scoped3A_86 : memref<!tpu.dma_semaphore, #tpu.memory_space<semaphore_mem>>)
      %dma_wait3A = arith.constant 0 : i32
      %dma_wait3A_92 = tpu.memref_slice %arg6[%arg0, %run_scoped3A, %mul3A_79, %dma_wait3A] : memref<2x2x10000x16xf32, #tpu.memory_space<hbm>> -> memref<1x1x624x16xf32, #tpu.memory_space<hbm>>
      %dma_wait3A_93 = tpu.memref_squeeze %dma_wait3A_92 : memref<1x1x624x16xf32, #tpu.memory_space<hbm>> -> memref<624x16xf32, #tpu.memory_space<hbm>>
      %dma_wait3A_94 = arith.constant 0 : i32
      %dma_wait3A_95 = tpu.memref_slice %arg12[%mul3A_79, %dma_wait3A_94] : memref<10128x16xf32, #tpu.memory_space<vmem_shared>> -> memref<624x16xf32, #tpu.memory_space<vmem_shared>>
      tpu.wait_dma2 semaphore(%run_scoped3A_86 : memref<!tpu.dma_semaphore, #tpu.memory_space<semaphore_mem>>) src(%dma_wait3A_95 : memref<624x16xf32, #tpu.memory_space<vmem_shared>>) dst(%dma_wait3A_93 : memref<624x16xf32, #tpu.memory_space<hbm>>)
      tpu.yield
    }) : () -> ()
    %run_scoped3A_80 = arith.constant 1 : i32
    "tpu.region"() ({
      %run_scoped3A_86 = tpu.sem_alloc : memref<!tpu.dma_semaphore, #tpu.memory_space<semaphore_mem>>
      %dma_start3A_87 = arith.constant 0 : i32
      %dma_start3A_88 = tpu.memref_slice %arg6[%arg0, %run_scoped3A_80, %mul3A_79, %dma_start3A_87] : memref<2x2x10000x16xf32, #tpu.memory_space<hbm>> -> memref<1x1x624x16xf32, #tpu.memory_space<hbm>>
      %dma_start3A_89 = tpu.memref_squeeze %dma_start3A_88 : memref<1x1x624x16xf32, #tpu.memory_space<hbm>> -> memref<624x16xf32, #tpu.memory_space<hbm>>
      %dma_start3A_90 = arith.constant 0 : i32
      %dma_start3A_91 = tpu.memref_slice %arg13[%mul3A_79, %dma_start3A_90] : memref<10128x16xf32, #tpu.memory_space<vmem_shared>> -> memref<624x16xf32, #tpu.memory_space<vmem_shared>>
      tpu.enqueue_dma source(%dma_start3A_91 : memref<624x16xf32, #tpu.memory_space<vmem_shared>>) target(%dma_start3A_89 : memref<624x16xf32, #tpu.memory_space<hbm>>) target_semaphore(%run_scoped3A_86 : memref<!tpu.dma_semaphore, #tpu.memory_space<semaphore_mem>>)
      %dma_wait3A = arith.constant 0 : i32
      %dma_wait3A_92 = tpu.memref_slice %arg6[%arg0, %run_scoped3A_80, %mul3A_79, %dma_wait3A] : memref<2x2x10000x16xf32, #tpu.memory_space<hbm>> -> memref<1x1x624x16xf32, #tpu.memory_space<hbm>>
      %dma_wait3A_93 = tpu.memref_squeeze %dma_wait3A_92 : memref<1x1x624x16xf32, #tpu.memory_space<hbm>> -> memref<624x16xf32, #tpu.memory_space<hbm>>
      %dma_wait3A_94 = arith.constant 0 : i32
      %dma_wait3A_95 = tpu.memref_slice %arg13[%mul3A_79, %dma_wait3A_94] : memref<10128x16xf32, #tpu.memory_space<vmem_shared>> -> memref<624x16xf32, #tpu.memory_space<vmem_shared>>
      tpu.wait_dma2 semaphore(%run_scoped3A_86 : memref<!tpu.dma_semaphore, #tpu.memory_space<semaphore_mem>>) src(%dma_wait3A_95 : memref<624x16xf32, #tpu.memory_space<vmem_shared>>) dst(%dma_wait3A_93 : memref<624x16xf32, #tpu.memory_space<hbm>>)
      tpu.yield
    }) : () -> ()
    %eq3A_81 = arith.constant 15 : i32
    %eq3A_82 = arith.cmpi eq, %arg1, %eq3A_81 : i32
    %convert_element_type3A_83 = arith.extui %eq3A_82 : i1 to i32
    %cond3A_84 = arith.constant 0 : i32
    %cond3A_85 = arith.cmpi ne, %convert_element_type3A_83, %cond3A_84 : i32
    scf.if %cond3A_85 {
      %run_scoped3A_86 = arith.constant 0 : i32
      "tpu.region"() ({
        %run_scoped3A_88 = tpu.sem_alloc : memref<!tpu.dma_semaphore, #tpu.memory_space<semaphore_mem>>
        %dma_start3A_89 = arith.constant 9984 : i32
        %dma_start3A_90 = arith.constant 0 : i32
        %dma_start3A_91 = tpu.memref_slice %arg6[%arg0, %run_scoped3A_86, %dma_start3A_89, %dma_start3A_90] : memref<2x2x10000x16xf32, #tpu.memory_space<hbm>> -> memref<1x1x16x16xf32, #tpu.memory_space<hbm>>
        %dma_start3A_92 = tpu.memref_squeeze %dma_start3A_91 : memref<1x1x16x16xf32, #tpu.memory_space<hbm>> -> memref<16x16xf32, #tpu.memory_space<hbm>>
        %dma_start3A_93 = arith.constant 9984 : i32
        %dma_start3A_94 = arith.constant 0 : i32
        %dma_start3A_95 = tpu.memref_slice %arg12[%dma_start3A_93, %dma_start3A_94] : memref<10128x16xf32, #tpu.memory_space<vmem_shared>> -> memref<16x16xf32, #tpu.memory_space<vmem_shared>>
        tpu.enqueue_dma source(%dma_start3A_95 : memref<16x16xf32, #tpu.memory_space<vmem_shared>>) target(%dma_start3A_92 : memref<16x16xf32, #tpu.memory_space<hbm>>) target_semaphore(%run_scoped3A_88 : memref<!tpu.dma_semaphore, #tpu.memory_space<semaphore_mem>>)
        %dma_wait3A = arith.constant 9984 : i32
        %dma_wait3A_96 = arith.constant 0 : i32
        %dma_wait3A_97 = tpu.memref_slice %arg6[%arg0, %run_scoped3A_86, %dma_wait3A, %dma_wait3A_96] : memref<2x2x10000x16xf32, #tpu.memory_space<hbm>> -> memref<1x1x16x16xf32, #tpu.memory_space<hbm>>
        %dma_wait3A_98 = tpu.memref_squeeze %dma_wait3A_97 : memref<1x1x16x16xf32, #tpu.memory_space<hbm>> -> memref<16x16xf32, #tpu.memory_space<hbm>>
        %dma_wait3A_99 = arith.constant 9984 : i32
        %dma_wait3A_100 = arith.constant 0 : i32
        %dma_wait3A_101 = tpu.memref_slice %arg12[%dma_wait3A_99, %dma_wait3A_100] : memref<10128x16xf32, #tpu.memory_space<vmem_shared>> -> memref<16x16xf32, #tpu.memory_space<vmem_shared>>
        tpu.wait_dma2 semaphore(%run_scoped3A_88 : memref<!tpu.dma_semaphore, #tpu.memory_space<semaphore_mem>>) src(%dma_wait3A_101 : memref<16x16xf32, #tpu.memory_space<vmem_shared>>) dst(%dma_wait3A_98 : memref<16x16xf32, #tpu.memory_space<hbm>>)
        tpu.yield
      }) : () -> ()
      %run_scoped3A_87 = arith.constant 1 : i32
      "tpu.region"() ({
        %run_scoped3A_88 = tpu.sem_alloc : memref<!tpu.dma_semaphore, #tpu.memory_space<semaphore_mem>>
        %dma_start3A_89 = arith.constant 9984 : i32
        %dma_start3A_90 = arith.constant 0 : i32
        %dma_start3A_91 = tpu.memref_slice %arg6[%arg0, %run_scoped3A_87, %dma_start3A_89, %dma_start3A_90] : memref<2x2x10000x16xf32, #tpu.memory_space<hbm>> -> memref<1x1x16x16xf32, #tpu.memory_space<hbm>>
        %dma_start3A_92 = tpu.memref_squeeze %dma_start3A_91 : memref<1x1x16x16xf32, #tpu.memory_space<hbm>> -> memref<16x16xf32, #tpu.memory_space<hbm>>
        %dma_start3A_93 = arith.constant 9984 : i32
        %dma_start3A_94 = arith.constant 0 : i32
        %dma_start3A_95 = tpu.memref_slice %arg13[%dma_start3A_93, %dma_start3A_94] : memref<10128x16xf32, #tpu.memory_space<vmem_shared>> -> memref<16x16xf32, #tpu.memory_space<vmem_shared>>
        tpu.enqueue_dma source(%dma_start3A_95 : memref<16x16xf32, #tpu.memory_space<vmem_shared>>) target(%dma_start3A_92 : memref<16x16xf32, #tpu.memory_space<hbm>>) target_semaphore(%run_scoped3A_88 : memref<!tpu.dma_semaphore, #tpu.memory_space<semaphore_mem>>)
        %dma_wait3A = arith.constant 9984 : i32
        %dma_wait3A_96 = arith.constant 0 : i32
        %dma_wait3A_97 = tpu.memref_slice %arg6[%arg0, %run_scoped3A_87, %dma_wait3A, %dma_wait3A_96] : memref<2x2x10000x16xf32, #tpu.memory_space<hbm>> -> memref<1x1x16x16xf32, #tpu.memory_space<hbm>>
        %dma_wait3A_98 = tpu.memref_squeeze %dma_wait3A_97 : memref<1x1x16x16xf32, #tpu.memory_space<hbm>> -> memref<16x16xf32, #tpu.memory_space<hbm>>
        %dma_wait3A_99 = arith.constant 9984 : i32
        %dma_wait3A_100 = arith.constant 0 : i32
        %dma_wait3A_101 = tpu.memref_slice %arg13[%dma_wait3A_99, %dma_wait3A_100] : memref<10128x16xf32, #tpu.memory_space<vmem_shared>> -> memref<16x16xf32, #tpu.memory_space<vmem_shared>>
        tpu.wait_dma2 semaphore(%run_scoped3A_88 : memref<!tpu.dma_semaphore, #tpu.memory_space<semaphore_mem>>) src(%dma_wait3A_101 : memref<16x16xf32, #tpu.memory_space<vmem_shared>>) dst(%dma_wait3A_98 : memref<16x16xf32, #tpu.memory_space<hbm>>)
        tpu.yield
      }) : () -> ()
    } else {
    }
    return
  }
}

#map = affine_map<(d0, d1) -> (0, 0, 0)>
#map1 = affine_map<(d0, d1) -> (0)>
#map2 = affine_map<(d0, d1) -> (0, 0)>
module attributes {stable_mosaic.version = 14 : i64} {
  func.func @_agg_kernel(%arg0: i32, %arg1: i32, %arg2: memref<2x10000x64xf32, #tpu.memory_space<hbm>>, %arg3: memref<320000xi32, #tpu.memory_space<hbm>>, %arg4: memref<320000xi32, #tpu.memory_space<hbm>>, %arg5: memref<624x64xf32, #tpu.memory_space<hbm>>, %arg6: memref<2x10000x64xf32, #tpu.memory_space<hbm>>, %arg7: memref<128xi32, #tpu.memory_space<vmem>>, %arg8: memref<128xi32, #tpu.memory_space<vmem>>, %arg9: memref<4x128xi32, #tpu.memory_space<vmem>>, %arg10: memref<128x64xf32, #tpu.memory_space<vmem>>, %arg11: memref<128x64xf32, #tpu.memory_space<vmem>>, %arg12: memref<10000x64xf32, #tpu.memory_space<vmem_shared>>, %arg13: memref<10128x64xf32, #tpu.memory_space<vmem_shared>>, %arg14: memref<!tpu.dma_semaphore, #tpu.memory_space<semaphore_mem>>, %arg15: memref<!tpu.dma_semaphore, #tpu.memory_space<semaphore_mem>>, %arg16: memref<!tpu.dma_semaphore, #tpu.memory_space<semaphore_mem>>, %arg17: memref<!tpu.dma_semaphore, #tpu.memory_space<semaphore_mem>>, %arg18: memref<!tpu.dma_semaphore, #tpu.memory_space<semaphore_mem>>) attributes {dimension_semantics = [#tpu.dimension_semantics<core_parallel>, #tpu.dimension_semantics<subcore_parallel>], iteration_bounds = array<i64: 2, 16>, scalar_prefetch = 0 : i64, scratch_operands = 12 : i64, tpu.core_type = #tpu.core_type<sc_vector_subcore>, window_params = [{transform_indices = #map}, {transform_indices = #map1}, {transform_indices = #map1}, {transform_indices = #map2}, {transform_indices = #map}]} {
    %sub3A = arith.constant 12 : i32
    %sub3A_0 = arith.subi %arg1, %sub3A : i32
    %max3A = arith.constant 0 : i32
    %max3A_1 = arith.maxsi %sub3A_0, %max3A : i32
    %ge3A = arith.constant 12 : i32
    %ge3A_2 = arith.cmpi sge, %arg1, %ge3A : i32
    %jit3A = arith.constant 1 : i32
    %jit3A_3 = arith.constant 0 : i32
    %select_n3A = arith.select %ge3A_2, %jit3A, %jit3A_3 : i32
    %add3A = arith.constant 156 : i32
    %add3A_4 = arith.addi %add3A, %select_n3A : i32
    %mul3A = arith.constant 156 : i32
    %mul3A_5 = arith.muli %arg1, %mul3A : i32
    %add3A_6 = arith.addi %mul3A_5, %max3A_1 : i32
    %mul3A_7 = arith.constant 128 : i32
    %mul3A_8 = arith.muli %add3A_6, %mul3A_7 : i32
    %mul3A_9 = arith.constant 624 : i32
    %mul3A_10 = arith.muli %arg1, %mul3A_9 : i32
    "tpu.region"() ({
      %run_scoped3A = tpu.sem_alloc : memref<!tpu.dma_semaphore, #tpu.memory_space<semaphore_mem>>
      %dma_start3A_103 = arith.constant 0 : i32
      %dma_start3A_104 = tpu.memref_slice %arg12[%mul3A_10, %dma_start3A_103] : memref<10000x64xf32, #tpu.memory_space<vmem_shared>> -> memref<624x64xf32, #tpu.memory_space<vmem_shared>>
      %dma_start3A_105 = arith.constant 0 : i32
      %dma_start3A_106 = tpu.memref_slice %arg2[%arg0, %mul3A_10, %dma_start3A_105] : memref<2x10000x64xf32, #tpu.memory_space<hbm>> -> memref<1x624x64xf32, #tpu.memory_space<hbm>>
      %dma_start3A_107 = tpu.memref_squeeze %dma_start3A_106 : memref<1x624x64xf32, #tpu.memory_space<hbm>> -> memref<624x64xf32, #tpu.memory_space<hbm>>
      tpu.enqueue_dma source(%dma_start3A_107 : memref<624x64xf32, #tpu.memory_space<hbm>>) target(%dma_start3A_104 : memref<624x64xf32, #tpu.memory_space<vmem_shared>>) target_semaphore(%run_scoped3A : memref<!tpu.dma_semaphore, #tpu.memory_space<semaphore_mem>>)
      %dma_wait3A_108 = arith.constant 0 : i32
      %dma_wait3A_109 = tpu.memref_slice %arg12[%mul3A_10, %dma_wait3A_108] : memref<10000x64xf32, #tpu.memory_space<vmem_shared>> -> memref<624x64xf32, #tpu.memory_space<vmem_shared>>
      %dma_wait3A_110 = arith.constant 0 : i32
      %dma_wait3A_111 = tpu.memref_slice %arg2[%arg0, %mul3A_10, %dma_wait3A_110] : memref<2x10000x64xf32, #tpu.memory_space<hbm>> -> memref<1x624x64xf32, #tpu.memory_space<hbm>>
      %dma_wait3A_112 = tpu.memref_squeeze %dma_wait3A_111 : memref<1x624x64xf32, #tpu.memory_space<hbm>> -> memref<624x64xf32, #tpu.memory_space<hbm>>
      tpu.wait_dma2 semaphore(%run_scoped3A : memref<!tpu.dma_semaphore, #tpu.memory_space<semaphore_mem>>) src(%dma_wait3A_112 : memref<624x64xf32, #tpu.memory_space<hbm>>) dst(%dma_wait3A_109 : memref<624x64xf32, #tpu.memory_space<vmem_shared>>)
      tpu.yield
    }) : () -> ()
    "tpu.region"() ({
      %run_scoped3A = tpu.sem_alloc : memref<!tpu.dma_semaphore, #tpu.memory_space<semaphore_mem>>
      %dma_start3A_103 = arith.constant 0 : i32
      %dma_start3A_104 = tpu.memref_slice %arg13[%mul3A_10, %dma_start3A_103] : memref<10128x64xf32, #tpu.memory_space<vmem_shared>> -> memref<624x64xf32, #tpu.memory_space<vmem_shared>>
      tpu.enqueue_dma source(%arg5 : memref<624x64xf32, #tpu.memory_space<hbm>>) target(%dma_start3A_104 : memref<624x64xf32, #tpu.memory_space<vmem_shared>>) target_semaphore(%run_scoped3A : memref<!tpu.dma_semaphore, #tpu.memory_space<semaphore_mem>>)
      %dma_wait3A_105 = arith.constant 0 : i32
      %dma_wait3A_106 = tpu.memref_slice %arg13[%mul3A_10, %dma_wait3A_105] : memref<10128x64xf32, #tpu.memory_space<vmem_shared>> -> memref<624x64xf32, #tpu.memory_space<vmem_shared>>
      tpu.wait_dma2 semaphore(%run_scoped3A : memref<!tpu.dma_semaphore, #tpu.memory_space<semaphore_mem>>) src(%arg5 : memref<624x64xf32, #tpu.memory_space<hbm>>) dst(%dma_wait3A_106 : memref<624x64xf32, #tpu.memory_space<vmem_shared>>)
      tpu.yield
    }) : () -> ()
    %eq3A = arith.constant 15 : i32
    %eq3A_11 = arith.cmpi eq, %arg1, %eq3A : i32
    %convert_element_type3A = arith.extui %eq3A_11 : i1 to i32
    %cond3A = arith.constant 0 : i32
    %cond3A_12 = arith.cmpi ne, %convert_element_type3A, %cond3A : i32
    scf.if %cond3A_12 {
      "tpu.region"() ({
        %run_scoped3A = tpu.sem_alloc : memref<!tpu.dma_semaphore, #tpu.memory_space<semaphore_mem>>
        %dma_start3A_103 = arith.constant 9984 : i32
        %dma_start3A_104 = arith.constant 0 : i32
        %dma_start3A_105 = tpu.memref_slice %arg12[%dma_start3A_103, %dma_start3A_104] : memref<10000x64xf32, #tpu.memory_space<vmem_shared>> -> memref<16x64xf32, #tpu.memory_space<vmem_shared>>
        %dma_start3A_106 = arith.constant 9984 : i32
        %dma_start3A_107 = arith.constant 0 : i32
        %dma_start3A_108 = tpu.memref_slice %arg2[%arg0, %dma_start3A_106, %dma_start3A_107] : memref<2x10000x64xf32, #tpu.memory_space<hbm>> -> memref<1x16x64xf32, #tpu.memory_space<hbm>>
        %dma_start3A_109 = tpu.memref_squeeze %dma_start3A_108 : memref<1x16x64xf32, #tpu.memory_space<hbm>> -> memref<16x64xf32, #tpu.memory_space<hbm>>
        tpu.enqueue_dma source(%dma_start3A_109 : memref<16x64xf32, #tpu.memory_space<hbm>>) target(%dma_start3A_105 : memref<16x64xf32, #tpu.memory_space<vmem_shared>>) target_semaphore(%run_scoped3A : memref<!tpu.dma_semaphore, #tpu.memory_space<semaphore_mem>>)
        %dma_wait3A_110 = arith.constant 9984 : i32
        %dma_wait3A_111 = arith.constant 0 : i32
        %dma_wait3A_112 = tpu.memref_slice %arg12[%dma_wait3A_110, %dma_wait3A_111] : memref<10000x64xf32, #tpu.memory_space<vmem_shared>> -> memref<16x64xf32, #tpu.memory_space<vmem_shared>>
        %dma_wait3A_113 = arith.constant 9984 : i32
        %dma_wait3A_114 = arith.constant 0 : i32
        %dma_wait3A_115 = tpu.memref_slice %arg2[%arg0, %dma_wait3A_113, %dma_wait3A_114] : memref<2x10000x64xf32, #tpu.memory_space<hbm>> -> memref<1x16x64xf32, #tpu.memory_space<hbm>>
        %dma_wait3A_116 = tpu.memref_squeeze %dma_wait3A_115 : memref<1x16x64xf32, #tpu.memory_space<hbm>> -> memref<16x64xf32, #tpu.memory_space<hbm>>
        tpu.wait_dma2 semaphore(%run_scoped3A : memref<!tpu.dma_semaphore, #tpu.memory_space<semaphore_mem>>) src(%dma_wait3A_116 : memref<16x64xf32, #tpu.memory_space<hbm>>) dst(%dma_wait3A_112 : memref<16x64xf32, #tpu.memory_space<vmem_shared>>)
        tpu.yield
      }) : () -> ()
      "tpu.region"() ({
        %run_scoped3A = tpu.sem_alloc : memref<!tpu.dma_semaphore, #tpu.memory_space<semaphore_mem>>
        %dma_start3A_103 = arith.constant 9984 : i32
        %dma_start3A_104 = arith.constant 0 : i32
        %dma_start3A_105 = tpu.memref_slice %arg13[%dma_start3A_103, %dma_start3A_104] : memref<10128x64xf32, #tpu.memory_space<vmem_shared>> -> memref<16x64xf32, #tpu.memory_space<vmem_shared>>
        %dma_start3A_106 = arith.constant 0 : i32
        %dma_start3A_107 = arith.constant 0 : i32
        %dma_start3A_108 = tpu.memref_slice %arg5[%dma_start3A_106, %dma_start3A_107] : memref<624x64xf32, #tpu.memory_space<hbm>> -> memref<16x64xf32, #tpu.memory_space<hbm>>
        tpu.enqueue_dma source(%dma_start3A_108 : memref<16x64xf32, #tpu.memory_space<hbm>>) target(%dma_start3A_105 : memref<16x64xf32, #tpu.memory_space<vmem_shared>>) target_semaphore(%run_scoped3A : memref<!tpu.dma_semaphore, #tpu.memory_space<semaphore_mem>>)
        %dma_wait3A_109 = arith.constant 9984 : i32
        %dma_wait3A_110 = arith.constant 0 : i32
        %dma_wait3A_111 = tpu.memref_slice %arg13[%dma_wait3A_109, %dma_wait3A_110] : memref<10128x64xf32, #tpu.memory_space<vmem_shared>> -> memref<16x64xf32, #tpu.memory_space<vmem_shared>>
        %dma_wait3A_112 = arith.constant 0 : i32
        %dma_wait3A_113 = arith.constant 0 : i32
        %dma_wait3A_114 = tpu.memref_slice %arg5[%dma_wait3A_112, %dma_wait3A_113] : memref<624x64xf32, #tpu.memory_space<hbm>> -> memref<16x64xf32, #tpu.memory_space<hbm>>
        tpu.wait_dma2 semaphore(%run_scoped3A : memref<!tpu.dma_semaphore, #tpu.memory_space<semaphore_mem>>) src(%dma_wait3A_114 : memref<16x64xf32, #tpu.memory_space<hbm>>) dst(%dma_wait3A_111 : memref<16x64xf32, #tpu.memory_space<vmem_shared>>)
        tpu.yield
      }) : () -> ()
    } else {
    }
    %add3A_13 = arith.constant 0 : i32
    %add3A_14 = arith.addi %mul3A_8, %add3A_13 : i32
    %dma_start3A = tpu.memref_slice %arg3[%add3A_14] : memref<320000xi32, #tpu.memory_space<hbm>> -> memref<128xi32, #tpu.memory_space<hbm>>
    %dma_start3A_15 = tpu.memref_slice %arg3[%add3A_14] : memref<320000xi32, #tpu.memory_space<hbm>> -> memref<128xi32, #tpu.memory_space<hbm>>
    tpu.enqueue_dma source(%dma_start3A_15 : memref<128xi32, #tpu.memory_space<hbm>>) target(%arg7 : memref<128xi32, #tpu.memory_space<vmem>>) target_semaphore(%arg14 : memref<!tpu.dma_semaphore, #tpu.memory_space<semaphore_mem>>)
    %dma_start3A_16 = arith.constant 0 : i32
    %dma_start3A_17 = arith.constant 0 : i32
    %dma_start3A_18 = tpu.memref_slice %arg9[%dma_start3A_16, %dma_start3A_17] : memref<4x128xi32, #tpu.memory_space<vmem>> -> memref<1x128xi32, #tpu.memory_space<vmem>>
    %dma_start3A_19 = tpu.memref_squeeze %dma_start3A_18 : memref<1x128xi32, #tpu.memory_space<vmem>> -> memref<128xi32, #tpu.memory_space<vmem>>
    %dma_start3A_20 = tpu.memref_slice %arg4[%add3A_14] : memref<320000xi32, #tpu.memory_space<hbm>> -> memref<128xi32, #tpu.memory_space<hbm>>
    %dma_start3A_21 = arith.constant 0 : i32
    %dma_start3A_22 = tpu.memref_slice %arg9[%dma_start3A_16, %dma_start3A_21] : memref<4x128xi32, #tpu.memory_space<vmem>> -> memref<1x128xi32, #tpu.memory_space<vmem>>
    %dma_start3A_23 = tpu.memref_squeeze %dma_start3A_22 : memref<1x128xi32, #tpu.memory_space<vmem>> -> memref<128xi32, #tpu.memory_space<vmem>>
    %dma_start3A_24 = tpu.memref_slice %arg4[%add3A_14] : memref<320000xi32, #tpu.memory_space<hbm>> -> memref<128xi32, #tpu.memory_space<hbm>>
    tpu.enqueue_dma source(%dma_start3A_24 : memref<128xi32, #tpu.memory_space<hbm>>) target(%dma_start3A_23 : memref<128xi32, #tpu.memory_space<vmem>>) target_semaphore(%arg14 : memref<!tpu.dma_semaphore, #tpu.memory_space<semaphore_mem>>)
    %dma_wait3A = arith.constant 0 : i32
    %dma_wait3A_25 = tpu.memref_slice %arg3[%dma_wait3A] : memref<320000xi32, #tpu.memory_space<hbm>> -> memref<128xi32, #tpu.memory_space<hbm>>
    %dma_wait3A_26 = arith.constant 0 : i32
    %dma_wait3A_27 = tpu.memref_slice %arg3[%dma_wait3A_26] : memref<320000xi32, #tpu.memory_space<hbm>> -> memref<128xi32, #tpu.memory_space<hbm>>
    tpu.wait_dma2 semaphore(%arg14 : memref<!tpu.dma_semaphore, #tpu.memory_space<semaphore_mem>>) src(%dma_wait3A_27 : memref<128xi32, #tpu.memory_space<hbm>>) dst(%arg7 : memref<128xi32, #tpu.memory_space<vmem>>)
    %dma_wait3A_28 = arith.constant 0 : i32
    %dma_wait3A_29 = tpu.memref_slice %arg3[%dma_wait3A_28] : memref<320000xi32, #tpu.memory_space<hbm>> -> memref<128xi32, #tpu.memory_space<hbm>>
    %dma_wait3A_30 = arith.constant 0 : i32
    %dma_wait3A_31 = tpu.memref_slice %arg3[%dma_wait3A_30] : memref<320000xi32, #tpu.memory_space<hbm>> -> memref<128xi32, #tpu.memory_space<hbm>>
    tpu.wait_dma2 semaphore(%arg14 : memref<!tpu.dma_semaphore, #tpu.memory_space<semaphore_mem>>) src(%dma_wait3A_31 : memref<128xi32, #tpu.memory_space<hbm>>) dst(%arg7 : memref<128xi32, #tpu.memory_space<vmem>>)
    %add3A_32 = arith.constant 128 : i32
    %add3A_33 = arith.addi %mul3A_8, %add3A_32 : i32
    %dma_start3A_34 = tpu.memref_slice %arg3[%add3A_33] : memref<320000xi32, #tpu.memory_space<hbm>> -> memref<128xi32, #tpu.memory_space<hbm>>
    %dma_start3A_35 = tpu.memref_slice %arg3[%add3A_33] : memref<320000xi32, #tpu.memory_space<hbm>> -> memref<128xi32, #tpu.memory_space<hbm>>
    tpu.enqueue_dma source(%dma_start3A_35 : memref<128xi32, #tpu.memory_space<hbm>>) target(%arg8 : memref<128xi32, #tpu.memory_space<vmem>>) target_semaphore(%arg15 : memref<!tpu.dma_semaphore, #tpu.memory_space<semaphore_mem>>)
    %dma_start3A_36 = arith.constant 1 : i32
    %dma_start3A_37 = arith.constant 0 : i32
    %dma_start3A_38 = tpu.memref_slice %arg9[%dma_start3A_36, %dma_start3A_37] : memref<4x128xi32, #tpu.memory_space<vmem>> -> memref<1x128xi32, #tpu.memory_space<vmem>>
    %dma_start3A_39 = tpu.memref_squeeze %dma_start3A_38 : memref<1x128xi32, #tpu.memory_space<vmem>> -> memref<128xi32, #tpu.memory_space<vmem>>
    %dma_start3A_40 = tpu.memref_slice %arg4[%add3A_33] : memref<320000xi32, #tpu.memory_space<hbm>> -> memref<128xi32, #tpu.memory_space<hbm>>
    %dma_start3A_41 = arith.constant 0 : i32
    %dma_start3A_42 = tpu.memref_slice %arg9[%dma_start3A_36, %dma_start3A_41] : memref<4x128xi32, #tpu.memory_space<vmem>> -> memref<1x128xi32, #tpu.memory_space<vmem>>
    %dma_start3A_43 = tpu.memref_squeeze %dma_start3A_42 : memref<1x128xi32, #tpu.memory_space<vmem>> -> memref<128xi32, #tpu.memory_space<vmem>>
    %dma_start3A_44 = tpu.memref_slice %arg4[%add3A_33] : memref<320000xi32, #tpu.memory_space<hbm>> -> memref<128xi32, #tpu.memory_space<hbm>>
    tpu.enqueue_dma source(%dma_start3A_44 : memref<128xi32, #tpu.memory_space<hbm>>) target(%dma_start3A_43 : memref<128xi32, #tpu.memory_space<vmem>>) target_semaphore(%arg15 : memref<!tpu.dma_semaphore, #tpu.memory_space<semaphore_mem>>)
    %barrier3A = arith.constant 0 : index
    tpu.barrier barrier_id(%barrier3A)
    %dma_start3A_45 = arith.constant 0 : i32
    %dma_start3A_46 = arith.constant 0 : i32
    %dma_start3A_47 = tpu.memref_slice %arg12[%dma_start3A_45, %dma_start3A_46] : memref<10000x64xf32, #tpu.memory_space<vmem_shared>> -> memref<10000x64xf32, #tpu.memory_space<vmem_shared>>
    tpu.enqueue_indirect_dma source(%dma_start3A_47 : memref<10000x64xf32, #tpu.memory_space<vmem_shared>>) target(%arg10 : memref<128x64xf32, #tpu.memory_space<vmem>>) offsets(%arg7 : memref<128xi32, #tpu.memory_space<vmem>>) semaphore(%arg16 : memref<!tpu.dma_semaphore, #tpu.memory_space<semaphore_mem>>)
    %while3A = arith.constant 0 : i32
    %while3A_48 = arith.constant 0 : i32
    %while3A_49 = arith.subi %add3A_4, %while3A : i32
    %while3A_50 = arith.addi %while3A, %while3A_49 : i32
    %while3A_51 = arith.constant 1 : i32
    %while3A_52 = arith.divsi %while3A_49, %while3A_51 : i32
    %while3A_53 = arith.muli %while3A_52, %while3A_51 : i32
    %while3A_54 = arith.addi %while3A, %while3A_53 : i32
    %while3A_55 = arith.constant 1 : i32
    %while3A_56 = scf.for %while3A_103 = %while3A to %while3A_54 step %while3A_55 iter_args(%while3A_104 = %while3A_48) -> (i32)  : i32 {
      %jit3A_105 = arith.constant 2 : i32
      %eq3A_106 = arith.constant 0 : i32
      %eq3A_107 = arith.cmpi eq, %jit3A_105, %eq3A_106 : i32
      %jit3A_108 = arith.constant 1 : i32
      %select_n3A_109 = arith.select %eq3A_107, %jit3A_108, %jit3A_105 : i32
      %rem3A_110 = arith.remsi %while3A_103, %select_n3A_109 : i32
      %ne3A_111 = arith.constant 0 : i32
      %ne3A_112 = arith.cmpi ne, %rem3A_110, %ne3A_111 : i32
      %lt3A_113 = arith.constant 0 : i32
      %lt3A_114 = arith.cmpi slt, %rem3A_110, %lt3A_113 : i32
      %lt3A_115 = arith.constant 0 : i32
      %lt3A_116 = arith.cmpi slt, %select_n3A_109, %lt3A_115 : i32
      %ne3A_117 = arith.xori %lt3A_114, %lt3A_116 : i1
      %and3A_118 = arith.andi %ne3A_117, %ne3A_112 : i1
      %add3A_119 = arith.addi %rem3A_110, %select_n3A_109 : i32
      %select_n3A_120 = arith.select %and3A_118, %add3A_119, %rem3A_110 : i32
      %eq3A_121 = arith.constant 0 : i32
      %eq3A_122 = arith.cmpi eq, %select_n3A_120, %eq3A_121 : i32
      %convert_element_type3A_123 = arith.extui %eq3A_122 : i1 to i32
      %cond3A_124 = arith.constant 0 : i32
      %cond3A_125 = arith.cmpi ne, %convert_element_type3A_123, %cond3A_124 : i32
      scf.if %cond3A_125 {
        %add3A_148 = arith.constant 1 : i32
        %add3A_149 = arith.addi %while3A_103, %add3A_148 : i32
        %lt3A_150 = arith.cmpi slt, %add3A_149, %add3A_4 : i32
        %convert_element_type3A_151 = arith.extui %lt3A_150 : i1 to i32
        %cond3A_152 = arith.constant 0 : i32
        %cond3A_153 = arith.cmpi ne, %convert_element_type3A_151, %cond3A_152 : i32
        scf.if %cond3A_153 {
          %dma_wait3A_195 = arith.constant 0 : i32
          %dma_wait3A_196 = tpu.memref_slice %arg3[%dma_wait3A_195] : memref<320000xi32, #tpu.memory_space<hbm>> -> memref<128xi32, #tpu.memory_space<hbm>>
          %dma_wait3A_197 = arith.constant 0 : i32
          %dma_wait3A_198 = tpu.memref_slice %arg3[%dma_wait3A_197] : memref<320000xi32, #tpu.memory_space<hbm>> -> memref<128xi32, #tpu.memory_space<hbm>>
          tpu.wait_dma2 semaphore(%arg15 : memref<!tpu.dma_semaphore, #tpu.memory_space<semaphore_mem>>) src(%dma_wait3A_198 : memref<128xi32, #tpu.memory_space<hbm>>) dst(%arg8 : memref<128xi32, #tpu.memory_space<vmem>>)
          %dma_wait3A_199 = arith.constant 0 : i32
          %dma_wait3A_200 = tpu.memref_slice %arg3[%dma_wait3A_199] : memref<320000xi32, #tpu.memory_space<hbm>> -> memref<128xi32, #tpu.memory_space<hbm>>
          %dma_wait3A_201 = arith.constant 0 : i32
          %dma_wait3A_202 = tpu.memref_slice %arg3[%dma_wait3A_201] : memref<320000xi32, #tpu.memory_space<hbm>> -> memref<128xi32, #tpu.memory_space<hbm>>
          tpu.wait_dma2 semaphore(%arg15 : memref<!tpu.dma_semaphore, #tpu.memory_space<semaphore_mem>>) src(%dma_wait3A_202 : memref<128xi32, #tpu.memory_space<hbm>>) dst(%arg8 : memref<128xi32, #tpu.memory_space<vmem>>)
        } else {
        }
        %gt3A = arith.constant 0 : i32
        %gt3A_154 = arith.cmpi sgt, %while3A_103, %gt3A : i32
        %convert_element_type3A_155 = arith.extui %gt3A_154 : i1 to i32
        %cond3A_156 = arith.constant 0 : i32
        %cond3A_157 = arith.cmpi ne, %convert_element_type3A_155, %cond3A_156 : i32
        scf.if %cond3A_157 {
          %dma_wait3A_195 = arith.constant 0 : i32
          %dma_wait3A_196 = arith.constant 0 : i32
          %dma_wait3A_197 = tpu.memref_slice %arg9[%dma_wait3A_195, %dma_wait3A_196] : memref<4x128xi32, #tpu.memory_space<vmem>> -> memref<1x128xi32, #tpu.memory_space<vmem>>
          %dma_wait3A_198 = tpu.memref_squeeze %dma_wait3A_197 : memref<1x128xi32, #tpu.memory_space<vmem>> -> memref<128xi32, #tpu.memory_space<vmem>>
          %dma_wait3A_199 = arith.constant 0 : i32
          %dma_wait3A_200 = arith.constant 0 : i32
          %dma_wait3A_201 = tpu.memref_slice %arg13[%dma_wait3A_199, %dma_wait3A_200] : memref<10128x64xf32, #tpu.memory_space<vmem_shared>> -> memref<10128x64xf32, #tpu.memory_space<vmem_shared>>
          tpu.wait_indirect_dma semaphore(%arg18 : memref<!tpu.dma_semaphore, #tpu.memory_space<semaphore_mem>>) src(%arg11 : memref<128x64xf32, #tpu.memory_space<vmem>>) dst(%dma_wait3A_201 : memref<10128x64xf32, #tpu.memory_space<vmem_shared>>)
        } else {
        }
        %add3A_158 = arith.constant 1 : i32
        %add3A_159 = arith.addi %while3A_103, %add3A_158 : i32
        %lt3A_160 = arith.cmpi slt, %add3A_159, %add3A_4 : i32
        %convert_element_type3A_161 = arith.extui %lt3A_160 : i1 to i32
        %cond3A_162 = arith.constant 0 : i32
        %cond3A_163 = arith.cmpi ne, %convert_element_type3A_161, %cond3A_162 : i32
        scf.if %cond3A_163 {
          %dma_start3A_195 = arith.constant 0 : i32
          %dma_start3A_196 = arith.constant 0 : i32
          %dma_start3A_197 = tpu.memref_slice %arg12[%dma_start3A_195, %dma_start3A_196] : memref<10000x64xf32, #tpu.memory_space<vmem_shared>> -> memref<10000x64xf32, #tpu.memory_space<vmem_shared>>
          tpu.enqueue_indirect_dma source(%dma_start3A_197 : memref<10000x64xf32, #tpu.memory_space<vmem_shared>>) target(%arg11 : memref<128x64xf32, #tpu.memory_space<vmem>>) offsets(%arg8 : memref<128xi32, #tpu.memory_space<vmem>>) semaphore(%arg17 : memref<!tpu.dma_semaphore, #tpu.memory_space<semaphore_mem>>)
        } else {
        }
        %dma_wait3A_164 = arith.constant 0 : i32
        %dma_wait3A_165 = arith.constant 0 : i32
        %dma_wait3A_166 = tpu.memref_slice %arg12[%dma_wait3A_164, %dma_wait3A_165] : memref<10000x64xf32, #tpu.memory_space<vmem_shared>> -> memref<10000x64xf32, #tpu.memory_space<vmem_shared>>
        tpu.wait_indirect_dma semaphore(%arg16 : memref<!tpu.dma_semaphore, #tpu.memory_space<semaphore_mem>>) src(%dma_wait3A_166 : memref<10000x64xf32, #tpu.memory_space<vmem_shared>>) dst(%arg10 : memref<128x64xf32, #tpu.memory_space<vmem>>)
        %jit3A_167 = arith.constant 4 : i32
        %eq3A_168 = arith.constant 0 : i32
        %eq3A_169 = arith.cmpi eq, %jit3A_167, %eq3A_168 : i32
        %jit3A_170 = arith.constant 1 : i32
        %select_n3A_171 = arith.select %eq3A_169, %jit3A_170, %jit3A_167 : i32
        %rem3A_172 = arith.remsi %while3A_103, %select_n3A_171 : i32
        %ne3A_173 = arith.constant 0 : i32
        %ne3A_174 = arith.cmpi ne, %rem3A_172, %ne3A_173 : i32
        %lt3A_175 = arith.constant 0 : i32
        %lt3A_176 = arith.cmpi slt, %rem3A_172, %lt3A_175 : i32
        %lt3A_177 = arith.constant 0 : i32
        %lt3A_178 = arith.cmpi slt, %select_n3A_171, %lt3A_177 : i32
        %ne3A_179 = arith.xori %lt3A_176, %lt3A_178 : i1
        %and3A_180 = arith.andi %ne3A_179, %ne3A_174 : i1
        %add3A_181 = arith.addi %rem3A_172, %select_n3A_171 : i32
        %select_n3A_182 = arith.select %and3A_180, %add3A_181, %rem3A_172 : i32
        %dma_start3A_183 = arith.constant 0 : i32
        %dma_start3A_184 = tpu.memref_slice %arg9[%select_n3A_182, %dma_start3A_183] : memref<4x128xi32, #tpu.memory_space<vmem>> -> memref<1x128xi32, #tpu.memory_space<vmem>>
        %dma_start3A_185 = tpu.memref_squeeze %dma_start3A_184 : memref<1x128xi32, #tpu.memory_space<vmem>> -> memref<128xi32, #tpu.memory_space<vmem>>
        %dma_start3A_186 = arith.constant 0 : i32
        %dma_start3A_187 = arith.constant 0 : i32
        %dma_start3A_188 = tpu.memref_slice %arg13[%dma_start3A_186, %dma_start3A_187] : memref<10128x64xf32, #tpu.memory_space<vmem_shared>> -> memref<10128x64xf32, #tpu.memory_space<vmem_shared>>
        tpu.enqueue_indirect_dma source(%arg10 : memref<128x64xf32, #tpu.memory_space<vmem>>) target(%dma_start3A_188 : memref<10128x64xf32, #tpu.memory_space<vmem_shared>>) offsets(%dma_start3A_185 : memref<128xi32, #tpu.memory_space<vmem>>) semaphore(%arg18 : memref<!tpu.dma_semaphore, #tpu.memory_space<semaphore_mem>>) {add = true}
        %add3A_189 = arith.constant 2 : i32
        %add3A_190 = arith.addi %while3A_103, %add3A_189 : i32
        %lt3A_191 = arith.cmpi slt, %add3A_190, %add3A_4 : i32
        %convert_element_type3A_192 = arith.extui %lt3A_191 : i1 to i32
        %cond3A_193 = arith.constant 0 : i32
        %cond3A_194 = arith.cmpi ne, %convert_element_type3A_192, %cond3A_193 : i32
        scf.if %cond3A_194 {
          %add3A_195 = arith.constant 2 : i32
          %add3A_196 = arith.addi %while3A_103, %add3A_195 : i32
          %mul3A_197 = arith.constant 128 : i32
          %mul3A_198 = arith.muli %add3A_196, %mul3A_197 : i32
          %add3A_199 = arith.addi %mul3A_8, %mul3A_198 : i32
          %dma_start3A_200 = tpu.memref_slice %arg3[%add3A_199] : memref<320000xi32, #tpu.memory_space<hbm>> -> memref<128xi32, #tpu.memory_space<hbm>>
          %dma_start3A_201 = tpu.memref_slice %arg3[%add3A_199] : memref<320000xi32, #tpu.memory_space<hbm>> -> memref<128xi32, #tpu.memory_space<hbm>>
          tpu.enqueue_dma source(%dma_start3A_201 : memref<128xi32, #tpu.memory_space<hbm>>) target(%arg7 : memref<128xi32, #tpu.memory_space<vmem>>) target_semaphore(%arg14 : memref<!tpu.dma_semaphore, #tpu.memory_space<semaphore_mem>>)
          %jit3A_202 = arith.constant 4 : i32
          %eq3A_203 = arith.constant 0 : i32
          %eq3A_204 = arith.cmpi eq, %jit3A_202, %eq3A_203 : i32
          %jit3A_205 = arith.constant 1 : i32
          %select_n3A_206 = arith.select %eq3A_204, %jit3A_205, %jit3A_202 : i32
          %rem3A_207 = arith.remsi %add3A_196, %select_n3A_206 : i32
          %ne3A_208 = arith.constant 0 : i32
          %ne3A_209 = arith.cmpi ne, %rem3A_207, %ne3A_208 : i32
          %lt3A_210 = arith.constant 0 : i32
          %lt3A_211 = arith.cmpi slt, %rem3A_207, %lt3A_210 : i32
          %lt3A_212 = arith.constant 0 : i32
          %lt3A_213 = arith.cmpi slt, %select_n3A_206, %lt3A_212 : i32
          %ne3A_214 = arith.xori %lt3A_211, %lt3A_213 : i1
          %and3A_215 = arith.andi %ne3A_214, %ne3A_209 : i1
          %add3A_216 = arith.addi %rem3A_207, %select_n3A_206 : i32
          %select_n3A_217 = arith.select %and3A_215, %add3A_216, %rem3A_207 : i32
          %dma_start3A_218 = arith.constant 0 : i32
          %dma_start3A_219 = tpu.memref_slice %arg9[%select_n3A_217, %dma_start3A_218] : memref<4x128xi32, #tpu.memory_space<vmem>> -> memref<1x128xi32, #tpu.memory_space<vmem>>
          %dma_start3A_220 = tpu.memref_squeeze %dma_start3A_219 : memref<1x128xi32, #tpu.memory_space<vmem>> -> memref<128xi32, #tpu.memory_space<vmem>>
          %dma_start3A_221 = tpu.memref_slice %arg4[%add3A_199] : memref<320000xi32, #tpu.memory_space<hbm>> -> memref<128xi32, #tpu.memory_space<hbm>>
          %dma_start3A_222 = arith.constant 0 : i32
          %dma_start3A_223 = tpu.memref_slice %arg9[%select_n3A_217, %dma_start3A_222] : memref<4x128xi32, #tpu.memory_space<vmem>> -> memref<1x128xi32, #tpu.memory_space<vmem>>
          %dma_start3A_224 = tpu.memref_squeeze %dma_start3A_223 : memref<1x128xi32, #tpu.memory_space<vmem>> -> memref<128xi32, #tpu.memory_space<vmem>>
          %dma_start3A_225 = tpu.memref_slice %arg4[%add3A_199] : memref<320000xi32, #tpu.memory_space<hbm>> -> memref<128xi32, #tpu.memory_space<hbm>>
          tpu.enqueue_dma source(%dma_start3A_225 : memref<128xi32, #tpu.memory_space<hbm>>) target(%dma_start3A_224 : memref<128xi32, #tpu.memory_space<vmem>>) target_semaphore(%arg14 : memref<!tpu.dma_semaphore, #tpu.memory_space<semaphore_mem>>)
        } else {
        }
      } else {
      }
      %jit3A_126 = arith.constant 2 : i32
      %eq3A_127 = arith.constant 0 : i32
      %eq3A_128 = arith.cmpi eq, %jit3A_126, %eq3A_127 : i32
      %jit3A_129 = arith.constant 1 : i32
      %select_n3A_130 = arith.select %eq3A_128, %jit3A_129, %jit3A_126 : i32
      %rem3A_131 = arith.remsi %while3A_103, %select_n3A_130 : i32
      %ne3A_132 = arith.constant 0 : i32
      %ne3A_133 = arith.cmpi ne, %rem3A_131, %ne3A_132 : i32
      %lt3A_134 = arith.constant 0 : i32
      %lt3A_135 = arith.cmpi slt, %rem3A_131, %lt3A_134 : i32
      %lt3A_136 = arith.constant 0 : i32
      %lt3A_137 = arith.cmpi slt, %select_n3A_130, %lt3A_136 : i32
      %ne3A_138 = arith.xori %lt3A_135, %lt3A_137 : i1
      %and3A_139 = arith.andi %ne3A_138, %ne3A_133 : i1
      %add3A_140 = arith.addi %rem3A_131, %select_n3A_130 : i32
      %select_n3A_141 = arith.select %and3A_139, %add3A_140, %rem3A_131 : i32
      %eq3A_142 = arith.constant 1 : i32
      %eq3A_143 = arith.cmpi eq, %select_n3A_141, %eq3A_142 : i32
      %convert_element_type3A_144 = arith.extui %eq3A_143 : i1 to i32
      %cond3A_145 = arith.constant 0 : i32
      %cond3A_146 = arith.cmpi ne, %convert_element_type3A_144, %cond3A_145 : i32
      scf.if %cond3A_146 {
        %add3A_148 = arith.constant 1 : i32
        %add3A_149 = arith.addi %while3A_103, %add3A_148 : i32
        %lt3A_150 = arith.cmpi slt, %add3A_149, %add3A_4 : i32
        %convert_element_type3A_151 = arith.extui %lt3A_150 : i1 to i32
        %cond3A_152 = arith.constant 0 : i32
        %cond3A_153 = arith.cmpi ne, %convert_element_type3A_151, %cond3A_152 : i32
        scf.if %cond3A_153 {
          %dma_wait3A_195 = arith.constant 0 : i32
          %dma_wait3A_196 = tpu.memref_slice %arg3[%dma_wait3A_195] : memref<320000xi32, #tpu.memory_space<hbm>> -> memref<128xi32, #tpu.memory_space<hbm>>
          %dma_wait3A_197 = arith.constant 0 : i32
          %dma_wait3A_198 = tpu.memref_slice %arg3[%dma_wait3A_197] : memref<320000xi32, #tpu.memory_space<hbm>> -> memref<128xi32, #tpu.memory_space<hbm>>
          tpu.wait_dma2 semaphore(%arg14 : memref<!tpu.dma_semaphore, #tpu.memory_space<semaphore_mem>>) src(%dma_wait3A_198 : memref<128xi32, #tpu.memory_space<hbm>>) dst(%arg7 : memref<128xi32, #tpu.memory_space<vmem>>)
          %dma_wait3A_199 = arith.constant 0 : i32
          %dma_wait3A_200 = tpu.memref_slice %arg3[%dma_wait3A_199] : memref<320000xi32, #tpu.memory_space<hbm>> -> memref<128xi32, #tpu.memory_space<hbm>>
          %dma_wait3A_201 = arith.constant 0 : i32
          %dma_wait3A_202 = tpu.memref_slice %arg3[%dma_wait3A_201] : memref<320000xi32, #tpu.memory_space<hbm>> -> memref<128xi32, #tpu.memory_space<hbm>>
          tpu.wait_dma2 semaphore(%arg14 : memref<!tpu.dma_semaphore, #tpu.memory_space<semaphore_mem>>) src(%dma_wait3A_202 : memref<128xi32, #tpu.memory_space<hbm>>) dst(%arg7 : memref<128xi32, #tpu.memory_space<vmem>>)
        } else {
        }
        %gt3A = arith.constant 0 : i32
        %gt3A_154 = arith.cmpi sgt, %while3A_103, %gt3A : i32
        %convert_element_type3A_155 = arith.extui %gt3A_154 : i1 to i32
        %cond3A_156 = arith.constant 0 : i32
        %cond3A_157 = arith.cmpi ne, %convert_element_type3A_155, %cond3A_156 : i32
        scf.if %cond3A_157 {
          %dma_wait3A_195 = arith.constant 0 : i32
          %dma_wait3A_196 = arith.constant 0 : i32
          %dma_wait3A_197 = tpu.memref_slice %arg9[%dma_wait3A_195, %dma_wait3A_196] : memref<4x128xi32, #tpu.memory_space<vmem>> -> memref<1x128xi32, #tpu.memory_space<vmem>>
          %dma_wait3A_198 = tpu.memref_squeeze %dma_wait3A_197 : memref<1x128xi32, #tpu.memory_space<vmem>> -> memref<128xi32, #tpu.memory_space<vmem>>
          %dma_wait3A_199 = arith.constant 0 : i32
          %dma_wait3A_200 = arith.constant 0 : i32
          %dma_wait3A_201 = tpu.memref_slice %arg13[%dma_wait3A_199, %dma_wait3A_200] : memref<10128x64xf32, #tpu.memory_space<vmem_shared>> -> memref<10128x64xf32, #tpu.memory_space<vmem_shared>>
          tpu.wait_indirect_dma semaphore(%arg18 : memref<!tpu.dma_semaphore, #tpu.memory_space<semaphore_mem>>) src(%arg10 : memref<128x64xf32, #tpu.memory_space<vmem>>) dst(%dma_wait3A_201 : memref<10128x64xf32, #tpu.memory_space<vmem_shared>>)
        } else {
        }
        %add3A_158 = arith.constant 1 : i32
        %add3A_159 = arith.addi %while3A_103, %add3A_158 : i32
        %lt3A_160 = arith.cmpi slt, %add3A_159, %add3A_4 : i32
        %convert_element_type3A_161 = arith.extui %lt3A_160 : i1 to i32
        %cond3A_162 = arith.constant 0 : i32
        %cond3A_163 = arith.cmpi ne, %convert_element_type3A_161, %cond3A_162 : i32
        scf.if %cond3A_163 {
          %dma_start3A_195 = arith.constant 0 : i32
          %dma_start3A_196 = arith.constant 0 : i32
          %dma_start3A_197 = tpu.memref_slice %arg12[%dma_start3A_195, %dma_start3A_196] : memref<10000x64xf32, #tpu.memory_space<vmem_shared>> -> memref<10000x64xf32, #tpu.memory_space<vmem_shared>>
          tpu.enqueue_indirect_dma source(%dma_start3A_197 : memref<10000x64xf32, #tpu.memory_space<vmem_shared>>) target(%arg10 : memref<128x64xf32, #tpu.memory_space<vmem>>) offsets(%arg7 : memref<128xi32, #tpu.memory_space<vmem>>) semaphore(%arg16 : memref<!tpu.dma_semaphore, #tpu.memory_space<semaphore_mem>>)
        } else {
        }
        %dma_wait3A_164 = arith.constant 0 : i32
        %dma_wait3A_165 = arith.constant 0 : i32
        %dma_wait3A_166 = tpu.memref_slice %arg12[%dma_wait3A_164, %dma_wait3A_165] : memref<10000x64xf32, #tpu.memory_space<vmem_shared>> -> memref<10000x64xf32, #tpu.memory_space<vmem_shared>>
        tpu.wait_indirect_dma semaphore(%arg17 : memref<!tpu.dma_semaphore, #tpu.memory_space<semaphore_mem>>) src(%dma_wait3A_166 : memref<10000x64xf32, #tpu.memory_space<vmem_shared>>) dst(%arg11 : memref<128x64xf32, #tpu.memory_space<vmem>>)
        %jit3A_167 = arith.constant 4 : i32
        %eq3A_168 = arith.constant 0 : i32
        %eq3A_169 = arith.cmpi eq, %jit3A_167, %eq3A_168 : i32
        %jit3A_170 = arith.constant 1 : i32
        %select_n3A_171 = arith.select %eq3A_169, %jit3A_170, %jit3A_167 : i32
        %rem3A_172 = arith.remsi %while3A_103, %select_n3A_171 : i32
        %ne3A_173 = arith.constant 0 : i32
        %ne3A_174 = arith.cmpi ne, %rem3A_172, %ne3A_173 : i32
        %lt3A_175 = arith.constant 0 : i32
        %lt3A_176 = arith.cmpi slt, %rem3A_172, %lt3A_175 : i32
        %lt3A_177 = arith.constant 0 : i32
        %lt3A_178 = arith.cmpi slt, %select_n3A_171, %lt3A_177 : i32
        %ne3A_179 = arith.xori %lt3A_176, %lt3A_178 : i1
        %and3A_180 = arith.andi %ne3A_179, %ne3A_174 : i1
        %add3A_181 = arith.addi %rem3A_172, %select_n3A_171 : i32
        %select_n3A_182 = arith.select %and3A_180, %add3A_181, %rem3A_172 : i32
        %dma_start3A_183 = arith.constant 0 : i32
        %dma_start3A_184 = tpu.memref_slice %arg9[%select_n3A_182, %dma_start3A_183] : memref<4x128xi32, #tpu.memory_space<vmem>> -> memref<1x128xi32, #tpu.memory_space<vmem>>
        %dma_start3A_185 = tpu.memref_squeeze %dma_start3A_184 : memref<1x128xi32, #tpu.memory_space<vmem>> -> memref<128xi32, #tpu.memory_space<vmem>>
        %dma_start3A_186 = arith.constant 0 : i32
        %dma_start3A_187 = arith.constant 0 : i32
        %dma_start3A_188 = tpu.memref_slice %arg13[%dma_start3A_186, %dma_start3A_187] : memref<10128x64xf32, #tpu.memory_space<vmem_shared>> -> memref<10128x64xf32, #tpu.memory_space<vmem_shared>>
        tpu.enqueue_indirect_dma source(%arg11 : memref<128x64xf32, #tpu.memory_space<vmem>>) target(%dma_start3A_188 : memref<10128x64xf32, #tpu.memory_space<vmem_shared>>) offsets(%dma_start3A_185 : memref<128xi32, #tpu.memory_space<vmem>>) semaphore(%arg18 : memref<!tpu.dma_semaphore, #tpu.memory_space<semaphore_mem>>) {add = true}
        %add3A_189 = arith.constant 2 : i32
        %add3A_190 = arith.addi %while3A_103, %add3A_189 : i32
        %lt3A_191 = arith.cmpi slt, %add3A_190, %add3A_4 : i32
        %convert_element_type3A_192 = arith.extui %lt3A_191 : i1 to i32
        %cond3A_193 = arith.constant 0 : i32
        %cond3A_194 = arith.cmpi ne, %convert_element_type3A_192, %cond3A_193 : i32
        scf.if %cond3A_194 {
          %add3A_195 = arith.constant 2 : i32
          %add3A_196 = arith.addi %while3A_103, %add3A_195 : i32
          %mul3A_197 = arith.constant 128 : i32
          %mul3A_198 = arith.muli %add3A_196, %mul3A_197 : i32
          %add3A_199 = arith.addi %mul3A_8, %mul3A_198 : i32
          %dma_start3A_200 = tpu.memref_slice %arg3[%add3A_199] : memref<320000xi32, #tpu.memory_space<hbm>> -> memref<128xi32, #tpu.memory_space<hbm>>
          %dma_start3A_201 = tpu.memref_slice %arg3[%add3A_199] : memref<320000xi32, #tpu.memory_space<hbm>> -> memref<128xi32, #tpu.memory_space<hbm>>
          tpu.enqueue_dma source(%dma_start3A_201 : memref<128xi32, #tpu.memory_space<hbm>>) target(%arg8 : memref<128xi32, #tpu.memory_space<vmem>>) target_semaphore(%arg15 : memref<!tpu.dma_semaphore, #tpu.memory_space<semaphore_mem>>)
          %jit3A_202 = arith.constant 4 : i32
          %eq3A_203 = arith.constant 0 : i32
          %eq3A_204 = arith.cmpi eq, %jit3A_202, %eq3A_203 : i32
          %jit3A_205 = arith.constant 1 : i32
          %select_n3A_206 = arith.select %eq3A_204, %jit3A_205, %jit3A_202 : i32
          %rem3A_207 = arith.remsi %add3A_196, %select_n3A_206 : i32
          %ne3A_208 = arith.constant 0 : i32
          %ne3A_209 = arith.cmpi ne, %rem3A_207, %ne3A_208 : i32
          %lt3A_210 = arith.constant 0 : i32
          %lt3A_211 = arith.cmpi slt, %rem3A_207, %lt3A_210 : i32
          %lt3A_212 = arith.constant 0 : i32
          %lt3A_213 = arith.cmpi slt, %select_n3A_206, %lt3A_212 : i32
          %ne3A_214 = arith.xori %lt3A_211, %lt3A_213 : i1
          %and3A_215 = arith.andi %ne3A_214, %ne3A_209 : i1
          %add3A_216 = arith.addi %rem3A_207, %select_n3A_206 : i32
          %select_n3A_217 = arith.select %and3A_215, %add3A_216, %rem3A_207 : i32
          %dma_start3A_218 = arith.constant 0 : i32
          %dma_start3A_219 = tpu.memref_slice %arg9[%select_n3A_217, %dma_start3A_218] : memref<4x128xi32, #tpu.memory_space<vmem>> -> memref<1x128xi32, #tpu.memory_space<vmem>>
          %dma_start3A_220 = tpu.memref_squeeze %dma_start3A_219 : memref<1x128xi32, #tpu.memory_space<vmem>> -> memref<128xi32, #tpu.memory_space<vmem>>
          %dma_start3A_221 = tpu.memref_slice %arg4[%add3A_199] : memref<320000xi32, #tpu.memory_space<hbm>> -> memref<128xi32, #tpu.memory_space<hbm>>
          %dma_start3A_222 = arith.constant 0 : i32
          %dma_start3A_223 = tpu.memref_slice %arg9[%select_n3A_217, %dma_start3A_222] : memref<4x128xi32, #tpu.memory_space<vmem>> -> memref<1x128xi32, #tpu.memory_space<vmem>>
          %dma_start3A_224 = tpu.memref_squeeze %dma_start3A_223 : memref<1x128xi32, #tpu.memory_space<vmem>> -> memref<128xi32, #tpu.memory_space<vmem>>
          %dma_start3A_225 = tpu.memref_slice %arg4[%add3A_199] : memref<320000xi32, #tpu.memory_space<hbm>> -> memref<128xi32, #tpu.memory_space<hbm>>
          tpu.enqueue_dma source(%dma_start3A_225 : memref<128xi32, #tpu.memory_space<hbm>>) target(%dma_start3A_224 : memref<128xi32, #tpu.memory_space<vmem>>) target_semaphore(%arg15 : memref<!tpu.dma_semaphore, #tpu.memory_space<semaphore_mem>>)
        } else {
        }
      } else {
      }
      %while3A_147 = arith.constant 0 : i32
      scf.yield %while3A_147 : i32
    }
    %while3A_57 = arith.constant 1 : i32
    %while3A_58 = scf.for %while3A_103 = %while3A_54 to %while3A_50 step %while3A_57 iter_args(%while3A_104 = %while3A_56) -> (i32)  : i32 {
      %jit3A_105 = arith.constant 2 : i32
      %eq3A_106 = arith.constant 0 : i32
      %eq3A_107 = arith.cmpi eq, %jit3A_105, %eq3A_106 : i32
      %jit3A_108 = arith.constant 1 : i32
      %select_n3A_109 = arith.select %eq3A_107, %jit3A_108, %jit3A_105 : i32
      %rem3A_110 = arith.remsi %while3A_103, %select_n3A_109 : i32
      %ne3A_111 = arith.constant 0 : i32
      %ne3A_112 = arith.cmpi ne, %rem3A_110, %ne3A_111 : i32
      %lt3A_113 = arith.constant 0 : i32
      %lt3A_114 = arith.cmpi slt, %rem3A_110, %lt3A_113 : i32
      %lt3A_115 = arith.constant 0 : i32
      %lt3A_116 = arith.cmpi slt, %select_n3A_109, %lt3A_115 : i32
      %ne3A_117 = arith.xori %lt3A_114, %lt3A_116 : i1
      %and3A_118 = arith.andi %ne3A_117, %ne3A_112 : i1
      %add3A_119 = arith.addi %rem3A_110, %select_n3A_109 : i32
      %select_n3A_120 = arith.select %and3A_118, %add3A_119, %rem3A_110 : i32
      %eq3A_121 = arith.constant 0 : i32
      %eq3A_122 = arith.cmpi eq, %select_n3A_120, %eq3A_121 : i32
      %convert_element_type3A_123 = arith.extui %eq3A_122 : i1 to i32
      %cond3A_124 = arith.constant 0 : i32
      %cond3A_125 = arith.cmpi ne, %convert_element_type3A_123, %cond3A_124 : i32
      scf.if %cond3A_125 {
        %add3A_148 = arith.constant 1 : i32
        %add3A_149 = arith.addi %while3A_103, %add3A_148 : i32
        %lt3A_150 = arith.cmpi slt, %add3A_149, %add3A_4 : i32
        %convert_element_type3A_151 = arith.extui %lt3A_150 : i1 to i32
        %cond3A_152 = arith.constant 0 : i32
        %cond3A_153 = arith.cmpi ne, %convert_element_type3A_151, %cond3A_152 : i32
        scf.if %cond3A_153 {
          %dma_wait3A_195 = arith.constant 0 : i32
          %dma_wait3A_196 = tpu.memref_slice %arg3[%dma_wait3A_195] : memref<320000xi32, #tpu.memory_space<hbm>> -> memref<128xi32, #tpu.memory_space<hbm>>
          %dma_wait3A_197 = arith.constant 0 : i32
          %dma_wait3A_198 = tpu.memref_slice %arg3[%dma_wait3A_197] : memref<320000xi32, #tpu.memory_space<hbm>> -> memref<128xi32, #tpu.memory_space<hbm>>
          tpu.wait_dma2 semaphore(%arg15 : memref<!tpu.dma_semaphore, #tpu.memory_space<semaphore_mem>>) src(%dma_wait3A_198 : memref<128xi32, #tpu.memory_space<hbm>>) dst(%arg8 : memref<128xi32, #tpu.memory_space<vmem>>)
          %dma_wait3A_199 = arith.constant 0 : i32
          %dma_wait3A_200 = tpu.memref_slice %arg3[%dma_wait3A_199] : memref<320000xi32, #tpu.memory_space<hbm>> -> memref<128xi32, #tpu.memory_space<hbm>>
          %dma_wait3A_201 = arith.constant 0 : i32
          %dma_wait3A_202 = tpu.memref_slice %arg3[%dma_wait3A_201] : memref<320000xi32, #tpu.memory_space<hbm>> -> memref<128xi32, #tpu.memory_space<hbm>>
          tpu.wait_dma2 semaphore(%arg15 : memref<!tpu.dma_semaphore, #tpu.memory_space<semaphore_mem>>) src(%dma_wait3A_202 : memref<128xi32, #tpu.memory_space<hbm>>) dst(%arg8 : memref<128xi32, #tpu.memory_space<vmem>>)
        } else {
        }
        %gt3A = arith.constant 0 : i32
        %gt3A_154 = arith.cmpi sgt, %while3A_103, %gt3A : i32
        %convert_element_type3A_155 = arith.extui %gt3A_154 : i1 to i32
        %cond3A_156 = arith.constant 0 : i32
        %cond3A_157 = arith.cmpi ne, %convert_element_type3A_155, %cond3A_156 : i32
        scf.if %cond3A_157 {
          %dma_wait3A_195 = arith.constant 0 : i32
          %dma_wait3A_196 = arith.constant 0 : i32
          %dma_wait3A_197 = tpu.memref_slice %arg9[%dma_wait3A_195, %dma_wait3A_196] : memref<4x128xi32, #tpu.memory_space<vmem>> -> memref<1x128xi32, #tpu.memory_space<vmem>>
          %dma_wait3A_198 = tpu.memref_squeeze %dma_wait3A_197 : memref<1x128xi32, #tpu.memory_space<vmem>> -> memref<128xi32, #tpu.memory_space<vmem>>
          %dma_wait3A_199 = arith.constant 0 : i32
          %dma_wait3A_200 = arith.constant 0 : i32
          %dma_wait3A_201 = tpu.memref_slice %arg13[%dma_wait3A_199, %dma_wait3A_200] : memref<10128x64xf32, #tpu.memory_space<vmem_shared>> -> memref<10128x64xf32, #tpu.memory_space<vmem_shared>>
          tpu.wait_indirect_dma semaphore(%arg18 : memref<!tpu.dma_semaphore, #tpu.memory_space<semaphore_mem>>) src(%arg11 : memref<128x64xf32, #tpu.memory_space<vmem>>) dst(%dma_wait3A_201 : memref<10128x64xf32, #tpu.memory_space<vmem_shared>>)
        } else {
        }
        %add3A_158 = arith.constant 1 : i32
        %add3A_159 = arith.addi %while3A_103, %add3A_158 : i32
        %lt3A_160 = arith.cmpi slt, %add3A_159, %add3A_4 : i32
        %convert_element_type3A_161 = arith.extui %lt3A_160 : i1 to i32
        %cond3A_162 = arith.constant 0 : i32
        %cond3A_163 = arith.cmpi ne, %convert_element_type3A_161, %cond3A_162 : i32
        scf.if %cond3A_163 {
          %dma_start3A_195 = arith.constant 0 : i32
          %dma_start3A_196 = arith.constant 0 : i32
          %dma_start3A_197 = tpu.memref_slice %arg12[%dma_start3A_195, %dma_start3A_196] : memref<10000x64xf32, #tpu.memory_space<vmem_shared>> -> memref<10000x64xf32, #tpu.memory_space<vmem_shared>>
          tpu.enqueue_indirect_dma source(%dma_start3A_197 : memref<10000x64xf32, #tpu.memory_space<vmem_shared>>) target(%arg11 : memref<128x64xf32, #tpu.memory_space<vmem>>) offsets(%arg8 : memref<128xi32, #tpu.memory_space<vmem>>) semaphore(%arg17 : memref<!tpu.dma_semaphore, #tpu.memory_space<semaphore_mem>>)
        } else {
        }
        %dma_wait3A_164 = arith.constant 0 : i32
        %dma_wait3A_165 = arith.constant 0 : i32
        %dma_wait3A_166 = tpu.memref_slice %arg12[%dma_wait3A_164, %dma_wait3A_165] : memref<10000x64xf32, #tpu.memory_space<vmem_shared>> -> memref<10000x64xf32, #tpu.memory_space<vmem_shared>>
        tpu.wait_indirect_dma semaphore(%arg16 : memref<!tpu.dma_semaphore, #tpu.memory_space<semaphore_mem>>) src(%dma_wait3A_166 : memref<10000x64xf32, #tpu.memory_space<vmem_shared>>) dst(%arg10 : memref<128x64xf32, #tpu.memory_space<vmem>>)
        %jit3A_167 = arith.constant 4 : i32
        %eq3A_168 = arith.constant 0 : i32
        %eq3A_169 = arith.cmpi eq, %jit3A_167, %eq3A_168 : i32
        %jit3A_170 = arith.constant 1 : i32
        %select_n3A_171 = arith.select %eq3A_169, %jit3A_170, %jit3A_167 : i32
        %rem3A_172 = arith.remsi %while3A_103, %select_n3A_171 : i32
        %ne3A_173 = arith.constant 0 : i32
        %ne3A_174 = arith.cmpi ne, %rem3A_172, %ne3A_173 : i32
        %lt3A_175 = arith.constant 0 : i32
        %lt3A_176 = arith.cmpi slt, %rem3A_172, %lt3A_175 : i32
        %lt3A_177 = arith.constant 0 : i32
        %lt3A_178 = arith.cmpi slt, %select_n3A_171, %lt3A_177 : i32
        %ne3A_179 = arith.xori %lt3A_176, %lt3A_178 : i1
        %and3A_180 = arith.andi %ne3A_179, %ne3A_174 : i1
        %add3A_181 = arith.addi %rem3A_172, %select_n3A_171 : i32
        %select_n3A_182 = arith.select %and3A_180, %add3A_181, %rem3A_172 : i32
        %dma_start3A_183 = arith.constant 0 : i32
        %dma_start3A_184 = tpu.memref_slice %arg9[%select_n3A_182, %dma_start3A_183] : memref<4x128xi32, #tpu.memory_space<vmem>> -> memref<1x128xi32, #tpu.memory_space<vmem>>
        %dma_start3A_185 = tpu.memref_squeeze %dma_start3A_184 : memref<1x128xi32, #tpu.memory_space<vmem>> -> memref<128xi32, #tpu.memory_space<vmem>>
        %dma_start3A_186 = arith.constant 0 : i32
        %dma_start3A_187 = arith.constant 0 : i32
        %dma_start3A_188 = tpu.memref_slice %arg13[%dma_start3A_186, %dma_start3A_187] : memref<10128x64xf32, #tpu.memory_space<vmem_shared>> -> memref<10128x64xf32, #tpu.memory_space<vmem_shared>>
        tpu.enqueue_indirect_dma source(%arg10 : memref<128x64xf32, #tpu.memory_space<vmem>>) target(%dma_start3A_188 : memref<10128x64xf32, #tpu.memory_space<vmem_shared>>) offsets(%dma_start3A_185 : memref<128xi32, #tpu.memory_space<vmem>>) semaphore(%arg18 : memref<!tpu.dma_semaphore, #tpu.memory_space<semaphore_mem>>) {add = true}
        %add3A_189 = arith.constant 2 : i32
        %add3A_190 = arith.addi %while3A_103, %add3A_189 : i32
        %lt3A_191 = arith.cmpi slt, %add3A_190, %add3A_4 : i32
        %convert_element_type3A_192 = arith.extui %lt3A_191 : i1 to i32
        %cond3A_193 = arith.constant 0 : i32
        %cond3A_194 = arith.cmpi ne, %convert_element_type3A_192, %cond3A_193 : i32
        scf.if %cond3A_194 {
          %add3A_195 = arith.constant 2 : i32
          %add3A_196 = arith.addi %while3A_103, %add3A_195 : i32
          %mul3A_197 = arith.constant 128 : i32
          %mul3A_198 = arith.muli %add3A_196, %mul3A_197 : i32
          %add3A_199 = arith.addi %mul3A_8, %mul3A_198 : i32
          %dma_start3A_200 = tpu.memref_slice %arg3[%add3A_199] : memref<320000xi32, #tpu.memory_space<hbm>> -> memref<128xi32, #tpu.memory_space<hbm>>
          %dma_start3A_201 = tpu.memref_slice %arg3[%add3A_199] : memref<320000xi32, #tpu.memory_space<hbm>> -> memref<128xi32, #tpu.memory_space<hbm>>
          tpu.enqueue_dma source(%dma_start3A_201 : memref<128xi32, #tpu.memory_space<hbm>>) target(%arg7 : memref<128xi32, #tpu.memory_space<vmem>>) target_semaphore(%arg14 : memref<!tpu.dma_semaphore, #tpu.memory_space<semaphore_mem>>)
          %jit3A_202 = arith.constant 4 : i32
          %eq3A_203 = arith.constant 0 : i32
          %eq3A_204 = arith.cmpi eq, %jit3A_202, %eq3A_203 : i32
          %jit3A_205 = arith.constant 1 : i32
          %select_n3A_206 = arith.select %eq3A_204, %jit3A_205, %jit3A_202 : i32
          %rem3A_207 = arith.remsi %add3A_196, %select_n3A_206 : i32
          %ne3A_208 = arith.constant 0 : i32
          %ne3A_209 = arith.cmpi ne, %rem3A_207, %ne3A_208 : i32
          %lt3A_210 = arith.constant 0 : i32
          %lt3A_211 = arith.cmpi slt, %rem3A_207, %lt3A_210 : i32
          %lt3A_212 = arith.constant 0 : i32
          %lt3A_213 = arith.cmpi slt, %select_n3A_206, %lt3A_212 : i32
          %ne3A_214 = arith.xori %lt3A_211, %lt3A_213 : i1
          %and3A_215 = arith.andi %ne3A_214, %ne3A_209 : i1
          %add3A_216 = arith.addi %rem3A_207, %select_n3A_206 : i32
          %select_n3A_217 = arith.select %and3A_215, %add3A_216, %rem3A_207 : i32
          %dma_start3A_218 = arith.constant 0 : i32
          %dma_start3A_219 = tpu.memref_slice %arg9[%select_n3A_217, %dma_start3A_218] : memref<4x128xi32, #tpu.memory_space<vmem>> -> memref<1x128xi32, #tpu.memory_space<vmem>>
          %dma_start3A_220 = tpu.memref_squeeze %dma_start3A_219 : memref<1x128xi32, #tpu.memory_space<vmem>> -> memref<128xi32, #tpu.memory_space<vmem>>
          %dma_start3A_221 = tpu.memref_slice %arg4[%add3A_199] : memref<320000xi32, #tpu.memory_space<hbm>> -> memref<128xi32, #tpu.memory_space<hbm>>
          %dma_start3A_222 = arith.constant 0 : i32
          %dma_start3A_223 = tpu.memref_slice %arg9[%select_n3A_217, %dma_start3A_222] : memref<4x128xi32, #tpu.memory_space<vmem>> -> memref<1x128xi32, #tpu.memory_space<vmem>>
          %dma_start3A_224 = tpu.memref_squeeze %dma_start3A_223 : memref<1x128xi32, #tpu.memory_space<vmem>> -> memref<128xi32, #tpu.memory_space<vmem>>
          %dma_start3A_225 = tpu.memref_slice %arg4[%add3A_199] : memref<320000xi32, #tpu.memory_space<hbm>> -> memref<128xi32, #tpu.memory_space<hbm>>
          tpu.enqueue_dma source(%dma_start3A_225 : memref<128xi32, #tpu.memory_space<hbm>>) target(%dma_start3A_224 : memref<128xi32, #tpu.memory_space<vmem>>) target_semaphore(%arg14 : memref<!tpu.dma_semaphore, #tpu.memory_space<semaphore_mem>>)
        } else {
        }
      } else {
      }
      %jit3A_126 = arith.constant 2 : i32
      %eq3A_127 = arith.constant 0 : i32
      %eq3A_128 = arith.cmpi eq, %jit3A_126, %eq3A_127 : i32
      %jit3A_129 = arith.constant 1 : i32
      %select_n3A_130 = arith.select %eq3A_128, %jit3A_129, %jit3A_126 : i32
      %rem3A_131 = arith.remsi %while3A_103, %select_n3A_130 : i32
      %ne3A_132 = arith.constant 0 : i32
      %ne3A_133 = arith.cmpi ne, %rem3A_131, %ne3A_132 : i32
      %lt3A_134 = arith.constant 0 : i32
      %lt3A_135 = arith.cmpi slt, %rem3A_131, %lt3A_134 : i32
      %lt3A_136 = arith.constant 0 : i32
      %lt3A_137 = arith.cmpi slt, %select_n3A_130, %lt3A_136 : i32
      %ne3A_138 = arith.xori %lt3A_135, %lt3A_137 : i1
      %and3A_139 = arith.andi %ne3A_138, %ne3A_133 : i1
      %add3A_140 = arith.addi %rem3A_131, %select_n3A_130 : i32
      %select_n3A_141 = arith.select %and3A_139, %add3A_140, %rem3A_131 : i32
      %eq3A_142 = arith.constant 1 : i32
      %eq3A_143 = arith.cmpi eq, %select_n3A_141, %eq3A_142 : i32
      %convert_element_type3A_144 = arith.extui %eq3A_143 : i1 to i32
      %cond3A_145 = arith.constant 0 : i32
      %cond3A_146 = arith.cmpi ne, %convert_element_type3A_144, %cond3A_145 : i32
      scf.if %cond3A_146 {
        %add3A_148 = arith.constant 1 : i32
        %add3A_149 = arith.addi %while3A_103, %add3A_148 : i32
        %lt3A_150 = arith.cmpi slt, %add3A_149, %add3A_4 : i32
        %convert_element_type3A_151 = arith.extui %lt3A_150 : i1 to i32
        %cond3A_152 = arith.constant 0 : i32
        %cond3A_153 = arith.cmpi ne, %convert_element_type3A_151, %cond3A_152 : i32
        scf.if %cond3A_153 {
          %dma_wait3A_195 = arith.constant 0 : i32
          %dma_wait3A_196 = tpu.memref_slice %arg3[%dma_wait3A_195] : memref<320000xi32, #tpu.memory_space<hbm>> -> memref<128xi32, #tpu.memory_space<hbm>>
          %dma_wait3A_197 = arith.constant 0 : i32
          %dma_wait3A_198 = tpu.memref_slice %arg3[%dma_wait3A_197] : memref<320000xi32, #tpu.memory_space<hbm>> -> memref<128xi32, #tpu.memory_space<hbm>>
          tpu.wait_dma2 semaphore(%arg14 : memref<!tpu.dma_semaphore, #tpu.memory_space<semaphore_mem>>) src(%dma_wait3A_198 : memref<128xi32, #tpu.memory_space<hbm>>) dst(%arg7 : memref<128xi32, #tpu.memory_space<vmem>>)
          %dma_wait3A_199 = arith.constant 0 : i32
          %dma_wait3A_200 = tpu.memref_slice %arg3[%dma_wait3A_199] : memref<320000xi32, #tpu.memory_space<hbm>> -> memref<128xi32, #tpu.memory_space<hbm>>
          %dma_wait3A_201 = arith.constant 0 : i32
          %dma_wait3A_202 = tpu.memref_slice %arg3[%dma_wait3A_201] : memref<320000xi32, #tpu.memory_space<hbm>> -> memref<128xi32, #tpu.memory_space<hbm>>
          tpu.wait_dma2 semaphore(%arg14 : memref<!tpu.dma_semaphore, #tpu.memory_space<semaphore_mem>>) src(%dma_wait3A_202 : memref<128xi32, #tpu.memory_space<hbm>>) dst(%arg7 : memref<128xi32, #tpu.memory_space<vmem>>)
        } else {
        }
        %gt3A = arith.constant 0 : i32
        %gt3A_154 = arith.cmpi sgt, %while3A_103, %gt3A : i32
        %convert_element_type3A_155 = arith.extui %gt3A_154 : i1 to i32
        %cond3A_156 = arith.constant 0 : i32
        %cond3A_157 = arith.cmpi ne, %convert_element_type3A_155, %cond3A_156 : i32
        scf.if %cond3A_157 {
          %dma_wait3A_195 = arith.constant 0 : i32
          %dma_wait3A_196 = arith.constant 0 : i32
          %dma_wait3A_197 = tpu.memref_slice %arg9[%dma_wait3A_195, %dma_wait3A_196] : memref<4x128xi32, #tpu.memory_space<vmem>> -> memref<1x128xi32, #tpu.memory_space<vmem>>
          %dma_wait3A_198 = tpu.memref_squeeze %dma_wait3A_197 : memref<1x128xi32, #tpu.memory_space<vmem>> -> memref<128xi32, #tpu.memory_space<vmem>>
          %dma_wait3A_199 = arith.constant 0 : i32
          %dma_wait3A_200 = arith.constant 0 : i32
          %dma_wait3A_201 = tpu.memref_slice %arg13[%dma_wait3A_199, %dma_wait3A_200] : memref<10128x64xf32, #tpu.memory_space<vmem_shared>> -> memref<10128x64xf32, #tpu.memory_space<vmem_shared>>
          tpu.wait_indirect_dma semaphore(%arg18 : memref<!tpu.dma_semaphore, #tpu.memory_space<semaphore_mem>>) src(%arg10 : memref<128x64xf32, #tpu.memory_space<vmem>>) dst(%dma_wait3A_201 : memref<10128x64xf32, #tpu.memory_space<vmem_shared>>)
        } else {
        }
        %add3A_158 = arith.constant 1 : i32
        %add3A_159 = arith.addi %while3A_103, %add3A_158 : i32
        %lt3A_160 = arith.cmpi slt, %add3A_159, %add3A_4 : i32
        %convert_element_type3A_161 = arith.extui %lt3A_160 : i1 to i32
        %cond3A_162 = arith.constant 0 : i32
        %cond3A_163 = arith.cmpi ne, %convert_element_type3A_161, %cond3A_162 : i32
        scf.if %cond3A_163 {
          %dma_start3A_195 = arith.constant 0 : i32
          %dma_start3A_196 = arith.constant 0 : i32
          %dma_start3A_197 = tpu.memref_slice %arg12[%dma_start3A_195, %dma_start3A_196] : memref<10000x64xf32, #tpu.memory_space<vmem_shared>> -> memref<10000x64xf32, #tpu.memory_space<vmem_shared>>
          tpu.enqueue_indirect_dma source(%dma_start3A_197 : memref<10000x64xf32, #tpu.memory_space<vmem_shared>>) target(%arg10 : memref<128x64xf32, #tpu.memory_space<vmem>>) offsets(%arg7 : memref<128xi32, #tpu.memory_space<vmem>>) semaphore(%arg16 : memref<!tpu.dma_semaphore, #tpu.memory_space<semaphore_mem>>)
        } else {
        }
        %dma_wait3A_164 = arith.constant 0 : i32
        %dma_wait3A_165 = arith.constant 0 : i32
        %dma_wait3A_166 = tpu.memref_slice %arg12[%dma_wait3A_164, %dma_wait3A_165] : memref<10000x64xf32, #tpu.memory_space<vmem_shared>> -> memref<10000x64xf32, #tpu.memory_space<vmem_shared>>
        tpu.wait_indirect_dma semaphore(%arg17 : memref<!tpu.dma_semaphore, #tpu.memory_space<semaphore_mem>>) src(%dma_wait3A_166 : memref<10000x64xf32, #tpu.memory_space<vmem_shared>>) dst(%arg11 : memref<128x64xf32, #tpu.memory_space<vmem>>)
        %jit3A_167 = arith.constant 4 : i32
        %eq3A_168 = arith.constant 0 : i32
        %eq3A_169 = arith.cmpi eq, %jit3A_167, %eq3A_168 : i32
        %jit3A_170 = arith.constant 1 : i32
        %select_n3A_171 = arith.select %eq3A_169, %jit3A_170, %jit3A_167 : i32
        %rem3A_172 = arith.remsi %while3A_103, %select_n3A_171 : i32
        %ne3A_173 = arith.constant 0 : i32
        %ne3A_174 = arith.cmpi ne, %rem3A_172, %ne3A_173 : i32
        %lt3A_175 = arith.constant 0 : i32
        %lt3A_176 = arith.cmpi slt, %rem3A_172, %lt3A_175 : i32
        %lt3A_177 = arith.constant 0 : i32
        %lt3A_178 = arith.cmpi slt, %select_n3A_171, %lt3A_177 : i32
        %ne3A_179 = arith.xori %lt3A_176, %lt3A_178 : i1
        %and3A_180 = arith.andi %ne3A_179, %ne3A_174 : i1
        %add3A_181 = arith.addi %rem3A_172, %select_n3A_171 : i32
        %select_n3A_182 = arith.select %and3A_180, %add3A_181, %rem3A_172 : i32
        %dma_start3A_183 = arith.constant 0 : i32
        %dma_start3A_184 = tpu.memref_slice %arg9[%select_n3A_182, %dma_start3A_183] : memref<4x128xi32, #tpu.memory_space<vmem>> -> memref<1x128xi32, #tpu.memory_space<vmem>>
        %dma_start3A_185 = tpu.memref_squeeze %dma_start3A_184 : memref<1x128xi32, #tpu.memory_space<vmem>> -> memref<128xi32, #tpu.memory_space<vmem>>
        %dma_start3A_186 = arith.constant 0 : i32
        %dma_start3A_187 = arith.constant 0 : i32
        %dma_start3A_188 = tpu.memref_slice %arg13[%dma_start3A_186, %dma_start3A_187] : memref<10128x64xf32, #tpu.memory_space<vmem_shared>> -> memref<10128x64xf32, #tpu.memory_space<vmem_shared>>
        tpu.enqueue_indirect_dma source(%arg11 : memref<128x64xf32, #tpu.memory_space<vmem>>) target(%dma_start3A_188 : memref<10128x64xf32, #tpu.memory_space<vmem_shared>>) offsets(%dma_start3A_185 : memref<128xi32, #tpu.memory_space<vmem>>) semaphore(%arg18 : memref<!tpu.dma_semaphore, #tpu.memory_space<semaphore_mem>>) {add = true}
        %add3A_189 = arith.constant 2 : i32
        %add3A_190 = arith.addi %while3A_103, %add3A_189 : i32
        %lt3A_191 = arith.cmpi slt, %add3A_190, %add3A_4 : i32
        %convert_element_type3A_192 = arith.extui %lt3A_191 : i1 to i32
        %cond3A_193 = arith.constant 0 : i32
        %cond3A_194 = arith.cmpi ne, %convert_element_type3A_192, %cond3A_193 : i32
        scf.if %cond3A_194 {
          %add3A_195 = arith.constant 2 : i32
          %add3A_196 = arith.addi %while3A_103, %add3A_195 : i32
          %mul3A_197 = arith.constant 128 : i32
          %mul3A_198 = arith.muli %add3A_196, %mul3A_197 : i32
          %add3A_199 = arith.addi %mul3A_8, %mul3A_198 : i32
          %dma_start3A_200 = tpu.memref_slice %arg3[%add3A_199] : memref<320000xi32, #tpu.memory_space<hbm>> -> memref<128xi32, #tpu.memory_space<hbm>>
          %dma_start3A_201 = tpu.memref_slice %arg3[%add3A_199] : memref<320000xi32, #tpu.memory_space<hbm>> -> memref<128xi32, #tpu.memory_space<hbm>>
          tpu.enqueue_dma source(%dma_start3A_201 : memref<128xi32, #tpu.memory_space<hbm>>) target(%arg8 : memref<128xi32, #tpu.memory_space<vmem>>) target_semaphore(%arg15 : memref<!tpu.dma_semaphore, #tpu.memory_space<semaphore_mem>>)
          %jit3A_202 = arith.constant 4 : i32
          %eq3A_203 = arith.constant 0 : i32
          %eq3A_204 = arith.cmpi eq, %jit3A_202, %eq3A_203 : i32
          %jit3A_205 = arith.constant 1 : i32
          %select_n3A_206 = arith.select %eq3A_204, %jit3A_205, %jit3A_202 : i32
          %rem3A_207 = arith.remsi %add3A_196, %select_n3A_206 : i32
          %ne3A_208 = arith.constant 0 : i32
          %ne3A_209 = arith.cmpi ne, %rem3A_207, %ne3A_208 : i32
          %lt3A_210 = arith.constant 0 : i32
          %lt3A_211 = arith.cmpi slt, %rem3A_207, %lt3A_210 : i32
          %lt3A_212 = arith.constant 0 : i32
          %lt3A_213 = arith.cmpi slt, %select_n3A_206, %lt3A_212 : i32
          %ne3A_214 = arith.xori %lt3A_211, %lt3A_213 : i1
          %and3A_215 = arith.andi %ne3A_214, %ne3A_209 : i1
          %add3A_216 = arith.addi %rem3A_207, %select_n3A_206 : i32
          %select_n3A_217 = arith.select %and3A_215, %add3A_216, %rem3A_207 : i32
          %dma_start3A_218 = arith.constant 0 : i32
          %dma_start3A_219 = tpu.memref_slice %arg9[%select_n3A_217, %dma_start3A_218] : memref<4x128xi32, #tpu.memory_space<vmem>> -> memref<1x128xi32, #tpu.memory_space<vmem>>
          %dma_start3A_220 = tpu.memref_squeeze %dma_start3A_219 : memref<1x128xi32, #tpu.memory_space<vmem>> -> memref<128xi32, #tpu.memory_space<vmem>>
          %dma_start3A_221 = tpu.memref_slice %arg4[%add3A_199] : memref<320000xi32, #tpu.memory_space<hbm>> -> memref<128xi32, #tpu.memory_space<hbm>>
          %dma_start3A_222 = arith.constant 0 : i32
          %dma_start3A_223 = tpu.memref_slice %arg9[%select_n3A_217, %dma_start3A_222] : memref<4x128xi32, #tpu.memory_space<vmem>> -> memref<1x128xi32, #tpu.memory_space<vmem>>
          %dma_start3A_224 = tpu.memref_squeeze %dma_start3A_223 : memref<1x128xi32, #tpu.memory_space<vmem>> -> memref<128xi32, #tpu.memory_space<vmem>>
          %dma_start3A_225 = tpu.memref_slice %arg4[%add3A_199] : memref<320000xi32, #tpu.memory_space<hbm>> -> memref<128xi32, #tpu.memory_space<hbm>>
          tpu.enqueue_dma source(%dma_start3A_225 : memref<128xi32, #tpu.memory_space<hbm>>) target(%dma_start3A_224 : memref<128xi32, #tpu.memory_space<vmem>>) target_semaphore(%arg15 : memref<!tpu.dma_semaphore, #tpu.memory_space<semaphore_mem>>)
        } else {
        }
      } else {
      }
      %while3A_147 = arith.constant 0 : i32
      scf.yield %while3A_147 : i32
    }
    %jit3A_59 = arith.constant 2 : i32
    %eq3A_60 = arith.constant 0 : i32
    %eq3A_61 = arith.cmpi eq, %jit3A_59, %eq3A_60 : i32
    %jit3A_62 = arith.constant 1 : i32
    %select_n3A_63 = arith.select %eq3A_61, %jit3A_62, %jit3A_59 : i32
    %rem3A = arith.remsi %add3A_4, %select_n3A_63 : i32
    %ne3A = arith.constant 0 : i32
    %ne3A_64 = arith.cmpi ne, %rem3A, %ne3A : i32
    %lt3A = arith.constant 0 : i32
    %lt3A_65 = arith.cmpi slt, %rem3A, %lt3A : i32
    %lt3A_66 = arith.constant 0 : i32
    %lt3A_67 = arith.cmpi slt, %select_n3A_63, %lt3A_66 : i32
    %ne3A_68 = arith.xori %lt3A_65, %lt3A_67 : i1
    %and3A = arith.andi %ne3A_68, %ne3A_64 : i1
    %add3A_69 = arith.addi %rem3A, %select_n3A_63 : i32
    %select_n3A_70 = arith.select %and3A, %add3A_69, %rem3A : i32
    %eq3A_71 = arith.constant 1 : i32
    %eq3A_72 = arith.cmpi eq, %select_n3A_70, %eq3A_71 : i32
    %convert_element_type3A_73 = arith.extui %eq3A_72 : i1 to i32
    %cond3A_74 = arith.constant 0 : i32
    %cond3A_75 = arith.cmpi ne, %convert_element_type3A_73, %cond3A_74 : i32
    scf.if %cond3A_75 {
      %dma_wait3A_103 = arith.constant 0 : i32
      %dma_wait3A_104 = arith.constant 0 : i32
      %dma_wait3A_105 = tpu.memref_slice %arg9[%dma_wait3A_103, %dma_wait3A_104] : memref<4x128xi32, #tpu.memory_space<vmem>> -> memref<1x128xi32, #tpu.memory_space<vmem>>
      %dma_wait3A_106 = tpu.memref_squeeze %dma_wait3A_105 : memref<1x128xi32, #tpu.memory_space<vmem>> -> memref<128xi32, #tpu.memory_space<vmem>>
      %dma_wait3A_107 = arith.constant 0 : i32
      %dma_wait3A_108 = arith.constant 0 : i32
      %dma_wait3A_109 = tpu.memref_slice %arg13[%dma_wait3A_107, %dma_wait3A_108] : memref<10128x64xf32, #tpu.memory_space<vmem_shared>> -> memref<10128x64xf32, #tpu.memory_space<vmem_shared>>
      tpu.wait_indirect_dma semaphore(%arg18 : memref<!tpu.dma_semaphore, #tpu.memory_space<semaphore_mem>>) src(%arg10 : memref<128x64xf32, #tpu.memory_space<vmem>>) dst(%dma_wait3A_109 : memref<10128x64xf32, #tpu.memory_space<vmem_shared>>)
    } else {
    }
    %jit3A_76 = arith.constant 2 : i32
    %eq3A_77 = arith.constant 0 : i32
    %eq3A_78 = arith.cmpi eq, %jit3A_76, %eq3A_77 : i32
    %jit3A_79 = arith.constant 1 : i32
    %select_n3A_80 = arith.select %eq3A_78, %jit3A_79, %jit3A_76 : i32
    %rem3A_81 = arith.remsi %add3A_4, %select_n3A_80 : i32
    %ne3A_82 = arith.constant 0 : i32
    %ne3A_83 = arith.cmpi ne, %rem3A_81, %ne3A_82 : i32
    %lt3A_84 = arith.constant 0 : i32
    %lt3A_85 = arith.cmpi slt, %rem3A_81, %lt3A_84 : i32
    %lt3A_86 = arith.constant 0 : i32
    %lt3A_87 = arith.cmpi slt, %select_n3A_80, %lt3A_86 : i32
    %ne3A_88 = arith.xori %lt3A_85, %lt3A_87 : i1
    %and3A_89 = arith.andi %ne3A_88, %ne3A_83 : i1
    %add3A_90 = arith.addi %rem3A_81, %select_n3A_80 : i32
    %select_n3A_91 = arith.select %and3A_89, %add3A_90, %rem3A_81 : i32
    %eq3A_92 = arith.constant 0 : i32
    %eq3A_93 = arith.cmpi eq, %select_n3A_91, %eq3A_92 : i32
    %convert_element_type3A_94 = arith.extui %eq3A_93 : i1 to i32
    %cond3A_95 = arith.constant 0 : i32
    %cond3A_96 = arith.cmpi ne, %convert_element_type3A_94, %cond3A_95 : i32
    scf.if %cond3A_96 {
      %dma_wait3A_103 = arith.constant 0 : i32
      %dma_wait3A_104 = arith.constant 0 : i32
      %dma_wait3A_105 = tpu.memref_slice %arg9[%dma_wait3A_103, %dma_wait3A_104] : memref<4x128xi32, #tpu.memory_space<vmem>> -> memref<1x128xi32, #tpu.memory_space<vmem>>
      %dma_wait3A_106 = tpu.memref_squeeze %dma_wait3A_105 : memref<1x128xi32, #tpu.memory_space<vmem>> -> memref<128xi32, #tpu.memory_space<vmem>>
      %dma_wait3A_107 = arith.constant 0 : i32
      %dma_wait3A_108 = arith.constant 0 : i32
      %dma_wait3A_109 = tpu.memref_slice %arg13[%dma_wait3A_107, %dma_wait3A_108] : memref<10128x64xf32, #tpu.memory_space<vmem_shared>> -> memref<10128x64xf32, #tpu.memory_space<vmem_shared>>
      tpu.wait_indirect_dma semaphore(%arg18 : memref<!tpu.dma_semaphore, #tpu.memory_space<semaphore_mem>>) src(%arg11 : memref<128x64xf32, #tpu.memory_space<vmem>>) dst(%dma_wait3A_109 : memref<10128x64xf32, #tpu.memory_space<vmem_shared>>)
    } else {
    }
    %barrier3A_97 = arith.constant 0 : index
    tpu.barrier barrier_id(%barrier3A_97)
    "tpu.region"() ({
      %run_scoped3A = tpu.sem_alloc : memref<!tpu.dma_semaphore, #tpu.memory_space<semaphore_mem>>
      %dma_start3A_103 = arith.constant 0 : i32
      %dma_start3A_104 = tpu.memref_slice %arg6[%arg0, %mul3A_10, %dma_start3A_103] : memref<2x10000x64xf32, #tpu.memory_space<hbm>> -> memref<1x624x64xf32, #tpu.memory_space<hbm>>
      %dma_start3A_105 = tpu.memref_squeeze %dma_start3A_104 : memref<1x624x64xf32, #tpu.memory_space<hbm>> -> memref<624x64xf32, #tpu.memory_space<hbm>>
      %dma_start3A_106 = arith.constant 0 : i32
      %dma_start3A_107 = tpu.memref_slice %arg13[%mul3A_10, %dma_start3A_106] : memref<10128x64xf32, #tpu.memory_space<vmem_shared>> -> memref<624x64xf32, #tpu.memory_space<vmem_shared>>
      tpu.enqueue_dma source(%dma_start3A_107 : memref<624x64xf32, #tpu.memory_space<vmem_shared>>) target(%dma_start3A_105 : memref<624x64xf32, #tpu.memory_space<hbm>>) target_semaphore(%run_scoped3A : memref<!tpu.dma_semaphore, #tpu.memory_space<semaphore_mem>>)
      %dma_wait3A_108 = arith.constant 0 : i32
      %dma_wait3A_109 = tpu.memref_slice %arg6[%arg0, %mul3A_10, %dma_wait3A_108] : memref<2x10000x64xf32, #tpu.memory_space<hbm>> -> memref<1x624x64xf32, #tpu.memory_space<hbm>>
      %dma_wait3A_110 = tpu.memref_squeeze %dma_wait3A_109 : memref<1x624x64xf32, #tpu.memory_space<hbm>> -> memref<624x64xf32, #tpu.memory_space<hbm>>
      %dma_wait3A_111 = arith.constant 0 : i32
      %dma_wait3A_112 = tpu.memref_slice %arg13[%mul3A_10, %dma_wait3A_111] : memref<10128x64xf32, #tpu.memory_space<vmem_shared>> -> memref<624x64xf32, #tpu.memory_space<vmem_shared>>
      tpu.wait_dma2 semaphore(%run_scoped3A : memref<!tpu.dma_semaphore, #tpu.memory_space<semaphore_mem>>) src(%dma_wait3A_112 : memref<624x64xf32, #tpu.memory_space<vmem_shared>>) dst(%dma_wait3A_110 : memref<624x64xf32, #tpu.memory_space<hbm>>)
      tpu.yield
    }) : () -> ()
    %eq3A_98 = arith.constant 15 : i32
    %eq3A_99 = arith.cmpi eq, %arg1, %eq3A_98 : i32
    %convert_element_type3A_100 = arith.extui %eq3A_99 : i1 to i32
    %cond3A_101 = arith.constant 0 : i32
    %cond3A_102 = arith.cmpi ne, %convert_element_type3A_100, %cond3A_101 : i32
    scf.if %cond3A_102 {
      "tpu.region"() ({
        %run_scoped3A = tpu.sem_alloc : memref<!tpu.dma_semaphore, #tpu.memory_space<semaphore_mem>>
        %dma_start3A_103 = arith.constant 9984 : i32
        %dma_start3A_104 = arith.constant 0 : i32
        %dma_start3A_105 = tpu.memref_slice %arg6[%arg0, %dma_start3A_103, %dma_start3A_104] : memref<2x10000x64xf32, #tpu.memory_space<hbm>> -> memref<1x16x64xf32, #tpu.memory_space<hbm>>
        %dma_start3A_106 = tpu.memref_squeeze %dma_start3A_105 : memref<1x16x64xf32, #tpu.memory_space<hbm>> -> memref<16x64xf32, #tpu.memory_space<hbm>>
        %dma_start3A_107 = arith.constant 9984 : i32
        %dma_start3A_108 = arith.constant 0 : i32
        %dma_start3A_109 = tpu.memref_slice %arg13[%dma_start3A_107, %dma_start3A_108] : memref<10128x64xf32, #tpu.memory_space<vmem_shared>> -> memref<16x64xf32, #tpu.memory_space<vmem_shared>>
        tpu.enqueue_dma source(%dma_start3A_109 : memref<16x64xf32, #tpu.memory_space<vmem_shared>>) target(%dma_start3A_106 : memref<16x64xf32, #tpu.memory_space<hbm>>) target_semaphore(%run_scoped3A : memref<!tpu.dma_semaphore, #tpu.memory_space<semaphore_mem>>)
        %dma_wait3A_110 = arith.constant 9984 : i32
        %dma_wait3A_111 = arith.constant 0 : i32
        %dma_wait3A_112 = tpu.memref_slice %arg6[%arg0, %dma_wait3A_110, %dma_wait3A_111] : memref<2x10000x64xf32, #tpu.memory_space<hbm>> -> memref<1x16x64xf32, #tpu.memory_space<hbm>>
        %dma_wait3A_113 = tpu.memref_squeeze %dma_wait3A_112 : memref<1x16x64xf32, #tpu.memory_space<hbm>> -> memref<16x64xf32, #tpu.memory_space<hbm>>
        %dma_wait3A_114 = arith.constant 9984 : i32
        %dma_wait3A_115 = arith.constant 0 : i32
        %dma_wait3A_116 = tpu.memref_slice %arg13[%dma_wait3A_114, %dma_wait3A_115] : memref<10128x64xf32, #tpu.memory_space<vmem_shared>> -> memref<16x64xf32, #tpu.memory_space<vmem_shared>>
        tpu.wait_dma2 semaphore(%run_scoped3A : memref<!tpu.dma_semaphore, #tpu.memory_space<semaphore_mem>>) src(%dma_wait3A_116 : memref<16x64xf32, #tpu.memory_space<vmem_shared>>) dst(%dma_wait3A_113 : memref<16x64xf32, #tpu.memory_space<hbm>>)
        tpu.yield
      }) : () -> ()
    } else {
    }
    return
  }
}

#map = affine_map<(d0, d1) -> (0, 0, 0)>
#map1 = affine_map<(d0, d1) -> (0)>
#map2 = affine_map<(d0, d1) -> (0, 0)>
module attributes {stable_mosaic.version = 14 : i64} {
  func.func @_agg_kernel(%arg0: i32, %arg1: i32, %arg2: memref<2x10000x64xf32, #tpu.memory_space<hbm>>, %arg3: memref<320000xi32, #tpu.memory_space<hbm>>, %arg4: memref<320000xi32, #tpu.memory_space<hbm>>, %arg5: memref<624x64xf32, #tpu.memory_space<hbm>>, %arg6: memref<2x10000x64xf32, #tpu.memory_space<hbm>>, %arg7: memref<128xi32, #tpu.memory_space<vmem>>, %arg8: memref<128xi32, #tpu.memory_space<vmem>>, %arg9: memref<4x128xi32, #tpu.memory_space<vmem>>, %arg10: memref<128x64xf32, #tpu.memory_space<vmem>>, %arg11: memref<128x64xf32, #tpu.memory_space<vmem>>, %arg12: memref<10000x64xf32, #tpu.memory_space<vmem_shared>>, %arg13: memref<10128x64xf32, #tpu.memory_space<vmem_shared>>, %arg14: memref<!tpu.dma_semaphore, #tpu.memory_space<semaphore_mem>>, %arg15: memref<!tpu.dma_semaphore, #tpu.memory_space<semaphore_mem>>, %arg16: memref<!tpu.dma_semaphore, #tpu.memory_space<semaphore_mem>>, %arg17: memref<!tpu.dma_semaphore, #tpu.memory_space<semaphore_mem>>, %arg18: memref<!tpu.dma_semaphore, #tpu.memory_space<semaphore_mem>>) attributes {dimension_semantics = [#tpu.dimension_semantics<core_parallel>, #tpu.dimension_semantics<subcore_parallel>], iteration_bounds = array<i64: 2, 16>, scalar_prefetch = 0 : i64, scratch_operands = 12 : i64, tpu.core_type = #tpu.core_type<sc_vector_subcore>, window_params = [{transform_indices = #map}, {transform_indices = #map1}, {transform_indices = #map1}, {transform_indices = #map2}, {transform_indices = #map}]} {
    %sub3A = arith.constant 12 : i32
    %sub3A_0 = arith.subi %arg1, %sub3A : i32
    %max3A = arith.constant 0 : i32
    %max3A_1 = arith.maxsi %sub3A_0, %max3A : i32
    %ge3A = arith.constant 12 : i32
    %ge3A_2 = arith.cmpi sge, %arg1, %ge3A : i32
    %jit3A = arith.constant 1 : i32
    %jit3A_3 = arith.constant 0 : i32
    %select_n3A = arith.select %ge3A_2, %jit3A, %jit3A_3 : i32
    %add3A = arith.constant 156 : i32
    %add3A_4 = arith.addi %add3A, %select_n3A : i32
    %mul3A = arith.constant 156 : i32
    %mul3A_5 = arith.muli %arg1, %mul3A : i32
    %add3A_6 = arith.addi %mul3A_5, %max3A_1 : i32
    %mul3A_7 = arith.constant 128 : i32
    %mul3A_8 = arith.muli %add3A_6, %mul3A_7 : i32
    %mul3A_9 = arith.constant 624 : i32
    %mul3A_10 = arith.muli %arg1, %mul3A_9 : i32
    "tpu.region"() ({
      %run_scoped3A = tpu.sem_alloc : memref<!tpu.dma_semaphore, #tpu.memory_space<semaphore_mem>>
      %dma_start3A_103 = arith.constant 0 : i32
      %dma_start3A_104 = tpu.memref_slice %arg12[%mul3A_10, %dma_start3A_103] : memref<10000x64xf32, #tpu.memory_space<vmem_shared>> -> memref<624x64xf32, #tpu.memory_space<vmem_shared>>
      %dma_start3A_105 = arith.constant 0 : i32
      %dma_start3A_106 = tpu.memref_slice %arg2[%arg0, %mul3A_10, %dma_start3A_105] : memref<2x10000x64xf32, #tpu.memory_space<hbm>> -> memref<1x624x64xf32, #tpu.memory_space<hbm>>
      %dma_start3A_107 = tpu.memref_squeeze %dma_start3A_106 : memref<1x624x64xf32, #tpu.memory_space<hbm>> -> memref<624x64xf32, #tpu.memory_space<hbm>>
      tpu.enqueue_dma source(%dma_start3A_107 : memref<624x64xf32, #tpu.memory_space<hbm>>) target(%dma_start3A_104 : memref<624x64xf32, #tpu.memory_space<vmem_shared>>) target_semaphore(%run_scoped3A : memref<!tpu.dma_semaphore, #tpu.memory_space<semaphore_mem>>)
      %dma_wait3A_108 = arith.constant 0 : i32
      %dma_wait3A_109 = tpu.memref_slice %arg12[%mul3A_10, %dma_wait3A_108] : memref<10000x64xf32, #tpu.memory_space<vmem_shared>> -> memref<624x64xf32, #tpu.memory_space<vmem_shared>>
      %dma_wait3A_110 = arith.constant 0 : i32
      %dma_wait3A_111 = tpu.memref_slice %arg2[%arg0, %mul3A_10, %dma_wait3A_110] : memref<2x10000x64xf32, #tpu.memory_space<hbm>> -> memref<1x624x64xf32, #tpu.memory_space<hbm>>
      %dma_wait3A_112 = tpu.memref_squeeze %dma_wait3A_111 : memref<1x624x64xf32, #tpu.memory_space<hbm>> -> memref<624x64xf32, #tpu.memory_space<hbm>>
      tpu.wait_dma2 semaphore(%run_scoped3A : memref<!tpu.dma_semaphore, #tpu.memory_space<semaphore_mem>>) src(%dma_wait3A_112 : memref<624x64xf32, #tpu.memory_space<hbm>>) dst(%dma_wait3A_109 : memref<624x64xf32, #tpu.memory_space<vmem_shared>>)
      tpu.yield
    }) : () -> ()
    "tpu.region"() ({
      %run_scoped3A = tpu.sem_alloc : memref<!tpu.dma_semaphore, #tpu.memory_space<semaphore_mem>>
      %dma_start3A_103 = arith.constant 0 : i32
      %dma_start3A_104 = tpu.memref_slice %arg13[%mul3A_10, %dma_start3A_103] : memref<10128x64xf32, #tpu.memory_space<vmem_shared>> -> memref<624x64xf32, #tpu.memory_space<vmem_shared>>
      tpu.enqueue_dma source(%arg5 : memref<624x64xf32, #tpu.memory_space<hbm>>) target(%dma_start3A_104 : memref<624x64xf32, #tpu.memory_space<vmem_shared>>) target_semaphore(%run_scoped3A : memref<!tpu.dma_semaphore, #tpu.memory_space<semaphore_mem>>)
      %dma_wait3A_105 = arith.constant 0 : i32
      %dma_wait3A_106 = tpu.memref_slice %arg13[%mul3A_10, %dma_wait3A_105] : memref<10128x64xf32, #tpu.memory_space<vmem_shared>> -> memref<624x64xf32, #tpu.memory_space<vmem_shared>>
      tpu.wait_dma2 semaphore(%run_scoped3A : memref<!tpu.dma_semaphore, #tpu.memory_space<semaphore_mem>>) src(%arg5 : memref<624x64xf32, #tpu.memory_space<hbm>>) dst(%dma_wait3A_106 : memref<624x64xf32, #tpu.memory_space<vmem_shared>>)
      tpu.yield
    }) : () -> ()
    %eq3A = arith.constant 15 : i32
    %eq3A_11 = arith.cmpi eq, %arg1, %eq3A : i32
    %convert_element_type3A = arith.extui %eq3A_11 : i1 to i32
    %cond3A = arith.constant 0 : i32
    %cond3A_12 = arith.cmpi ne, %convert_element_type3A, %cond3A : i32
    scf.if %cond3A_12 {
      "tpu.region"() ({
        %run_scoped3A = tpu.sem_alloc : memref<!tpu.dma_semaphore, #tpu.memory_space<semaphore_mem>>
        %dma_start3A_103 = arith.constant 9984 : i32
        %dma_start3A_104 = arith.constant 0 : i32
        %dma_start3A_105 = tpu.memref_slice %arg12[%dma_start3A_103, %dma_start3A_104] : memref<10000x64xf32, #tpu.memory_space<vmem_shared>> -> memref<16x64xf32, #tpu.memory_space<vmem_shared>>
        %dma_start3A_106 = arith.constant 9984 : i32
        %dma_start3A_107 = arith.constant 0 : i32
        %dma_start3A_108 = tpu.memref_slice %arg2[%arg0, %dma_start3A_106, %dma_start3A_107] : memref<2x10000x64xf32, #tpu.memory_space<hbm>> -> memref<1x16x64xf32, #tpu.memory_space<hbm>>
        %dma_start3A_109 = tpu.memref_squeeze %dma_start3A_108 : memref<1x16x64xf32, #tpu.memory_space<hbm>> -> memref<16x64xf32, #tpu.memory_space<hbm>>
        tpu.enqueue_dma source(%dma_start3A_109 : memref<16x64xf32, #tpu.memory_space<hbm>>) target(%dma_start3A_105 : memref<16x64xf32, #tpu.memory_space<vmem_shared>>) target_semaphore(%run_scoped3A : memref<!tpu.dma_semaphore, #tpu.memory_space<semaphore_mem>>)
        %dma_wait3A_110 = arith.constant 9984 : i32
        %dma_wait3A_111 = arith.constant 0 : i32
        %dma_wait3A_112 = tpu.memref_slice %arg12[%dma_wait3A_110, %dma_wait3A_111] : memref<10000x64xf32, #tpu.memory_space<vmem_shared>> -> memref<16x64xf32, #tpu.memory_space<vmem_shared>>
        %dma_wait3A_113 = arith.constant 9984 : i32
        %dma_wait3A_114 = arith.constant 0 : i32
        %dma_wait3A_115 = tpu.memref_slice %arg2[%arg0, %dma_wait3A_113, %dma_wait3A_114] : memref<2x10000x64xf32, #tpu.memory_space<hbm>> -> memref<1x16x64xf32, #tpu.memory_space<hbm>>
        %dma_wait3A_116 = tpu.memref_squeeze %dma_wait3A_115 : memref<1x16x64xf32, #tpu.memory_space<hbm>> -> memref<16x64xf32, #tpu.memory_space<hbm>>
        tpu.wait_dma2 semaphore(%run_scoped3A : memref<!tpu.dma_semaphore, #tpu.memory_space<semaphore_mem>>) src(%dma_wait3A_116 : memref<16x64xf32, #tpu.memory_space<hbm>>) dst(%dma_wait3A_112 : memref<16x64xf32, #tpu.memory_space<vmem_shared>>)
        tpu.yield
      }) : () -> ()
      "tpu.region"() ({
        %run_scoped3A = tpu.sem_alloc : memref<!tpu.dma_semaphore, #tpu.memory_space<semaphore_mem>>
        %dma_start3A_103 = arith.constant 9984 : i32
        %dma_start3A_104 = arith.constant 0 : i32
        %dma_start3A_105 = tpu.memref_slice %arg13[%dma_start3A_103, %dma_start3A_104] : memref<10128x64xf32, #tpu.memory_space<vmem_shared>> -> memref<16x64xf32, #tpu.memory_space<vmem_shared>>
        %dma_start3A_106 = arith.constant 0 : i32
        %dma_start3A_107 = arith.constant 0 : i32
        %dma_start3A_108 = tpu.memref_slice %arg5[%dma_start3A_106, %dma_start3A_107] : memref<624x64xf32, #tpu.memory_space<hbm>> -> memref<16x64xf32, #tpu.memory_space<hbm>>
        tpu.enqueue_dma source(%dma_start3A_108 : memref<16x64xf32, #tpu.memory_space<hbm>>) target(%dma_start3A_105 : memref<16x64xf32, #tpu.memory_space<vmem_shared>>) target_semaphore(%run_scoped3A : memref<!tpu.dma_semaphore, #tpu.memory_space<semaphore_mem>>)
        %dma_wait3A_109 = arith.constant 9984 : i32
        %dma_wait3A_110 = arith.constant 0 : i32
        %dma_wait3A_111 = tpu.memref_slice %arg13[%dma_wait3A_109, %dma_wait3A_110] : memref<10128x64xf32, #tpu.memory_space<vmem_shared>> -> memref<16x64xf32, #tpu.memory_space<vmem_shared>>
        %dma_wait3A_112 = arith.constant 0 : i32
        %dma_wait3A_113 = arith.constant 0 : i32
        %dma_wait3A_114 = tpu.memref_slice %arg5[%dma_wait3A_112, %dma_wait3A_113] : memref<624x64xf32, #tpu.memory_space<hbm>> -> memref<16x64xf32, #tpu.memory_space<hbm>>
        tpu.wait_dma2 semaphore(%run_scoped3A : memref<!tpu.dma_semaphore, #tpu.memory_space<semaphore_mem>>) src(%dma_wait3A_114 : memref<16x64xf32, #tpu.memory_space<hbm>>) dst(%dma_wait3A_111 : memref<16x64xf32, #tpu.memory_space<vmem_shared>>)
        tpu.yield
      }) : () -> ()
    } else {
    }
    %add3A_13 = arith.constant 0 : i32
    %add3A_14 = arith.addi %mul3A_8, %add3A_13 : i32
    %dma_start3A = tpu.memref_slice %arg3[%add3A_14] : memref<320000xi32, #tpu.memory_space<hbm>> -> memref<128xi32, #tpu.memory_space<hbm>>
    %dma_start3A_15 = tpu.memref_slice %arg3[%add3A_14] : memref<320000xi32, #tpu.memory_space<hbm>> -> memref<128xi32, #tpu.memory_space<hbm>>
    tpu.enqueue_dma source(%dma_start3A_15 : memref<128xi32, #tpu.memory_space<hbm>>) target(%arg7 : memref<128xi32, #tpu.memory_space<vmem>>) target_semaphore(%arg14 : memref<!tpu.dma_semaphore, #tpu.memory_space<semaphore_mem>>)
    %dma_start3A_16 = arith.constant 0 : i32
    %dma_start3A_17 = arith.constant 0 : i32
    %dma_start3A_18 = tpu.memref_slice %arg9[%dma_start3A_16, %dma_start3A_17] : memref<4x128xi32, #tpu.memory_space<vmem>> -> memref<1x128xi32, #tpu.memory_space<vmem>>
    %dma_start3A_19 = tpu.memref_squeeze %dma_start3A_18 : memref<1x128xi32, #tpu.memory_space<vmem>> -> memref<128xi32, #tpu.memory_space<vmem>>
    %dma_start3A_20 = tpu.memref_slice %arg4[%add3A_14] : memref<320000xi32, #tpu.memory_space<hbm>> -> memref<128xi32, #tpu.memory_space<hbm>>
    %dma_start3A_21 = arith.constant 0 : i32
    %dma_start3A_22 = tpu.memref_slice %arg9[%dma_start3A_16, %dma_start3A_21] : memref<4x128xi32, #tpu.memory_space<vmem>> -> memref<1x128xi32, #tpu.memory_space<vmem>>
    %dma_start3A_23 = tpu.memref_squeeze %dma_start3A_22 : memref<1x128xi32, #tpu.memory_space<vmem>> -> memref<128xi32, #tpu.memory_space<vmem>>
    %dma_start3A_24 = tpu.memref_slice %arg4[%add3A_14] : memref<320000xi32, #tpu.memory_space<hbm>> -> memref<128xi32, #tpu.memory_space<hbm>>
    tpu.enqueue_dma source(%dma_start3A_24 : memref<128xi32, #tpu.memory_space<hbm>>) target(%dma_start3A_23 : memref<128xi32, #tpu.memory_space<vmem>>) target_semaphore(%arg14 : memref<!tpu.dma_semaphore, #tpu.memory_space<semaphore_mem>>)
    %dma_wait3A = arith.constant 0 : i32
    %dma_wait3A_25 = tpu.memref_slice %arg3[%dma_wait3A] : memref<320000xi32, #tpu.memory_space<hbm>> -> memref<128xi32, #tpu.memory_space<hbm>>
    %dma_wait3A_26 = arith.constant 0 : i32
    %dma_wait3A_27 = tpu.memref_slice %arg3[%dma_wait3A_26] : memref<320000xi32, #tpu.memory_space<hbm>> -> memref<128xi32, #tpu.memory_space<hbm>>
    tpu.wait_dma2 semaphore(%arg14 : memref<!tpu.dma_semaphore, #tpu.memory_space<semaphore_mem>>) src(%dma_wait3A_27 : memref<128xi32, #tpu.memory_space<hbm>>) dst(%arg7 : memref<128xi32, #tpu.memory_space<vmem>>)
    %dma_wait3A_28 = arith.constant 0 : i32
    %dma_wait3A_29 = tpu.memref_slice %arg3[%dma_wait3A_28] : memref<320000xi32, #tpu.memory_space<hbm>> -> memref<128xi32, #tpu.memory_space<hbm>>
    %dma_wait3A_30 = arith.constant 0 : i32
    %dma_wait3A_31 = tpu.memref_slice %arg3[%dma_wait3A_30] : memref<320000xi32, #tpu.memory_space<hbm>> -> memref<128xi32, #tpu.memory_space<hbm>>
    tpu.wait_dma2 semaphore(%arg14 : memref<!tpu.dma_semaphore, #tpu.memory_space<semaphore_mem>>) src(%dma_wait3A_31 : memref<128xi32, #tpu.memory_space<hbm>>) dst(%arg7 : memref<128xi32, #tpu.memory_space<vmem>>)
    %add3A_32 = arith.constant 128 : i32
    %add3A_33 = arith.addi %mul3A_8, %add3A_32 : i32
    %dma_start3A_34 = tpu.memref_slice %arg3[%add3A_33] : memref<320000xi32, #tpu.memory_space<hbm>> -> memref<128xi32, #tpu.memory_space<hbm>>
    %dma_start3A_35 = tpu.memref_slice %arg3[%add3A_33] : memref<320000xi32, #tpu.memory_space<hbm>> -> memref<128xi32, #tpu.memory_space<hbm>>
    tpu.enqueue_dma source(%dma_start3A_35 : memref<128xi32, #tpu.memory_space<hbm>>) target(%arg8 : memref<128xi32, #tpu.memory_space<vmem>>) target_semaphore(%arg15 : memref<!tpu.dma_semaphore, #tpu.memory_space<semaphore_mem>>)
    %dma_start3A_36 = arith.constant 1 : i32
    %dma_start3A_37 = arith.constant 0 : i32
    %dma_start3A_38 = tpu.memref_slice %arg9[%dma_start3A_36, %dma_start3A_37] : memref<4x128xi32, #tpu.memory_space<vmem>> -> memref<1x128xi32, #tpu.memory_space<vmem>>
    %dma_start3A_39 = tpu.memref_squeeze %dma_start3A_38 : memref<1x128xi32, #tpu.memory_space<vmem>> -> memref<128xi32, #tpu.memory_space<vmem>>
    %dma_start3A_40 = tpu.memref_slice %arg4[%add3A_33] : memref<320000xi32, #tpu.memory_space<hbm>> -> memref<128xi32, #tpu.memory_space<hbm>>
    %dma_start3A_41 = arith.constant 0 : i32
    %dma_start3A_42 = tpu.memref_slice %arg9[%dma_start3A_36, %dma_start3A_41] : memref<4x128xi32, #tpu.memory_space<vmem>> -> memref<1x128xi32, #tpu.memory_space<vmem>>
    %dma_start3A_43 = tpu.memref_squeeze %dma_start3A_42 : memref<1x128xi32, #tpu.memory_space<vmem>> -> memref<128xi32, #tpu.memory_space<vmem>>
    %dma_start3A_44 = tpu.memref_slice %arg4[%add3A_33] : memref<320000xi32, #tpu.memory_space<hbm>> -> memref<128xi32, #tpu.memory_space<hbm>>
    tpu.enqueue_dma source(%dma_start3A_44 : memref<128xi32, #tpu.memory_space<hbm>>) target(%dma_start3A_43 : memref<128xi32, #tpu.memory_space<vmem>>) target_semaphore(%arg15 : memref<!tpu.dma_semaphore, #tpu.memory_space<semaphore_mem>>)
    %barrier3A = arith.constant 0 : index
    tpu.barrier barrier_id(%barrier3A)
    %dma_start3A_45 = arith.constant 0 : i32
    %dma_start3A_46 = arith.constant 0 : i32
    %dma_start3A_47 = tpu.memref_slice %arg12[%dma_start3A_45, %dma_start3A_46] : memref<10000x64xf32, #tpu.memory_space<vmem_shared>> -> memref<10000x64xf32, #tpu.memory_space<vmem_shared>>
    tpu.enqueue_indirect_dma source(%dma_start3A_47 : memref<10000x64xf32, #tpu.memory_space<vmem_shared>>) target(%arg10 : memref<128x64xf32, #tpu.memory_space<vmem>>) offsets(%arg7 : memref<128xi32, #tpu.memory_space<vmem>>) semaphore(%arg16 : memref<!tpu.dma_semaphore, #tpu.memory_space<semaphore_mem>>)
    %while3A = arith.constant 0 : i32
    %while3A_48 = arith.constant 0 : i32
    %while3A_49 = arith.subi %add3A_4, %while3A : i32
    %while3A_50 = arith.addi %while3A, %while3A_49 : i32
    %while3A_51 = arith.constant 1 : i32
    %while3A_52 = arith.divsi %while3A_49, %while3A_51 : i32
    %while3A_53 = arith.muli %while3A_52, %while3A_51 : i32
    %while3A_54 = arith.addi %while3A, %while3A_53 : i32
    %while3A_55 = arith.constant 1 : i32
    %while3A_56 = scf.for %while3A_103 = %while3A to %while3A_54 step %while3A_55 iter_args(%while3A_104 = %while3A_48) -> (i32)  : i32 {
      %jit3A_105 = arith.constant 2 : i32
      %eq3A_106 = arith.constant 0 : i32
      %eq3A_107 = arith.cmpi eq, %jit3A_105, %eq3A_106 : i32
      %jit3A_108 = arith.constant 1 : i32
      %select_n3A_109 = arith.select %eq3A_107, %jit3A_108, %jit3A_105 : i32
      %rem3A_110 = arith.remsi %while3A_103, %select_n3A_109 : i32
      %ne3A_111 = arith.constant 0 : i32
      %ne3A_112 = arith.cmpi ne, %rem3A_110, %ne3A_111 : i32
      %lt3A_113 = arith.constant 0 : i32
      %lt3A_114 = arith.cmpi slt, %rem3A_110, %lt3A_113 : i32
      %lt3A_115 = arith.constant 0 : i32
      %lt3A_116 = arith.cmpi slt, %select_n3A_109, %lt3A_115 : i32
      %ne3A_117 = arith.xori %lt3A_114, %lt3A_116 : i1
      %and3A_118 = arith.andi %ne3A_117, %ne3A_112 : i1
      %add3A_119 = arith.addi %rem3A_110, %select_n3A_109 : i32
      %select_n3A_120 = arith.select %and3A_118, %add3A_119, %rem3A_110 : i32
      %eq3A_121 = arith.constant 0 : i32
      %eq3A_122 = arith.cmpi eq, %select_n3A_120, %eq3A_121 : i32
      %convert_element_type3A_123 = arith.extui %eq3A_122 : i1 to i32
      %cond3A_124 = arith.constant 0 : i32
      %cond3A_125 = arith.cmpi ne, %convert_element_type3A_123, %cond3A_124 : i32
      scf.if %cond3A_125 {
        %add3A_148 = arith.constant 1 : i32
        %add3A_149 = arith.addi %while3A_103, %add3A_148 : i32
        %lt3A_150 = arith.cmpi slt, %add3A_149, %add3A_4 : i32
        %convert_element_type3A_151 = arith.extui %lt3A_150 : i1 to i32
        %cond3A_152 = arith.constant 0 : i32
        %cond3A_153 = arith.cmpi ne, %convert_element_type3A_151, %cond3A_152 : i32
        scf.if %cond3A_153 {
          %dma_wait3A_195 = arith.constant 0 : i32
          %dma_wait3A_196 = tpu.memref_slice %arg3[%dma_wait3A_195] : memref<320000xi32, #tpu.memory_space<hbm>> -> memref<128xi32, #tpu.memory_space<hbm>>
          %dma_wait3A_197 = arith.constant 0 : i32
          %dma_wait3A_198 = tpu.memref_slice %arg3[%dma_wait3A_197] : memref<320000xi32, #tpu.memory_space<hbm>> -> memref<128xi32, #tpu.memory_space<hbm>>
          tpu.wait_dma2 semaphore(%arg15 : memref<!tpu.dma_semaphore, #tpu.memory_space<semaphore_mem>>) src(%dma_wait3A_198 : memref<128xi32, #tpu.memory_space<hbm>>) dst(%arg8 : memref<128xi32, #tpu.memory_space<vmem>>)
          %dma_wait3A_199 = arith.constant 0 : i32
          %dma_wait3A_200 = tpu.memref_slice %arg3[%dma_wait3A_199] : memref<320000xi32, #tpu.memory_space<hbm>> -> memref<128xi32, #tpu.memory_space<hbm>>
          %dma_wait3A_201 = arith.constant 0 : i32
          %dma_wait3A_202 = tpu.memref_slice %arg3[%dma_wait3A_201] : memref<320000xi32, #tpu.memory_space<hbm>> -> memref<128xi32, #tpu.memory_space<hbm>>
          tpu.wait_dma2 semaphore(%arg15 : memref<!tpu.dma_semaphore, #tpu.memory_space<semaphore_mem>>) src(%dma_wait3A_202 : memref<128xi32, #tpu.memory_space<hbm>>) dst(%arg8 : memref<128xi32, #tpu.memory_space<vmem>>)
        } else {
        }
        %gt3A = arith.constant 0 : i32
        %gt3A_154 = arith.cmpi sgt, %while3A_103, %gt3A : i32
        %convert_element_type3A_155 = arith.extui %gt3A_154 : i1 to i32
        %cond3A_156 = arith.constant 0 : i32
        %cond3A_157 = arith.cmpi ne, %convert_element_type3A_155, %cond3A_156 : i32
        scf.if %cond3A_157 {
          %dma_wait3A_195 = arith.constant 0 : i32
          %dma_wait3A_196 = arith.constant 0 : i32
          %dma_wait3A_197 = tpu.memref_slice %arg9[%dma_wait3A_195, %dma_wait3A_196] : memref<4x128xi32, #tpu.memory_space<vmem>> -> memref<1x128xi32, #tpu.memory_space<vmem>>
          %dma_wait3A_198 = tpu.memref_squeeze %dma_wait3A_197 : memref<1x128xi32, #tpu.memory_space<vmem>> -> memref<128xi32, #tpu.memory_space<vmem>>
          %dma_wait3A_199 = arith.constant 0 : i32
          %dma_wait3A_200 = arith.constant 0 : i32
          %dma_wait3A_201 = tpu.memref_slice %arg13[%dma_wait3A_199, %dma_wait3A_200] : memref<10128x64xf32, #tpu.memory_space<vmem_shared>> -> memref<10128x64xf32, #tpu.memory_space<vmem_shared>>
          tpu.wait_indirect_dma semaphore(%arg18 : memref<!tpu.dma_semaphore, #tpu.memory_space<semaphore_mem>>) src(%arg11 : memref<128x64xf32, #tpu.memory_space<vmem>>) dst(%dma_wait3A_201 : memref<10128x64xf32, #tpu.memory_space<vmem_shared>>)
        } else {
        }
        %add3A_158 = arith.constant 1 : i32
        %add3A_159 = arith.addi %while3A_103, %add3A_158 : i32
        %lt3A_160 = arith.cmpi slt, %add3A_159, %add3A_4 : i32
        %convert_element_type3A_161 = arith.extui %lt3A_160 : i1 to i32
        %cond3A_162 = arith.constant 0 : i32
        %cond3A_163 = arith.cmpi ne, %convert_element_type3A_161, %cond3A_162 : i32
        scf.if %cond3A_163 {
          %dma_start3A_195 = arith.constant 0 : i32
          %dma_start3A_196 = arith.constant 0 : i32
          %dma_start3A_197 = tpu.memref_slice %arg12[%dma_start3A_195, %dma_start3A_196] : memref<10000x64xf32, #tpu.memory_space<vmem_shared>> -> memref<10000x64xf32, #tpu.memory_space<vmem_shared>>
          tpu.enqueue_indirect_dma source(%dma_start3A_197 : memref<10000x64xf32, #tpu.memory_space<vmem_shared>>) target(%arg11 : memref<128x64xf32, #tpu.memory_space<vmem>>) offsets(%arg8 : memref<128xi32, #tpu.memory_space<vmem>>) semaphore(%arg17 : memref<!tpu.dma_semaphore, #tpu.memory_space<semaphore_mem>>)
        } else {
        }
        %dma_wait3A_164 = arith.constant 0 : i32
        %dma_wait3A_165 = arith.constant 0 : i32
        %dma_wait3A_166 = tpu.memref_slice %arg12[%dma_wait3A_164, %dma_wait3A_165] : memref<10000x64xf32, #tpu.memory_space<vmem_shared>> -> memref<10000x64xf32, #tpu.memory_space<vmem_shared>>
        tpu.wait_indirect_dma semaphore(%arg16 : memref<!tpu.dma_semaphore, #tpu.memory_space<semaphore_mem>>) src(%dma_wait3A_166 : memref<10000x64xf32, #tpu.memory_space<vmem_shared>>) dst(%arg10 : memref<128x64xf32, #tpu.memory_space<vmem>>)
        %jit3A_167 = arith.constant 4 : i32
        %eq3A_168 = arith.constant 0 : i32
        %eq3A_169 = arith.cmpi eq, %jit3A_167, %eq3A_168 : i32
        %jit3A_170 = arith.constant 1 : i32
        %select_n3A_171 = arith.select %eq3A_169, %jit3A_170, %jit3A_167 : i32
        %rem3A_172 = arith.remsi %while3A_103, %select_n3A_171 : i32
        %ne3A_173 = arith.constant 0 : i32
        %ne3A_174 = arith.cmpi ne, %rem3A_172, %ne3A_173 : i32
        %lt3A_175 = arith.constant 0 : i32
        %lt3A_176 = arith.cmpi slt, %rem3A_172, %lt3A_175 : i32
        %lt3A_177 = arith.constant 0 : i32
        %lt3A_178 = arith.cmpi slt, %select_n3A_171, %lt3A_177 : i32
        %ne3A_179 = arith.xori %lt3A_176, %lt3A_178 : i1
        %and3A_180 = arith.andi %ne3A_179, %ne3A_174 : i1
        %add3A_181 = arith.addi %rem3A_172, %select_n3A_171 : i32
        %select_n3A_182 = arith.select %and3A_180, %add3A_181, %rem3A_172 : i32
        %dma_start3A_183 = arith.constant 0 : i32
        %dma_start3A_184 = tpu.memref_slice %arg9[%select_n3A_182, %dma_start3A_183] : memref<4x128xi32, #tpu.memory_space<vmem>> -> memref<1x128xi32, #tpu.memory_space<vmem>>
        %dma_start3A_185 = tpu.memref_squeeze %dma_start3A_184 : memref<1x128xi32, #tpu.memory_space<vmem>> -> memref<128xi32, #tpu.memory_space<vmem>>
        %dma_start3A_186 = arith.constant 0 : i32
        %dma_start3A_187 = arith.constant 0 : i32
        %dma_start3A_188 = tpu.memref_slice %arg13[%dma_start3A_186, %dma_start3A_187] : memref<10128x64xf32, #tpu.memory_space<vmem_shared>> -> memref<10128x64xf32, #tpu.memory_space<vmem_shared>>
        tpu.enqueue_indirect_dma source(%arg10 : memref<128x64xf32, #tpu.memory_space<vmem>>) target(%dma_start3A_188 : memref<10128x64xf32, #tpu.memory_space<vmem_shared>>) offsets(%dma_start3A_185 : memref<128xi32, #tpu.memory_space<vmem>>) semaphore(%arg18 : memref<!tpu.dma_semaphore, #tpu.memory_space<semaphore_mem>>) {add = true}
        %add3A_189 = arith.constant 2 : i32
        %add3A_190 = arith.addi %while3A_103, %add3A_189 : i32
        %lt3A_191 = arith.cmpi slt, %add3A_190, %add3A_4 : i32
        %convert_element_type3A_192 = arith.extui %lt3A_191 : i1 to i32
        %cond3A_193 = arith.constant 0 : i32
        %cond3A_194 = arith.cmpi ne, %convert_element_type3A_192, %cond3A_193 : i32
        scf.if %cond3A_194 {
          %add3A_195 = arith.constant 2 : i32
          %add3A_196 = arith.addi %while3A_103, %add3A_195 : i32
          %mul3A_197 = arith.constant 128 : i32
          %mul3A_198 = arith.muli %add3A_196, %mul3A_197 : i32
          %add3A_199 = arith.addi %mul3A_8, %mul3A_198 : i32
          %dma_start3A_200 = tpu.memref_slice %arg3[%add3A_199] : memref<320000xi32, #tpu.memory_space<hbm>> -> memref<128xi32, #tpu.memory_space<hbm>>
          %dma_start3A_201 = tpu.memref_slice %arg3[%add3A_199] : memref<320000xi32, #tpu.memory_space<hbm>> -> memref<128xi32, #tpu.memory_space<hbm>>
          tpu.enqueue_dma source(%dma_start3A_201 : memref<128xi32, #tpu.memory_space<hbm>>) target(%arg7 : memref<128xi32, #tpu.memory_space<vmem>>) target_semaphore(%arg14 : memref<!tpu.dma_semaphore, #tpu.memory_space<semaphore_mem>>)
          %jit3A_202 = arith.constant 4 : i32
          %eq3A_203 = arith.constant 0 : i32
          %eq3A_204 = arith.cmpi eq, %jit3A_202, %eq3A_203 : i32
          %jit3A_205 = arith.constant 1 : i32
          %select_n3A_206 = arith.select %eq3A_204, %jit3A_205, %jit3A_202 : i32
          %rem3A_207 = arith.remsi %add3A_196, %select_n3A_206 : i32
          %ne3A_208 = arith.constant 0 : i32
          %ne3A_209 = arith.cmpi ne, %rem3A_207, %ne3A_208 : i32
          %lt3A_210 = arith.constant 0 : i32
          %lt3A_211 = arith.cmpi slt, %rem3A_207, %lt3A_210 : i32
          %lt3A_212 = arith.constant 0 : i32
          %lt3A_213 = arith.cmpi slt, %select_n3A_206, %lt3A_212 : i32
          %ne3A_214 = arith.xori %lt3A_211, %lt3A_213 : i1
          %and3A_215 = arith.andi %ne3A_214, %ne3A_209 : i1
          %add3A_216 = arith.addi %rem3A_207, %select_n3A_206 : i32
          %select_n3A_217 = arith.select %and3A_215, %add3A_216, %rem3A_207 : i32
          %dma_start3A_218 = arith.constant 0 : i32
          %dma_start3A_219 = tpu.memref_slice %arg9[%select_n3A_217, %dma_start3A_218] : memref<4x128xi32, #tpu.memory_space<vmem>> -> memref<1x128xi32, #tpu.memory_space<vmem>>
          %dma_start3A_220 = tpu.memref_squeeze %dma_start3A_219 : memref<1x128xi32, #tpu.memory_space<vmem>> -> memref<128xi32, #tpu.memory_space<vmem>>
          %dma_start3A_221 = tpu.memref_slice %arg4[%add3A_199] : memref<320000xi32, #tpu.memory_space<hbm>> -> memref<128xi32, #tpu.memory_space<hbm>>
          %dma_start3A_222 = arith.constant 0 : i32
          %dma_start3A_223 = tpu.memref_slice %arg9[%select_n3A_217, %dma_start3A_222] : memref<4x128xi32, #tpu.memory_space<vmem>> -> memref<1x128xi32, #tpu.memory_space<vmem>>
          %dma_start3A_224 = tpu.memref_squeeze %dma_start3A_223 : memref<1x128xi32, #tpu.memory_space<vmem>> -> memref<128xi32, #tpu.memory_space<vmem>>
          %dma_start3A_225 = tpu.memref_slice %arg4[%add3A_199] : memref<320000xi32, #tpu.memory_space<hbm>> -> memref<128xi32, #tpu.memory_space<hbm>>
          tpu.enqueue_dma source(%dma_start3A_225 : memref<128xi32, #tpu.memory_space<hbm>>) target(%dma_start3A_224 : memref<128xi32, #tpu.memory_space<vmem>>) target_semaphore(%arg14 : memref<!tpu.dma_semaphore, #tpu.memory_space<semaphore_mem>>)
        } else {
        }
      } else {
      }
      %jit3A_126 = arith.constant 2 : i32
      %eq3A_127 = arith.constant 0 : i32
      %eq3A_128 = arith.cmpi eq, %jit3A_126, %eq3A_127 : i32
      %jit3A_129 = arith.constant 1 : i32
      %select_n3A_130 = arith.select %eq3A_128, %jit3A_129, %jit3A_126 : i32
      %rem3A_131 = arith.remsi %while3A_103, %select_n3A_130 : i32
      %ne3A_132 = arith.constant 0 : i32
      %ne3A_133 = arith.cmpi ne, %rem3A_131, %ne3A_132 : i32
      %lt3A_134 = arith.constant 0 : i32
      %lt3A_135 = arith.cmpi slt, %rem3A_131, %lt3A_134 : i32
      %lt3A_136 = arith.constant 0 : i32
      %lt3A_137 = arith.cmpi slt, %select_n3A_130, %lt3A_136 : i32
      %ne3A_138 = arith.xori %lt3A_135, %lt3A_137 : i1
      %and3A_139 = arith.andi %ne3A_138, %ne3A_133 : i1
      %add3A_140 = arith.addi %rem3A_131, %select_n3A_130 : i32
      %select_n3A_141 = arith.select %and3A_139, %add3A_140, %rem3A_131 : i32
      %eq3A_142 = arith.constant 1 : i32
      %eq3A_143 = arith.cmpi eq, %select_n3A_141, %eq3A_142 : i32
      %convert_element_type3A_144 = arith.extui %eq3A_143 : i1 to i32
      %cond3A_145 = arith.constant 0 : i32
      %cond3A_146 = arith.cmpi ne, %convert_element_type3A_144, %cond3A_145 : i32
      scf.if %cond3A_146 {
        %add3A_148 = arith.constant 1 : i32
        %add3A_149 = arith.addi %while3A_103, %add3A_148 : i32
        %lt3A_150 = arith.cmpi slt, %add3A_149, %add3A_4 : i32
        %convert_element_type3A_151 = arith.extui %lt3A_150 : i1 to i32
        %cond3A_152 = arith.constant 0 : i32
        %cond3A_153 = arith.cmpi ne, %convert_element_type3A_151, %cond3A_152 : i32
        scf.if %cond3A_153 {
          %dma_wait3A_195 = arith.constant 0 : i32
          %dma_wait3A_196 = tpu.memref_slice %arg3[%dma_wait3A_195] : memref<320000xi32, #tpu.memory_space<hbm>> -> memref<128xi32, #tpu.memory_space<hbm>>
          %dma_wait3A_197 = arith.constant 0 : i32
          %dma_wait3A_198 = tpu.memref_slice %arg3[%dma_wait3A_197] : memref<320000xi32, #tpu.memory_space<hbm>> -> memref<128xi32, #tpu.memory_space<hbm>>
          tpu.wait_dma2 semaphore(%arg14 : memref<!tpu.dma_semaphore, #tpu.memory_space<semaphore_mem>>) src(%dma_wait3A_198 : memref<128xi32, #tpu.memory_space<hbm>>) dst(%arg7 : memref<128xi32, #tpu.memory_space<vmem>>)
          %dma_wait3A_199 = arith.constant 0 : i32
          %dma_wait3A_200 = tpu.memref_slice %arg3[%dma_wait3A_199] : memref<320000xi32, #tpu.memory_space<hbm>> -> memref<128xi32, #tpu.memory_space<hbm>>
          %dma_wait3A_201 = arith.constant 0 : i32
          %dma_wait3A_202 = tpu.memref_slice %arg3[%dma_wait3A_201] : memref<320000xi32, #tpu.memory_space<hbm>> -> memref<128xi32, #tpu.memory_space<hbm>>
          tpu.wait_dma2 semaphore(%arg14 : memref<!tpu.dma_semaphore, #tpu.memory_space<semaphore_mem>>) src(%dma_wait3A_202 : memref<128xi32, #tpu.memory_space<hbm>>) dst(%arg7 : memref<128xi32, #tpu.memory_space<vmem>>)
        } else {
        }
        %gt3A = arith.constant 0 : i32
        %gt3A_154 = arith.cmpi sgt, %while3A_103, %gt3A : i32
        %convert_element_type3A_155 = arith.extui %gt3A_154 : i1 to i32
        %cond3A_156 = arith.constant 0 : i32
        %cond3A_157 = arith.cmpi ne, %convert_element_type3A_155, %cond3A_156 : i32
        scf.if %cond3A_157 {
          %dma_wait3A_195 = arith.constant 0 : i32
          %dma_wait3A_196 = arith.constant 0 : i32
          %dma_wait3A_197 = tpu.memref_slice %arg9[%dma_wait3A_195, %dma_wait3A_196] : memref<4x128xi32, #tpu.memory_space<vmem>> -> memref<1x128xi32, #tpu.memory_space<vmem>>
          %dma_wait3A_198 = tpu.memref_squeeze %dma_wait3A_197 : memref<1x128xi32, #tpu.memory_space<vmem>> -> memref<128xi32, #tpu.memory_space<vmem>>
          %dma_wait3A_199 = arith.constant 0 : i32
          %dma_wait3A_200 = arith.constant 0 : i32
          %dma_wait3A_201 = tpu.memref_slice %arg13[%dma_wait3A_199, %dma_wait3A_200] : memref<10128x64xf32, #tpu.memory_space<vmem_shared>> -> memref<10128x64xf32, #tpu.memory_space<vmem_shared>>
          tpu.wait_indirect_dma semaphore(%arg18 : memref<!tpu.dma_semaphore, #tpu.memory_space<semaphore_mem>>) src(%arg10 : memref<128x64xf32, #tpu.memory_space<vmem>>) dst(%dma_wait3A_201 : memref<10128x64xf32, #tpu.memory_space<vmem_shared>>)
        } else {
        }
        %add3A_158 = arith.constant 1 : i32
        %add3A_159 = arith.addi %while3A_103, %add3A_158 : i32
        %lt3A_160 = arith.cmpi slt, %add3A_159, %add3A_4 : i32
        %convert_element_type3A_161 = arith.extui %lt3A_160 : i1 to i32
        %cond3A_162 = arith.constant 0 : i32
        %cond3A_163 = arith.cmpi ne, %convert_element_type3A_161, %cond3A_162 : i32
        scf.if %cond3A_163 {
          %dma_start3A_195 = arith.constant 0 : i32
          %dma_start3A_196 = arith.constant 0 : i32
          %dma_start3A_197 = tpu.memref_slice %arg12[%dma_start3A_195, %dma_start3A_196] : memref<10000x64xf32, #tpu.memory_space<vmem_shared>> -> memref<10000x64xf32, #tpu.memory_space<vmem_shared>>
          tpu.enqueue_indirect_dma source(%dma_start3A_197 : memref<10000x64xf32, #tpu.memory_space<vmem_shared>>) target(%arg10 : memref<128x64xf32, #tpu.memory_space<vmem>>) offsets(%arg7 : memref<128xi32, #tpu.memory_space<vmem>>) semaphore(%arg16 : memref<!tpu.dma_semaphore, #tpu.memory_space<semaphore_mem>>)
        } else {
        }
        %dma_wait3A_164 = arith.constant 0 : i32
        %dma_wait3A_165 = arith.constant 0 : i32
        %dma_wait3A_166 = tpu.memref_slice %arg12[%dma_wait3A_164, %dma_wait3A_165] : memref<10000x64xf32, #tpu.memory_space<vmem_shared>> -> memref<10000x64xf32, #tpu.memory_space<vmem_shared>>
        tpu.wait_indirect_dma semaphore(%arg17 : memref<!tpu.dma_semaphore, #tpu.memory_space<semaphore_mem>>) src(%dma_wait3A_166 : memref<10000x64xf32, #tpu.memory_space<vmem_shared>>) dst(%arg11 : memref<128x64xf32, #tpu.memory_space<vmem>>)
        %jit3A_167 = arith.constant 4 : i32
        %eq3A_168 = arith.constant 0 : i32
        %eq3A_169 = arith.cmpi eq, %jit3A_167, %eq3A_168 : i32
        %jit3A_170 = arith.constant 1 : i32
        %select_n3A_171 = arith.select %eq3A_169, %jit3A_170, %jit3A_167 : i32
        %rem3A_172 = arith.remsi %while3A_103, %select_n3A_171 : i32
        %ne3A_173 = arith.constant 0 : i32
        %ne3A_174 = arith.cmpi ne, %rem3A_172, %ne3A_173 : i32
        %lt3A_175 = arith.constant 0 : i32
        %lt3A_176 = arith.cmpi slt, %rem3A_172, %lt3A_175 : i32
        %lt3A_177 = arith.constant 0 : i32
        %lt3A_178 = arith.cmpi slt, %select_n3A_171, %lt3A_177 : i32
        %ne3A_179 = arith.xori %lt3A_176, %lt3A_178 : i1
        %and3A_180 = arith.andi %ne3A_179, %ne3A_174 : i1
        %add3A_181 = arith.addi %rem3A_172, %select_n3A_171 : i32
        %select_n3A_182 = arith.select %and3A_180, %add3A_181, %rem3A_172 : i32
        %dma_start3A_183 = arith.constant 0 : i32
        %dma_start3A_184 = tpu.memref_slice %arg9[%select_n3A_182, %dma_start3A_183] : memref<4x128xi32, #tpu.memory_space<vmem>> -> memref<1x128xi32, #tpu.memory_space<vmem>>
        %dma_start3A_185 = tpu.memref_squeeze %dma_start3A_184 : memref<1x128xi32, #tpu.memory_space<vmem>> -> memref<128xi32, #tpu.memory_space<vmem>>
        %dma_start3A_186 = arith.constant 0 : i32
        %dma_start3A_187 = arith.constant 0 : i32
        %dma_start3A_188 = tpu.memref_slice %arg13[%dma_start3A_186, %dma_start3A_187] : memref<10128x64xf32, #tpu.memory_space<vmem_shared>> -> memref<10128x64xf32, #tpu.memory_space<vmem_shared>>
        tpu.enqueue_indirect_dma source(%arg11 : memref<128x64xf32, #tpu.memory_space<vmem>>) target(%dma_start3A_188 : memref<10128x64xf32, #tpu.memory_space<vmem_shared>>) offsets(%dma_start3A_185 : memref<128xi32, #tpu.memory_space<vmem>>) semaphore(%arg18 : memref<!tpu.dma_semaphore, #tpu.memory_space<semaphore_mem>>) {add = true}
        %add3A_189 = arith.constant 2 : i32
        %add3A_190 = arith.addi %while3A_103, %add3A_189 : i32
        %lt3A_191 = arith.cmpi slt, %add3A_190, %add3A_4 : i32
        %convert_element_type3A_192 = arith.extui %lt3A_191 : i1 to i32
        %cond3A_193 = arith.constant 0 : i32
        %cond3A_194 = arith.cmpi ne, %convert_element_type3A_192, %cond3A_193 : i32
        scf.if %cond3A_194 {
          %add3A_195 = arith.constant 2 : i32
          %add3A_196 = arith.addi %while3A_103, %add3A_195 : i32
          %mul3A_197 = arith.constant 128 : i32
          %mul3A_198 = arith.muli %add3A_196, %mul3A_197 : i32
          %add3A_199 = arith.addi %mul3A_8, %mul3A_198 : i32
          %dma_start3A_200 = tpu.memref_slice %arg3[%add3A_199] : memref<320000xi32, #tpu.memory_space<hbm>> -> memref<128xi32, #tpu.memory_space<hbm>>
          %dma_start3A_201 = tpu.memref_slice %arg3[%add3A_199] : memref<320000xi32, #tpu.memory_space<hbm>> -> memref<128xi32, #tpu.memory_space<hbm>>
          tpu.enqueue_dma source(%dma_start3A_201 : memref<128xi32, #tpu.memory_space<hbm>>) target(%arg8 : memref<128xi32, #tpu.memory_space<vmem>>) target_semaphore(%arg15 : memref<!tpu.dma_semaphore, #tpu.memory_space<semaphore_mem>>)
          %jit3A_202 = arith.constant 4 : i32
          %eq3A_203 = arith.constant 0 : i32
          %eq3A_204 = arith.cmpi eq, %jit3A_202, %eq3A_203 : i32
          %jit3A_205 = arith.constant 1 : i32
          %select_n3A_206 = arith.select %eq3A_204, %jit3A_205, %jit3A_202 : i32
          %rem3A_207 = arith.remsi %add3A_196, %select_n3A_206 : i32
          %ne3A_208 = arith.constant 0 : i32
          %ne3A_209 = arith.cmpi ne, %rem3A_207, %ne3A_208 : i32
          %lt3A_210 = arith.constant 0 : i32
          %lt3A_211 = arith.cmpi slt, %rem3A_207, %lt3A_210 : i32
          %lt3A_212 = arith.constant 0 : i32
          %lt3A_213 = arith.cmpi slt, %select_n3A_206, %lt3A_212 : i32
          %ne3A_214 = arith.xori %lt3A_211, %lt3A_213 : i1
          %and3A_215 = arith.andi %ne3A_214, %ne3A_209 : i1
          %add3A_216 = arith.addi %rem3A_207, %select_n3A_206 : i32
          %select_n3A_217 = arith.select %and3A_215, %add3A_216, %rem3A_207 : i32
          %dma_start3A_218 = arith.constant 0 : i32
          %dma_start3A_219 = tpu.memref_slice %arg9[%select_n3A_217, %dma_start3A_218] : memref<4x128xi32, #tpu.memory_space<vmem>> -> memref<1x128xi32, #tpu.memory_space<vmem>>
          %dma_start3A_220 = tpu.memref_squeeze %dma_start3A_219 : memref<1x128xi32, #tpu.memory_space<vmem>> -> memref<128xi32, #tpu.memory_space<vmem>>
          %dma_start3A_221 = tpu.memref_slice %arg4[%add3A_199] : memref<320000xi32, #tpu.memory_space<hbm>> -> memref<128xi32, #tpu.memory_space<hbm>>
          %dma_start3A_222 = arith.constant 0 : i32
          %dma_start3A_223 = tpu.memref_slice %arg9[%select_n3A_217, %dma_start3A_222] : memref<4x128xi32, #tpu.memory_space<vmem>> -> memref<1x128xi32, #tpu.memory_space<vmem>>
          %dma_start3A_224 = tpu.memref_squeeze %dma_start3A_223 : memref<1x128xi32, #tpu.memory_space<vmem>> -> memref<128xi32, #tpu.memory_space<vmem>>
          %dma_start3A_225 = tpu.memref_slice %arg4[%add3A_199] : memref<320000xi32, #tpu.memory_space<hbm>> -> memref<128xi32, #tpu.memory_space<hbm>>
          tpu.enqueue_dma source(%dma_start3A_225 : memref<128xi32, #tpu.memory_space<hbm>>) target(%dma_start3A_224 : memref<128xi32, #tpu.memory_space<vmem>>) target_semaphore(%arg15 : memref<!tpu.dma_semaphore, #tpu.memory_space<semaphore_mem>>)
        } else {
        }
      } else {
      }
      %while3A_147 = arith.constant 0 : i32
      scf.yield %while3A_147 : i32
    }
    %while3A_57 = arith.constant 1 : i32
    %while3A_58 = scf.for %while3A_103 = %while3A_54 to %while3A_50 step %while3A_57 iter_args(%while3A_104 = %while3A_56) -> (i32)  : i32 {
      %jit3A_105 = arith.constant 2 : i32
      %eq3A_106 = arith.constant 0 : i32
      %eq3A_107 = arith.cmpi eq, %jit3A_105, %eq3A_106 : i32
      %jit3A_108 = arith.constant 1 : i32
      %select_n3A_109 = arith.select %eq3A_107, %jit3A_108, %jit3A_105 : i32
      %rem3A_110 = arith.remsi %while3A_103, %select_n3A_109 : i32
      %ne3A_111 = arith.constant 0 : i32
      %ne3A_112 = arith.cmpi ne, %rem3A_110, %ne3A_111 : i32
      %lt3A_113 = arith.constant 0 : i32
      %lt3A_114 = arith.cmpi slt, %rem3A_110, %lt3A_113 : i32
      %lt3A_115 = arith.constant 0 : i32
      %lt3A_116 = arith.cmpi slt, %select_n3A_109, %lt3A_115 : i32
      %ne3A_117 = arith.xori %lt3A_114, %lt3A_116 : i1
      %and3A_118 = arith.andi %ne3A_117, %ne3A_112 : i1
      %add3A_119 = arith.addi %rem3A_110, %select_n3A_109 : i32
      %select_n3A_120 = arith.select %and3A_118, %add3A_119, %rem3A_110 : i32
      %eq3A_121 = arith.constant 0 : i32
      %eq3A_122 = arith.cmpi eq, %select_n3A_120, %eq3A_121 : i32
      %convert_element_type3A_123 = arith.extui %eq3A_122 : i1 to i32
      %cond3A_124 = arith.constant 0 : i32
      %cond3A_125 = arith.cmpi ne, %convert_element_type3A_123, %cond3A_124 : i32
      scf.if %cond3A_125 {
        %add3A_148 = arith.constant 1 : i32
        %add3A_149 = arith.addi %while3A_103, %add3A_148 : i32
        %lt3A_150 = arith.cmpi slt, %add3A_149, %add3A_4 : i32
        %convert_element_type3A_151 = arith.extui %lt3A_150 : i1 to i32
        %cond3A_152 = arith.constant 0 : i32
        %cond3A_153 = arith.cmpi ne, %convert_element_type3A_151, %cond3A_152 : i32
        scf.if %cond3A_153 {
          %dma_wait3A_195 = arith.constant 0 : i32
          %dma_wait3A_196 = tpu.memref_slice %arg3[%dma_wait3A_195] : memref<320000xi32, #tpu.memory_space<hbm>> -> memref<128xi32, #tpu.memory_space<hbm>>
          %dma_wait3A_197 = arith.constant 0 : i32
          %dma_wait3A_198 = tpu.memref_slice %arg3[%dma_wait3A_197] : memref<320000xi32, #tpu.memory_space<hbm>> -> memref<128xi32, #tpu.memory_space<hbm>>
          tpu.wait_dma2 semaphore(%arg15 : memref<!tpu.dma_semaphore, #tpu.memory_space<semaphore_mem>>) src(%dma_wait3A_198 : memref<128xi32, #tpu.memory_space<hbm>>) dst(%arg8 : memref<128xi32, #tpu.memory_space<vmem>>)
          %dma_wait3A_199 = arith.constant 0 : i32
          %dma_wait3A_200 = tpu.memref_slice %arg3[%dma_wait3A_199] : memref<320000xi32, #tpu.memory_space<hbm>> -> memref<128xi32, #tpu.memory_space<hbm>>
          %dma_wait3A_201 = arith.constant 0 : i32
          %dma_wait3A_202 = tpu.memref_slice %arg3[%dma_wait3A_201] : memref<320000xi32, #tpu.memory_space<hbm>> -> memref<128xi32, #tpu.memory_space<hbm>>
          tpu.wait_dma2 semaphore(%arg15 : memref<!tpu.dma_semaphore, #tpu.memory_space<semaphore_mem>>) src(%dma_wait3A_202 : memref<128xi32, #tpu.memory_space<hbm>>) dst(%arg8 : memref<128xi32, #tpu.memory_space<vmem>>)
        } else {
        }
        %gt3A = arith.constant 0 : i32
        %gt3A_154 = arith.cmpi sgt, %while3A_103, %gt3A : i32
        %convert_element_type3A_155 = arith.extui %gt3A_154 : i1 to i32
        %cond3A_156 = arith.constant 0 : i32
        %cond3A_157 = arith.cmpi ne, %convert_element_type3A_155, %cond3A_156 : i32
        scf.if %cond3A_157 {
          %dma_wait3A_195 = arith.constant 0 : i32
          %dma_wait3A_196 = arith.constant 0 : i32
          %dma_wait3A_197 = tpu.memref_slice %arg9[%dma_wait3A_195, %dma_wait3A_196] : memref<4x128xi32, #tpu.memory_space<vmem>> -> memref<1x128xi32, #tpu.memory_space<vmem>>
          %dma_wait3A_198 = tpu.memref_squeeze %dma_wait3A_197 : memref<1x128xi32, #tpu.memory_space<vmem>> -> memref<128xi32, #tpu.memory_space<vmem>>
          %dma_wait3A_199 = arith.constant 0 : i32
          %dma_wait3A_200 = arith.constant 0 : i32
          %dma_wait3A_201 = tpu.memref_slice %arg13[%dma_wait3A_199, %dma_wait3A_200] : memref<10128x64xf32, #tpu.memory_space<vmem_shared>> -> memref<10128x64xf32, #tpu.memory_space<vmem_shared>>
          tpu.wait_indirect_dma semaphore(%arg18 : memref<!tpu.dma_semaphore, #tpu.memory_space<semaphore_mem>>) src(%arg11 : memref<128x64xf32, #tpu.memory_space<vmem>>) dst(%dma_wait3A_201 : memref<10128x64xf32, #tpu.memory_space<vmem_shared>>)
        } else {
        }
        %add3A_158 = arith.constant 1 : i32
        %add3A_159 = arith.addi %while3A_103, %add3A_158 : i32
        %lt3A_160 = arith.cmpi slt, %add3A_159, %add3A_4 : i32
        %convert_element_type3A_161 = arith.extui %lt3A_160 : i1 to i32
        %cond3A_162 = arith.constant 0 : i32
        %cond3A_163 = arith.cmpi ne, %convert_element_type3A_161, %cond3A_162 : i32
        scf.if %cond3A_163 {
          %dma_start3A_195 = arith.constant 0 : i32
          %dma_start3A_196 = arith.constant 0 : i32
          %dma_start3A_197 = tpu.memref_slice %arg12[%dma_start3A_195, %dma_start3A_196] : memref<10000x64xf32, #tpu.memory_space<vmem_shared>> -> memref<10000x64xf32, #tpu.memory_space<vmem_shared>>
          tpu.enqueue_indirect_dma source(%dma_start3A_197 : memref<10000x64xf32, #tpu.memory_space<vmem_shared>>) target(%arg11 : memref<128x64xf32, #tpu.memory_space<vmem>>) offsets(%arg8 : memref<128xi32, #tpu.memory_space<vmem>>) semaphore(%arg17 : memref<!tpu.dma_semaphore, #tpu.memory_space<semaphore_mem>>)
        } else {
        }
        %dma_wait3A_164 = arith.constant 0 : i32
        %dma_wait3A_165 = arith.constant 0 : i32
        %dma_wait3A_166 = tpu.memref_slice %arg12[%dma_wait3A_164, %dma_wait3A_165] : memref<10000x64xf32, #tpu.memory_space<vmem_shared>> -> memref<10000x64xf32, #tpu.memory_space<vmem_shared>>
        tpu.wait_indirect_dma semaphore(%arg16 : memref<!tpu.dma_semaphore, #tpu.memory_space<semaphore_mem>>) src(%dma_wait3A_166 : memref<10000x64xf32, #tpu.memory_space<vmem_shared>>) dst(%arg10 : memref<128x64xf32, #tpu.memory_space<vmem>>)
        %jit3A_167 = arith.constant 4 : i32
        %eq3A_168 = arith.constant 0 : i32
        %eq3A_169 = arith.cmpi eq, %jit3A_167, %eq3A_168 : i32
        %jit3A_170 = arith.constant 1 : i32
        %select_n3A_171 = arith.select %eq3A_169, %jit3A_170, %jit3A_167 : i32
        %rem3A_172 = arith.remsi %while3A_103, %select_n3A_171 : i32
        %ne3A_173 = arith.constant 0 : i32
        %ne3A_174 = arith.cmpi ne, %rem3A_172, %ne3A_173 : i32
        %lt3A_175 = arith.constant 0 : i32
        %lt3A_176 = arith.cmpi slt, %rem3A_172, %lt3A_175 : i32
        %lt3A_177 = arith.constant 0 : i32
        %lt3A_178 = arith.cmpi slt, %select_n3A_171, %lt3A_177 : i32
        %ne3A_179 = arith.xori %lt3A_176, %lt3A_178 : i1
        %and3A_180 = arith.andi %ne3A_179, %ne3A_174 : i1
        %add3A_181 = arith.addi %rem3A_172, %select_n3A_171 : i32
        %select_n3A_182 = arith.select %and3A_180, %add3A_181, %rem3A_172 : i32
        %dma_start3A_183 = arith.constant 0 : i32
        %dma_start3A_184 = tpu.memref_slice %arg9[%select_n3A_182, %dma_start3A_183] : memref<4x128xi32, #tpu.memory_space<vmem>> -> memref<1x128xi32, #tpu.memory_space<vmem>>
        %dma_start3A_185 = tpu.memref_squeeze %dma_start3A_184 : memref<1x128xi32, #tpu.memory_space<vmem>> -> memref<128xi32, #tpu.memory_space<vmem>>
        %dma_start3A_186 = arith.constant 0 : i32
        %dma_start3A_187 = arith.constant 0 : i32
        %dma_start3A_188 = tpu.memref_slice %arg13[%dma_start3A_186, %dma_start3A_187] : memref<10128x64xf32, #tpu.memory_space<vmem_shared>> -> memref<10128x64xf32, #tpu.memory_space<vmem_shared>>
        tpu.enqueue_indirect_dma source(%arg10 : memref<128x64xf32, #tpu.memory_space<vmem>>) target(%dma_start3A_188 : memref<10128x64xf32, #tpu.memory_space<vmem_shared>>) offsets(%dma_start3A_185 : memref<128xi32, #tpu.memory_space<vmem>>) semaphore(%arg18 : memref<!tpu.dma_semaphore, #tpu.memory_space<semaphore_mem>>) {add = true}
        %add3A_189 = arith.constant 2 : i32
        %add3A_190 = arith.addi %while3A_103, %add3A_189 : i32
        %lt3A_191 = arith.cmpi slt, %add3A_190, %add3A_4 : i32
        %convert_element_type3A_192 = arith.extui %lt3A_191 : i1 to i32
        %cond3A_193 = arith.constant 0 : i32
        %cond3A_194 = arith.cmpi ne, %convert_element_type3A_192, %cond3A_193 : i32
        scf.if %cond3A_194 {
          %add3A_195 = arith.constant 2 : i32
          %add3A_196 = arith.addi %while3A_103, %add3A_195 : i32
          %mul3A_197 = arith.constant 128 : i32
          %mul3A_198 = arith.muli %add3A_196, %mul3A_197 : i32
          %add3A_199 = arith.addi %mul3A_8, %mul3A_198 : i32
          %dma_start3A_200 = tpu.memref_slice %arg3[%add3A_199] : memref<320000xi32, #tpu.memory_space<hbm>> -> memref<128xi32, #tpu.memory_space<hbm>>
          %dma_start3A_201 = tpu.memref_slice %arg3[%add3A_199] : memref<320000xi32, #tpu.memory_space<hbm>> -> memref<128xi32, #tpu.memory_space<hbm>>
          tpu.enqueue_dma source(%dma_start3A_201 : memref<128xi32, #tpu.memory_space<hbm>>) target(%arg7 : memref<128xi32, #tpu.memory_space<vmem>>) target_semaphore(%arg14 : memref<!tpu.dma_semaphore, #tpu.memory_space<semaphore_mem>>)
          %jit3A_202 = arith.constant 4 : i32
          %eq3A_203 = arith.constant 0 : i32
          %eq3A_204 = arith.cmpi eq, %jit3A_202, %eq3A_203 : i32
          %jit3A_205 = arith.constant 1 : i32
          %select_n3A_206 = arith.select %eq3A_204, %jit3A_205, %jit3A_202 : i32
          %rem3A_207 = arith.remsi %add3A_196, %select_n3A_206 : i32
          %ne3A_208 = arith.constant 0 : i32
          %ne3A_209 = arith.cmpi ne, %rem3A_207, %ne3A_208 : i32
          %lt3A_210 = arith.constant 0 : i32
          %lt3A_211 = arith.cmpi slt, %rem3A_207, %lt3A_210 : i32
          %lt3A_212 = arith.constant 0 : i32
          %lt3A_213 = arith.cmpi slt, %select_n3A_206, %lt3A_212 : i32
          %ne3A_214 = arith.xori %lt3A_211, %lt3A_213 : i1
          %and3A_215 = arith.andi %ne3A_214, %ne3A_209 : i1
          %add3A_216 = arith.addi %rem3A_207, %select_n3A_206 : i32
          %select_n3A_217 = arith.select %and3A_215, %add3A_216, %rem3A_207 : i32
          %dma_start3A_218 = arith.constant 0 : i32
          %dma_start3A_219 = tpu.memref_slice %arg9[%select_n3A_217, %dma_start3A_218] : memref<4x128xi32, #tpu.memory_space<vmem>> -> memref<1x128xi32, #tpu.memory_space<vmem>>
          %dma_start3A_220 = tpu.memref_squeeze %dma_start3A_219 : memref<1x128xi32, #tpu.memory_space<vmem>> -> memref<128xi32, #tpu.memory_space<vmem>>
          %dma_start3A_221 = tpu.memref_slice %arg4[%add3A_199] : memref<320000xi32, #tpu.memory_space<hbm>> -> memref<128xi32, #tpu.memory_space<hbm>>
          %dma_start3A_222 = arith.constant 0 : i32
          %dma_start3A_223 = tpu.memref_slice %arg9[%select_n3A_217, %dma_start3A_222] : memref<4x128xi32, #tpu.memory_space<vmem>> -> memref<1x128xi32, #tpu.memory_space<vmem>>
          %dma_start3A_224 = tpu.memref_squeeze %dma_start3A_223 : memref<1x128xi32, #tpu.memory_space<vmem>> -> memref<128xi32, #tpu.memory_space<vmem>>
          %dma_start3A_225 = tpu.memref_slice %arg4[%add3A_199] : memref<320000xi32, #tpu.memory_space<hbm>> -> memref<128xi32, #tpu.memory_space<hbm>>
          tpu.enqueue_dma source(%dma_start3A_225 : memref<128xi32, #tpu.memory_space<hbm>>) target(%dma_start3A_224 : memref<128xi32, #tpu.memory_space<vmem>>) target_semaphore(%arg14 : memref<!tpu.dma_semaphore, #tpu.memory_space<semaphore_mem>>)
        } else {
        }
      } else {
      }
      %jit3A_126 = arith.constant 2 : i32
      %eq3A_127 = arith.constant 0 : i32
      %eq3A_128 = arith.cmpi eq, %jit3A_126, %eq3A_127 : i32
      %jit3A_129 = arith.constant 1 : i32
      %select_n3A_130 = arith.select %eq3A_128, %jit3A_129, %jit3A_126 : i32
      %rem3A_131 = arith.remsi %while3A_103, %select_n3A_130 : i32
      %ne3A_132 = arith.constant 0 : i32
      %ne3A_133 = arith.cmpi ne, %rem3A_131, %ne3A_132 : i32
      %lt3A_134 = arith.constant 0 : i32
      %lt3A_135 = arith.cmpi slt, %rem3A_131, %lt3A_134 : i32
      %lt3A_136 = arith.constant 0 : i32
      %lt3A_137 = arith.cmpi slt, %select_n3A_130, %lt3A_136 : i32
      %ne3A_138 = arith.xori %lt3A_135, %lt3A_137 : i1
      %and3A_139 = arith.andi %ne3A_138, %ne3A_133 : i1
      %add3A_140 = arith.addi %rem3A_131, %select_n3A_130 : i32
      %select_n3A_141 = arith.select %and3A_139, %add3A_140, %rem3A_131 : i32
      %eq3A_142 = arith.constant 1 : i32
      %eq3A_143 = arith.cmpi eq, %select_n3A_141, %eq3A_142 : i32
      %convert_element_type3A_144 = arith.extui %eq3A_143 : i1 to i32
      %cond3A_145 = arith.constant 0 : i32
      %cond3A_146 = arith.cmpi ne, %convert_element_type3A_144, %cond3A_145 : i32
      scf.if %cond3A_146 {
        %add3A_148 = arith.constant 1 : i32
        %add3A_149 = arith.addi %while3A_103, %add3A_148 : i32
        %lt3A_150 = arith.cmpi slt, %add3A_149, %add3A_4 : i32
        %convert_element_type3A_151 = arith.extui %lt3A_150 : i1 to i32
        %cond3A_152 = arith.constant 0 : i32
        %cond3A_153 = arith.cmpi ne, %convert_element_type3A_151, %cond3A_152 : i32
        scf.if %cond3A_153 {
          %dma_wait3A_195 = arith.constant 0 : i32
          %dma_wait3A_196 = tpu.memref_slice %arg3[%dma_wait3A_195] : memref<320000xi32, #tpu.memory_space<hbm>> -> memref<128xi32, #tpu.memory_space<hbm>>
          %dma_wait3A_197 = arith.constant 0 : i32
          %dma_wait3A_198 = tpu.memref_slice %arg3[%dma_wait3A_197] : memref<320000xi32, #tpu.memory_space<hbm>> -> memref<128xi32, #tpu.memory_space<hbm>>
          tpu.wait_dma2 semaphore(%arg14 : memref<!tpu.dma_semaphore, #tpu.memory_space<semaphore_mem>>) src(%dma_wait3A_198 : memref<128xi32, #tpu.memory_space<hbm>>) dst(%arg7 : memref<128xi32, #tpu.memory_space<vmem>>)
          %dma_wait3A_199 = arith.constant 0 : i32
          %dma_wait3A_200 = tpu.memref_slice %arg3[%dma_wait3A_199] : memref<320000xi32, #tpu.memory_space<hbm>> -> memref<128xi32, #tpu.memory_space<hbm>>
          %dma_wait3A_201 = arith.constant 0 : i32
          %dma_wait3A_202 = tpu.memref_slice %arg3[%dma_wait3A_201] : memref<320000xi32, #tpu.memory_space<hbm>> -> memref<128xi32, #tpu.memory_space<hbm>>
          tpu.wait_dma2 semaphore(%arg14 : memref<!tpu.dma_semaphore, #tpu.memory_space<semaphore_mem>>) src(%dma_wait3A_202 : memref<128xi32, #tpu.memory_space<hbm>>) dst(%arg7 : memref<128xi32, #tpu.memory_space<vmem>>)
        } else {
        }
        %gt3A = arith.constant 0 : i32
        %gt3A_154 = arith.cmpi sgt, %while3A_103, %gt3A : i32
        %convert_element_type3A_155 = arith.extui %gt3A_154 : i1 to i32
        %cond3A_156 = arith.constant 0 : i32
        %cond3A_157 = arith.cmpi ne, %convert_element_type3A_155, %cond3A_156 : i32
        scf.if %cond3A_157 {
          %dma_wait3A_195 = arith.constant 0 : i32
          %dma_wait3A_196 = arith.constant 0 : i32
          %dma_wait3A_197 = tpu.memref_slice %arg9[%dma_wait3A_195, %dma_wait3A_196] : memref<4x128xi32, #tpu.memory_space<vmem>> -> memref<1x128xi32, #tpu.memory_space<vmem>>
          %dma_wait3A_198 = tpu.memref_squeeze %dma_wait3A_197 : memref<1x128xi32, #tpu.memory_space<vmem>> -> memref<128xi32, #tpu.memory_space<vmem>>
          %dma_wait3A_199 = arith.constant 0 : i32
          %dma_wait3A_200 = arith.constant 0 : i32
          %dma_wait3A_201 = tpu.memref_slice %arg13[%dma_wait3A_199, %dma_wait3A_200] : memref<10128x64xf32, #tpu.memory_space<vmem_shared>> -> memref<10128x64xf32, #tpu.memory_space<vmem_shared>>
          tpu.wait_indirect_dma semaphore(%arg18 : memref<!tpu.dma_semaphore, #tpu.memory_space<semaphore_mem>>) src(%arg10 : memref<128x64xf32, #tpu.memory_space<vmem>>) dst(%dma_wait3A_201 : memref<10128x64xf32, #tpu.memory_space<vmem_shared>>)
        } else {
        }
        %add3A_158 = arith.constant 1 : i32
        %add3A_159 = arith.addi %while3A_103, %add3A_158 : i32
        %lt3A_160 = arith.cmpi slt, %add3A_159, %add3A_4 : i32
        %convert_element_type3A_161 = arith.extui %lt3A_160 : i1 to i32
        %cond3A_162 = arith.constant 0 : i32
        %cond3A_163 = arith.cmpi ne, %convert_element_type3A_161, %cond3A_162 : i32
        scf.if %cond3A_163 {
          %dma_start3A_195 = arith.constant 0 : i32
          %dma_start3A_196 = arith.constant 0 : i32
          %dma_start3A_197 = tpu.memref_slice %arg12[%dma_start3A_195, %dma_start3A_196] : memref<10000x64xf32, #tpu.memory_space<vmem_shared>> -> memref<10000x64xf32, #tpu.memory_space<vmem_shared>>
          tpu.enqueue_indirect_dma source(%dma_start3A_197 : memref<10000x64xf32, #tpu.memory_space<vmem_shared>>) target(%arg10 : memref<128x64xf32, #tpu.memory_space<vmem>>) offsets(%arg7 : memref<128xi32, #tpu.memory_space<vmem>>) semaphore(%arg16 : memref<!tpu.dma_semaphore, #tpu.memory_space<semaphore_mem>>)
        } else {
        }
        %dma_wait3A_164 = arith.constant 0 : i32
        %dma_wait3A_165 = arith.constant 0 : i32
        %dma_wait3A_166 = tpu.memref_slice %arg12[%dma_wait3A_164, %dma_wait3A_165] : memref<10000x64xf32, #tpu.memory_space<vmem_shared>> -> memref<10000x64xf32, #tpu.memory_space<vmem_shared>>
        tpu.wait_indirect_dma semaphore(%arg17 : memref<!tpu.dma_semaphore, #tpu.memory_space<semaphore_mem>>) src(%dma_wait3A_166 : memref<10000x64xf32, #tpu.memory_space<vmem_shared>>) dst(%arg11 : memref<128x64xf32, #tpu.memory_space<vmem>>)
        %jit3A_167 = arith.constant 4 : i32
        %eq3A_168 = arith.constant 0 : i32
        %eq3A_169 = arith.cmpi eq, %jit3A_167, %eq3A_168 : i32
        %jit3A_170 = arith.constant 1 : i32
        %select_n3A_171 = arith.select %eq3A_169, %jit3A_170, %jit3A_167 : i32
        %rem3A_172 = arith.remsi %while3A_103, %select_n3A_171 : i32
        %ne3A_173 = arith.constant 0 : i32
        %ne3A_174 = arith.cmpi ne, %rem3A_172, %ne3A_173 : i32
        %lt3A_175 = arith.constant 0 : i32
        %lt3A_176 = arith.cmpi slt, %rem3A_172, %lt3A_175 : i32
        %lt3A_177 = arith.constant 0 : i32
        %lt3A_178 = arith.cmpi slt, %select_n3A_171, %lt3A_177 : i32
        %ne3A_179 = arith.xori %lt3A_176, %lt3A_178 : i1
        %and3A_180 = arith.andi %ne3A_179, %ne3A_174 : i1
        %add3A_181 = arith.addi %rem3A_172, %select_n3A_171 : i32
        %select_n3A_182 = arith.select %and3A_180, %add3A_181, %rem3A_172 : i32
        %dma_start3A_183 = arith.constant 0 : i32
        %dma_start3A_184 = tpu.memref_slice %arg9[%select_n3A_182, %dma_start3A_183] : memref<4x128xi32, #tpu.memory_space<vmem>> -> memref<1x128xi32, #tpu.memory_space<vmem>>
        %dma_start3A_185 = tpu.memref_squeeze %dma_start3A_184 : memref<1x128xi32, #tpu.memory_space<vmem>> -> memref<128xi32, #tpu.memory_space<vmem>>
        %dma_start3A_186 = arith.constant 0 : i32
        %dma_start3A_187 = arith.constant 0 : i32
        %dma_start3A_188 = tpu.memref_slice %arg13[%dma_start3A_186, %dma_start3A_187] : memref<10128x64xf32, #tpu.memory_space<vmem_shared>> -> memref<10128x64xf32, #tpu.memory_space<vmem_shared>>
        tpu.enqueue_indirect_dma source(%arg11 : memref<128x64xf32, #tpu.memory_space<vmem>>) target(%dma_start3A_188 : memref<10128x64xf32, #tpu.memory_space<vmem_shared>>) offsets(%dma_start3A_185 : memref<128xi32, #tpu.memory_space<vmem>>) semaphore(%arg18 : memref<!tpu.dma_semaphore, #tpu.memory_space<semaphore_mem>>) {add = true}
        %add3A_189 = arith.constant 2 : i32
        %add3A_190 = arith.addi %while3A_103, %add3A_189 : i32
        %lt3A_191 = arith.cmpi slt, %add3A_190, %add3A_4 : i32
        %convert_element_type3A_192 = arith.extui %lt3A_191 : i1 to i32
        %cond3A_193 = arith.constant 0 : i32
        %cond3A_194 = arith.cmpi ne, %convert_element_type3A_192, %cond3A_193 : i32
        scf.if %cond3A_194 {
          %add3A_195 = arith.constant 2 : i32
          %add3A_196 = arith.addi %while3A_103, %add3A_195 : i32
          %mul3A_197 = arith.constant 128 : i32
          %mul3A_198 = arith.muli %add3A_196, %mul3A_197 : i32
          %add3A_199 = arith.addi %mul3A_8, %mul3A_198 : i32
          %dma_start3A_200 = tpu.memref_slice %arg3[%add3A_199] : memref<320000xi32, #tpu.memory_space<hbm>> -> memref<128xi32, #tpu.memory_space<hbm>>
          %dma_start3A_201 = tpu.memref_slice %arg3[%add3A_199] : memref<320000xi32, #tpu.memory_space<hbm>> -> memref<128xi32, #tpu.memory_space<hbm>>
          tpu.enqueue_dma source(%dma_start3A_201 : memref<128xi32, #tpu.memory_space<hbm>>) target(%arg8 : memref<128xi32, #tpu.memory_space<vmem>>) target_semaphore(%arg15 : memref<!tpu.dma_semaphore, #tpu.memory_space<semaphore_mem>>)
          %jit3A_202 = arith.constant 4 : i32
          %eq3A_203 = arith.constant 0 : i32
          %eq3A_204 = arith.cmpi eq, %jit3A_202, %eq3A_203 : i32
          %jit3A_205 = arith.constant 1 : i32
          %select_n3A_206 = arith.select %eq3A_204, %jit3A_205, %jit3A_202 : i32
          %rem3A_207 = arith.remsi %add3A_196, %select_n3A_206 : i32
          %ne3A_208 = arith.constant 0 : i32
          %ne3A_209 = arith.cmpi ne, %rem3A_207, %ne3A_208 : i32
          %lt3A_210 = arith.constant 0 : i32
          %lt3A_211 = arith.cmpi slt, %rem3A_207, %lt3A_210 : i32
          %lt3A_212 = arith.constant 0 : i32
          %lt3A_213 = arith.cmpi slt, %select_n3A_206, %lt3A_212 : i32
          %ne3A_214 = arith.xori %lt3A_211, %lt3A_213 : i1
          %and3A_215 = arith.andi %ne3A_214, %ne3A_209 : i1
          %add3A_216 = arith.addi %rem3A_207, %select_n3A_206 : i32
          %select_n3A_217 = arith.select %and3A_215, %add3A_216, %rem3A_207 : i32
          %dma_start3A_218 = arith.constant 0 : i32
          %dma_start3A_219 = tpu.memref_slice %arg9[%select_n3A_217, %dma_start3A_218] : memref<4x128xi32, #tpu.memory_space<vmem>> -> memref<1x128xi32, #tpu.memory_space<vmem>>
          %dma_start3A_220 = tpu.memref_squeeze %dma_start3A_219 : memref<1x128xi32, #tpu.memory_space<vmem>> -> memref<128xi32, #tpu.memory_space<vmem>>
          %dma_start3A_221 = tpu.memref_slice %arg4[%add3A_199] : memref<320000xi32, #tpu.memory_space<hbm>> -> memref<128xi32, #tpu.memory_space<hbm>>
          %dma_start3A_222 = arith.constant 0 : i32
          %dma_start3A_223 = tpu.memref_slice %arg9[%select_n3A_217, %dma_start3A_222] : memref<4x128xi32, #tpu.memory_space<vmem>> -> memref<1x128xi32, #tpu.memory_space<vmem>>
          %dma_start3A_224 = tpu.memref_squeeze %dma_start3A_223 : memref<1x128xi32, #tpu.memory_space<vmem>> -> memref<128xi32, #tpu.memory_space<vmem>>
          %dma_start3A_225 = tpu.memref_slice %arg4[%add3A_199] : memref<320000xi32, #tpu.memory_space<hbm>> -> memref<128xi32, #tpu.memory_space<hbm>>
          tpu.enqueue_dma source(%dma_start3A_225 : memref<128xi32, #tpu.memory_space<hbm>>) target(%dma_start3A_224 : memref<128xi32, #tpu.memory_space<vmem>>) target_semaphore(%arg15 : memref<!tpu.dma_semaphore, #tpu.memory_space<semaphore_mem>>)
        } else {
        }
      } else {
      }
      %while3A_147 = arith.constant 0 : i32
      scf.yield %while3A_147 : i32
    }
    %jit3A_59 = arith.constant 2 : i32
    %eq3A_60 = arith.constant 0 : i32
    %eq3A_61 = arith.cmpi eq, %jit3A_59, %eq3A_60 : i32
    %jit3A_62 = arith.constant 1 : i32
    %select_n3A_63 = arith.select %eq3A_61, %jit3A_62, %jit3A_59 : i32
    %rem3A = arith.remsi %add3A_4, %select_n3A_63 : i32
    %ne3A = arith.constant 0 : i32
    %ne3A_64 = arith.cmpi ne, %rem3A, %ne3A : i32
    %lt3A = arith.constant 0 : i32
    %lt3A_65 = arith.cmpi slt, %rem3A, %lt3A : i32
    %lt3A_66 = arith.constant 0 : i32
    %lt3A_67 = arith.cmpi slt, %select_n3A_63, %lt3A_66 : i32
    %ne3A_68 = arith.xori %lt3A_65, %lt3A_67 : i1
    %and3A = arith.andi %ne3A_68, %ne3A_64 : i1
    %add3A_69 = arith.addi %rem3A, %select_n3A_63 : i32
    %select_n3A_70 = arith.select %and3A, %add3A_69, %rem3A : i32
    %eq3A_71 = arith.constant 1 : i32
    %eq3A_72 = arith.cmpi eq, %select_n3A_70, %eq3A_71 : i32
    %convert_element_type3A_73 = arith.extui %eq3A_72 : i1 to i32
    %cond3A_74 = arith.constant 0 : i32
    %cond3A_75 = arith.cmpi ne, %convert_element_type3A_73, %cond3A_74 : i32
    scf.if %cond3A_75 {
      %dma_wait3A_103 = arith.constant 0 : i32
      %dma_wait3A_104 = arith.constant 0 : i32
      %dma_wait3A_105 = tpu.memref_slice %arg9[%dma_wait3A_103, %dma_wait3A_104] : memref<4x128xi32, #tpu.memory_space<vmem>> -> memref<1x128xi32, #tpu.memory_space<vmem>>
      %dma_wait3A_106 = tpu.memref_squeeze %dma_wait3A_105 : memref<1x128xi32, #tpu.memory_space<vmem>> -> memref<128xi32, #tpu.memory_space<vmem>>
      %dma_wait3A_107 = arith.constant 0 : i32
      %dma_wait3A_108 = arith.constant 0 : i32
      %dma_wait3A_109 = tpu.memref_slice %arg13[%dma_wait3A_107, %dma_wait3A_108] : memref<10128x64xf32, #tpu.memory_space<vmem_shared>> -> memref<10128x64xf32, #tpu.memory_space<vmem_shared>>
      tpu.wait_indirect_dma semaphore(%arg18 : memref<!tpu.dma_semaphore, #tpu.memory_space<semaphore_mem>>) src(%arg10 : memref<128x64xf32, #tpu.memory_space<vmem>>) dst(%dma_wait3A_109 : memref<10128x64xf32, #tpu.memory_space<vmem_shared>>)
    } else {
    }
    %jit3A_76 = arith.constant 2 : i32
    %eq3A_77 = arith.constant 0 : i32
    %eq3A_78 = arith.cmpi eq, %jit3A_76, %eq3A_77 : i32
    %jit3A_79 = arith.constant 1 : i32
    %select_n3A_80 = arith.select %eq3A_78, %jit3A_79, %jit3A_76 : i32
    %rem3A_81 = arith.remsi %add3A_4, %select_n3A_80 : i32
    %ne3A_82 = arith.constant 0 : i32
    %ne3A_83 = arith.cmpi ne, %rem3A_81, %ne3A_82 : i32
    %lt3A_84 = arith.constant 0 : i32
    %lt3A_85 = arith.cmpi slt, %rem3A_81, %lt3A_84 : i32
    %lt3A_86 = arith.constant 0 : i32
    %lt3A_87 = arith.cmpi slt, %select_n3A_80, %lt3A_86 : i32
    %ne3A_88 = arith.xori %lt3A_85, %lt3A_87 : i1
    %and3A_89 = arith.andi %ne3A_88, %ne3A_83 : i1
    %add3A_90 = arith.addi %rem3A_81, %select_n3A_80 : i32
    %select_n3A_91 = arith.select %and3A_89, %add3A_90, %rem3A_81 : i32
    %eq3A_92 = arith.constant 0 : i32
    %eq3A_93 = arith.cmpi eq, %select_n3A_91, %eq3A_92 : i32
    %convert_element_type3A_94 = arith.extui %eq3A_93 : i1 to i32
    %cond3A_95 = arith.constant 0 : i32
    %cond3A_96 = arith.cmpi ne, %convert_element_type3A_94, %cond3A_95 : i32
    scf.if %cond3A_96 {
      %dma_wait3A_103 = arith.constant 0 : i32
      %dma_wait3A_104 = arith.constant 0 : i32
      %dma_wait3A_105 = tpu.memref_slice %arg9[%dma_wait3A_103, %dma_wait3A_104] : memref<4x128xi32, #tpu.memory_space<vmem>> -> memref<1x128xi32, #tpu.memory_space<vmem>>
      %dma_wait3A_106 = tpu.memref_squeeze %dma_wait3A_105 : memref<1x128xi32, #tpu.memory_space<vmem>> -> memref<128xi32, #tpu.memory_space<vmem>>
      %dma_wait3A_107 = arith.constant 0 : i32
      %dma_wait3A_108 = arith.constant 0 : i32
      %dma_wait3A_109 = tpu.memref_slice %arg13[%dma_wait3A_107, %dma_wait3A_108] : memref<10128x64xf32, #tpu.memory_space<vmem_shared>> -> memref<10128x64xf32, #tpu.memory_space<vmem_shared>>
      tpu.wait_indirect_dma semaphore(%arg18 : memref<!tpu.dma_semaphore, #tpu.memory_space<semaphore_mem>>) src(%arg11 : memref<128x64xf32, #tpu.memory_space<vmem>>) dst(%dma_wait3A_109 : memref<10128x64xf32, #tpu.memory_space<vmem_shared>>)
    } else {
    }
    %barrier3A_97 = arith.constant 0 : index
    tpu.barrier barrier_id(%barrier3A_97)
    "tpu.region"() ({
      %run_scoped3A = tpu.sem_alloc : memref<!tpu.dma_semaphore, #tpu.memory_space<semaphore_mem>>
      %dma_start3A_103 = arith.constant 0 : i32
      %dma_start3A_104 = tpu.memref_slice %arg6[%arg0, %mul3A_10, %dma_start3A_103] : memref<2x10000x64xf32, #tpu.memory_space<hbm>> -> memref<1x624x64xf32, #tpu.memory_space<hbm>>
      %dma_start3A_105 = tpu.memref_squeeze %dma_start3A_104 : memref<1x624x64xf32, #tpu.memory_space<hbm>> -> memref<624x64xf32, #tpu.memory_space<hbm>>
      %dma_start3A_106 = arith.constant 0 : i32
      %dma_start3A_107 = tpu.memref_slice %arg13[%mul3A_10, %dma_start3A_106] : memref<10128x64xf32, #tpu.memory_space<vmem_shared>> -> memref<624x64xf32, #tpu.memory_space<vmem_shared>>
      tpu.enqueue_dma source(%dma_start3A_107 : memref<624x64xf32, #tpu.memory_space<vmem_shared>>) target(%dma_start3A_105 : memref<624x64xf32, #tpu.memory_space<hbm>>) target_semaphore(%run_scoped3A : memref<!tpu.dma_semaphore, #tpu.memory_space<semaphore_mem>>)
      %dma_wait3A_108 = arith.constant 0 : i32
      %dma_wait3A_109 = tpu.memref_slice %arg6[%arg0, %mul3A_10, %dma_wait3A_108] : memref<2x10000x64xf32, #tpu.memory_space<hbm>> -> memref<1x624x64xf32, #tpu.memory_space<hbm>>
      %dma_wait3A_110 = tpu.memref_squeeze %dma_wait3A_109 : memref<1x624x64xf32, #tpu.memory_space<hbm>> -> memref<624x64xf32, #tpu.memory_space<hbm>>
      %dma_wait3A_111 = arith.constant 0 : i32
      %dma_wait3A_112 = tpu.memref_slice %arg13[%mul3A_10, %dma_wait3A_111] : memref<10128x64xf32, #tpu.memory_space<vmem_shared>> -> memref<624x64xf32, #tpu.memory_space<vmem_shared>>
      tpu.wait_dma2 semaphore(%run_scoped3A : memref<!tpu.dma_semaphore, #tpu.memory_space<semaphore_mem>>) src(%dma_wait3A_112 : memref<624x64xf32, #tpu.memory_space<vmem_shared>>) dst(%dma_wait3A_110 : memref<624x64xf32, #tpu.memory_space<hbm>>)
      tpu.yield
    }) : () -> ()
    %eq3A_98 = arith.constant 15 : i32
    %eq3A_99 = arith.cmpi eq, %arg1, %eq3A_98 : i32
    %convert_element_type3A_100 = arith.extui %eq3A_99 : i1 to i32
    %cond3A_101 = arith.constant 0 : i32
    %cond3A_102 = arith.cmpi ne, %convert_element_type3A_100, %cond3A_101 : i32
    scf.if %cond3A_102 {
      "tpu.region"() ({
        %run_scoped3A = tpu.sem_alloc : memref<!tpu.dma_semaphore, #tpu.memory_space<semaphore_mem>>
        %dma_start3A_103 = arith.constant 9984 : i32
        %dma_start3A_104 = arith.constant 0 : i32
        %dma_start3A_105 = tpu.memref_slice %arg6[%arg0, %dma_start3A_103, %dma_start3A_104] : memref<2x10000x64xf32, #tpu.memory_space<hbm>> -> memref<1x16x64xf32, #tpu.memory_space<hbm>>
        %dma_start3A_106 = tpu.memref_squeeze %dma_start3A_105 : memref<1x16x64xf32, #tpu.memory_space<hbm>> -> memref<16x64xf32, #tpu.memory_space<hbm>>
        %dma_start3A_107 = arith.constant 9984 : i32
        %dma_start3A_108 = arith.constant 0 : i32
        %dma_start3A_109 = tpu.memref_slice %arg13[%dma_start3A_107, %dma_start3A_108] : memref<10128x64xf32, #tpu.memory_space<vmem_shared>> -> memref<16x64xf32, #tpu.memory_space<vmem_shared>>
        tpu.enqueue_dma source(%dma_start3A_109 : memref<16x64xf32, #tpu.memory_space<vmem_shared>>) target(%dma_start3A_106 : memref<16x64xf32, #tpu.memory_space<hbm>>) target_semaphore(%run_scoped3A : memref<!tpu.dma_semaphore, #tpu.memory_space<semaphore_mem>>)
        %dma_wait3A_110 = arith.constant 9984 : i32
        %dma_wait3A_111 = arith.constant 0 : i32
        %dma_wait3A_112 = tpu.memref_slice %arg6[%arg0, %dma_wait3A_110, %dma_wait3A_111] : memref<2x10000x64xf32, #tpu.memory_space<hbm>> -> memref<1x16x64xf32, #tpu.memory_space<hbm>>
        %dma_wait3A_113 = tpu.memref_squeeze %dma_wait3A_112 : memref<1x16x64xf32, #tpu.memory_space<hbm>> -> memref<16x64xf32, #tpu.memory_space<hbm>>
        %dma_wait3A_114 = arith.constant 9984 : i32
        %dma_wait3A_115 = arith.constant 0 : i32
        %dma_wait3A_116 = tpu.memref_slice %arg13[%dma_wait3A_114, %dma_wait3A_115] : memref<10128x64xf32, #tpu.memory_space<vmem_shared>> -> memref<16x64xf32, #tpu.memory_space<vmem_shared>>
        tpu.wait_dma2 semaphore(%run_scoped3A : memref<!tpu.dma_semaphore, #tpu.memory_space<semaphore_mem>>) src(%dma_wait3A_116 : memref<16x64xf32, #tpu.memory_space<vmem_shared>>) dst(%dma_wait3A_113 : memref<16x64xf32, #tpu.memory_space<hbm>>)
        tpu.yield
      }) : () -> ()
    } else {
    }
    return
  }
}

module attributes {stable_mosaic.version = 14 : i64} {
  func.func @_tc1_body(%arg0: i32, %arg1: memref<1000x128xf32, #tpu.memory_space<vmem>>, %arg2: memref<128x128xf32, #tpu.memory_space<vmem>>, %arg3: memref<2x2x1000x16xf32, #tpu.memory_space<vmem>>, %arg4: memref<2x1000x64xf32, #tpu.memory_space<vmem>>) attributes {dimension_semantics = [#tpu.dimension_semantics<arbitrary>], iteration_bounds = array<i64: 10>, scalar_prefetch = 0 : i64, scratch_operands = 0 : i64, tpu.core_type = #tpu.core_type<tc>, window_params = [{transform_indices = @transform_0, window_bounds = array<i64: 1000, 128>}, {pipeline_mode = #tpu.pipeline_mode<synchronous>, transform_indices = @transform_1, window_bounds = array<i64: 128, 128>}, {transform_indices = @transform_2, window_bounds = array<i64: 2, 2, 1000, 16>}, {transform_indices = @transform_3, window_bounds = array<i64: 2, 1000, 64>}]} {
    %get3A = arith.constant 0 : index
    %get3A_0 = arith.constant 0 : index
    %get3A_1 = arith.constant 0 : index
    %get3A_2 = arith.constant 0 : index
    %get3A_3 = vector.load %arg3[%get3A, %get3A_0, %get3A_1, %get3A_2] : memref<2x2x1000x16xf32, #tpu.memory_space<vmem>>, vector<1x1x1000x1xf32>
    %get3A_4 = vector.shape_cast %get3A_3 : vector<1x1x1000x1xf32> to vector<1000x1xf32>
    %get3A_5 = arith.constant 1 : index
    %get3A_6 = arith.constant 0 : index
    %get3A_7 = arith.constant 0 : index
    %get3A_8 = arith.constant 0 : index
    %get3A_9 = vector.load %arg3[%get3A_5, %get3A_6, %get3A_7, %get3A_8] : memref<2x2x1000x16xf32, #tpu.memory_space<vmem>>, vector<1x1x1000x1xf32>
    %get3A_10 = vector.shape_cast %get3A_9 : vector<1x1x1000x1xf32> to vector<1000x1xf32>
    %add3A = arith.addf %get3A_4, %get3A_10 : vector<1000x1xf32>
    %max3A = arith.constant 1.000000e+00 : f32
    %max3A_11 = vector.broadcast %max3A : f32 to vector<1000x1xf32>
    %max3A_12 = arith.maximumf %add3A, %max3A_11 : vector<1000x1xf32>
    %rsqrt3A = math.rsqrt %max3A_12 : vector<1000x1xf32>
    %get3A_13 = arith.constant 0 : index
    %get3A_14 = arith.constant 0 : index
    %get3A_15 = vector.load %arg1[%get3A_13, %get3A_14] : memref<1000x128xf32, #tpu.memory_space<vmem>>, vector<1000x128xf32>
    %get3A_16 = arith.constant 0 : index
    %get3A_17 = arith.constant 0 : index
    %get3A_18 = vector.load %arg2[%get3A_16, %get3A_17] : memref<128x128xf32, #tpu.memory_space<vmem>>, vector<128x64xf32>
    %dot_general3A = arith.constant dense<0.000000e+00> : vector<1000x64xf32>
    %dot_general3A_19 = tpu.matmul %get3A_15, %get3A_18, %dot_general3A {dimension_numbers = #tpu.dot_dimension_numbers<[1], [0], [0], [1], [0, 0, 1, 1], [], []>, transpose_lhs_hint = false} : vector<1000x128xf32>, vector<128x64xf32>, vector<1000x64xf32> -> vector<1000x64xf32>
    %mul3A = vector.broadcast %rsqrt3A : vector<1000x1xf32> to vector<1000x64xf32>
    %mul3A_20 = arith.mulf %dot_general3A_19, %mul3A : vector<1000x64xf32>
    %swap3A = arith.constant 0 : index
    %swap3A_21 = arith.constant 0 : index
    %swap3A_22 = arith.constant 0 : index
    %swap3A_23 = vector.load %arg4[%swap3A, %swap3A_21, %swap3A_22] : memref<2x1000x64xf32, #tpu.memory_space<vmem>>, vector<1x1000x64xf32>
    %swap3A_24 = vector.shape_cast %swap3A_23 : vector<1x1000x64xf32> to vector<1000x64xf32>
    %swap3A_25 = vector.shape_cast %mul3A_20 : vector<1000x64xf32> to vector<1x1000x64xf32>
    tpu.vector_store %arg4[%swap3A, %swap3A_21, %swap3A_22], %swap3A_25 {strides = array<i32>} : memref<2x1000x64xf32, #tpu.memory_space<vmem>>, vector<1x1000x64xf32>,
    %get3A_26 = arith.constant 0 : index
    %get3A_27 = arith.constant 64 : index
    %get3A_28 = vector.load %arg2[%get3A_26, %get3A_27] : memref<128x128xf32, #tpu.memory_space<vmem>>, vector<128x64xf32>
    %dot_general3A_29 = arith.constant dense<0.000000e+00> : vector<1000x64xf32>
    %dot_general3A_30 = tpu.matmul %get3A_15, %get3A_28, %dot_general3A_29 {dimension_numbers = #tpu.dot_dimension_numbers<[1], [0], [0], [1], [0, 0, 1, 1], [], []>, transpose_lhs_hint = false} : vector<1000x128xf32>, vector<128x64xf32>, vector<1000x64xf32> -> vector<1000x64xf32>
    %mul3A_31 = vector.broadcast %rsqrt3A : vector<1000x1xf32> to vector<1000x64xf32>
    %mul3A_32 = arith.mulf %dot_general3A_30, %mul3A_31 : vector<1000x64xf32>
    %swap3A_33 = arith.constant 1 : index
    %swap3A_34 = arith.constant 0 : index
    %swap3A_35 = arith.constant 0 : index
    %swap3A_36 = vector.load %arg4[%swap3A_33, %swap3A_34, %swap3A_35] : memref<2x1000x64xf32, #tpu.memory_space<vmem>>, vector<1x1000x64xf32>
    %swap3A_37 = vector.shape_cast %swap3A_36 : vector<1x1000x64xf32> to vector<1000x64xf32>
    %swap3A_38 = vector.shape_cast %mul3A_32 : vector<1000x64xf32> to vector<1x1000x64xf32>
    tpu.vector_store %arg4[%swap3A_33, %swap3A_34, %swap3A_35], %swap3A_38 {strides = array<i32>} : memref<2x1000x64xf32, #tpu.memory_space<vmem>>, vector<1x1000x64xf32>,
    return
  }
  func.func @transform_0(%arg0: i32) -> (i32, i32) {
    %c0_i32 = arith.constant 0 : i32
    %c0_i32_0 = arith.constant 0 : i32
    return %arg0, %c0_i32 : i32, i32
  }
  func.func @transform_1(%arg0: i32) -> (i32, i32) {
    %c0_i32 = arith.constant 0 : i32
    %c0_i32_0 = arith.constant 0 : i32
    %c0_i32_1 = arith.constant 0 : i32
    return %c0_i32, %c0_i32_0 : i32, i32
  }
  func.func @transform_2(%arg0: i32) -> (i32, i32, i32, i32) {
    %c0_i32 = arith.constant 0 : i32
    %c0_i32_0 = arith.constant 0 : i32
    %c0_i32_1 = arith.constant 0 : i32
    %c0_i32_2 = arith.constant 0 : i32
    return %c0_i32, %c0_i32_0, %arg0, %c0_i32_1 : i32, i32, i32, i32
  }
  func.func @transform_3(%arg0: i32) -> (i32, i32, i32) {
    %c0_i32 = arith.constant 0 : i32
    %c0_i32_0 = arith.constant 0 : i32
    %c0_i32_1 = arith.constant 0 : i32
    return %c0_i32, %arg0, %c0_i32_0 : i32, i32, i32
  }
}

module attributes {stable_mosaic.version = 14 : i64} {
  func.func @_tc2_body(%arg0: i32, %arg1: memref<2x1000x64xf32, #tpu.memory_space<vmem>>, %arg2: memref<2x2x1000x16xf32, #tpu.memory_space<vmem>>, %arg3: memref<2x1000x64xf32, #tpu.memory_space<vmem>>) attributes {dimension_semantics = [#tpu.dimension_semantics<arbitrary>], iteration_bounds = array<i64: 10>, scalar_prefetch = 0 : i64, scratch_operands = 0 : i64, tpu.core_type = #tpu.core_type<tc>, window_params = [{transform_indices = @transform_0, window_bounds = array<i64: 2, 1000, 64>}, {transform_indices = @transform_1, window_bounds = array<i64: 2, 2, 1000, 16>}, {transform_indices = @transform_2, window_bounds = array<i64: 2, 1000, 64>}]} {
    %get3A = arith.constant 0 : index
    %get3A_0 = arith.constant 0 : index
    %get3A_1 = arith.constant 0 : index
    %get3A_2 = arith.constant 0 : index
    %get3A_3 = vector.load %arg2[%get3A, %get3A_0, %get3A_1, %get3A_2] : memref<2x2x1000x16xf32, #tpu.memory_space<vmem>>, vector<1x1x1000x1xf32>
    %get3A_4 = vector.shape_cast %get3A_3 : vector<1x1x1000x1xf32> to vector<1000x1xf32>
    %get3A_5 = arith.constant 1 : index
    %get3A_6 = arith.constant 0 : index
    %get3A_7 = arith.constant 0 : index
    %get3A_8 = arith.constant 0 : index
    %get3A_9 = vector.load %arg2[%get3A_5, %get3A_6, %get3A_7, %get3A_8] : memref<2x2x1000x16xf32, #tpu.memory_space<vmem>>, vector<1x1x1000x1xf32>
    %get3A_10 = vector.shape_cast %get3A_9 : vector<1x1x1000x1xf32> to vector<1000x1xf32>
    %add3A = arith.addf %get3A_4, %get3A_10 : vector<1000x1xf32>
    %get3A_11 = arith.constant 0 : index
    %get3A_12 = arith.constant 1 : index
    %get3A_13 = arith.constant 0 : index
    %get3A_14 = arith.constant 0 : index
    %get3A_15 = vector.load %arg2[%get3A_11, %get3A_12, %get3A_13, %get3A_14] : memref<2x2x1000x16xf32, #tpu.memory_space<vmem>>, vector<1x1x1000x1xf32>
    %get3A_16 = vector.shape_cast %get3A_15 : vector<1x1x1000x1xf32> to vector<1000x1xf32>
    %get3A_17 = arith.constant 1 : index
    %get3A_18 = arith.constant 1 : index
    %get3A_19 = arith.constant 0 : index
    %get3A_20 = arith.constant 0 : index
    %get3A_21 = vector.load %arg2[%get3A_17, %get3A_18, %get3A_19, %get3A_20] : memref<2x2x1000x16xf32, #tpu.memory_space<vmem>>, vector<1x1x1000x1xf32>
    %get3A_22 = vector.shape_cast %get3A_21 : vector<1x1x1000x1xf32> to vector<1000x1xf32>
    %add3A_23 = arith.addf %get3A_16, %get3A_22 : vector<1000x1xf32>
    %max3A = arith.constant 1.000000e+00 : f32
    %max3A_24 = vector.broadcast %max3A : f32 to vector<1000x1xf32>
    %max3A_25 = arith.maximumf %add3A, %max3A_24 : vector<1000x1xf32>
    %rsqrt3A = math.rsqrt %max3A_25 : vector<1000x1xf32>
    %max3A_26 = arith.constant 1.000000e+00 : f32
    %max3A_27 = vector.broadcast %max3A_26 : f32 to vector<1000x1xf32>
    %max3A_28 = arith.maximumf %add3A_23, %max3A_27 : vector<1000x1xf32>
    %rsqrt3A_29 = math.rsqrt %max3A_28 : vector<1000x1xf32>
    %get3A_30 = arith.constant 0 : index
    %get3A_31 = arith.constant 0 : index
    %get3A_32 = arith.constant 0 : index
    %get3A_33 = vector.load %arg1[%get3A_30, %get3A_31, %get3A_32] : memref<2x1000x64xf32, #tpu.memory_space<vmem>>, vector<1x1000x64xf32>
    %get3A_34 = vector.shape_cast %get3A_33 : vector<1x1000x64xf32> to vector<1000x64xf32>
    %mul3A = vector.broadcast %rsqrt3A_29 : vector<1000x1xf32> to vector<1000x64xf32>
    %mul3A_35 = arith.mulf %get3A_34, %mul3A : vector<1000x64xf32>
    %max3A_36 = arith.constant 0.000000e+00 : f32
    %max3A_37 = vector.broadcast %max3A_36 : f32 to vector<1000x64xf32>
    %max3A_38 = arith.maximumf %mul3A_35, %max3A_37 : vector<1000x64xf32>
    %mul3A_39 = vector.broadcast %rsqrt3A : vector<1000x1xf32> to vector<1000x64xf32>
    %mul3A_40 = arith.mulf %max3A_38, %mul3A_39 : vector<1000x64xf32>
    %swap3A = arith.constant 0 : index
    %swap3A_41 = arith.constant 0 : index
    %swap3A_42 = arith.constant 0 : index
    %swap3A_43 = vector.load %arg3[%swap3A, %swap3A_41, %swap3A_42] : memref<2x1000x64xf32, #tpu.memory_space<vmem>>, vector<1x1000x64xf32>
    %swap3A_44 = vector.shape_cast %swap3A_43 : vector<1x1000x64xf32> to vector<1000x64xf32>
    %swap3A_45 = vector.shape_cast %mul3A_40 : vector<1000x64xf32> to vector<1x1000x64xf32>
    tpu.vector_store %arg3[%swap3A, %swap3A_41, %swap3A_42], %swap3A_45 {strides = array<i32>} : memref<2x1000x64xf32, #tpu.memory_space<vmem>>, vector<1x1000x64xf32>,
    %get3A_46 = arith.constant 1 : index
    %get3A_47 = arith.constant 0 : index
    %get3A_48 = arith.constant 0 : index
    %get3A_49 = vector.load %arg1[%get3A_46, %get3A_47, %get3A_48] : memref<2x1000x64xf32, #tpu.memory_space<vmem>>, vector<1x1000x64xf32>
    %get3A_50 = vector.shape_cast %get3A_49 : vector<1x1000x64xf32> to vector<1000x64xf32>
    %mul3A_51 = vector.broadcast %rsqrt3A_29 : vector<1000x1xf32> to vector<1000x64xf32>
    %mul3A_52 = arith.mulf %get3A_50, %mul3A_51 : vector<1000x64xf32>
    %max3A_53 = arith.constant 0.000000e+00 : f32
    %max3A_54 = vector.broadcast %max3A_53 : f32 to vector<1000x64xf32>
    %max3A_55 = arith.maximumf %mul3A_52, %max3A_54 : vector<1000x64xf32>
    %mul3A_56 = vector.broadcast %rsqrt3A : vector<1000x1xf32> to vector<1000x64xf32>
    %mul3A_57 = arith.mulf %max3A_55, %mul3A_56 : vector<1000x64xf32>
    %swap3A_58 = arith.constant 1 : index
    %swap3A_59 = arith.constant 0 : index
    %swap3A_60 = arith.constant 0 : index
    %swap3A_61 = vector.load %arg3[%swap3A_58, %swap3A_59, %swap3A_60] : memref<2x1000x64xf32, #tpu.memory_space<vmem>>, vector<1x1000x64xf32>
    %swap3A_62 = vector.shape_cast %swap3A_61 : vector<1x1000x64xf32> to vector<1000x64xf32>
    %swap3A_63 = vector.shape_cast %mul3A_57 : vector<1000x64xf32> to vector<1x1000x64xf32>
    tpu.vector_store %arg3[%swap3A_58, %swap3A_59, %swap3A_60], %swap3A_63 {strides = array<i32>} : memref<2x1000x64xf32, #tpu.memory_space<vmem>>, vector<1x1000x64xf32>,
    return
  }
  func.func @transform_0(%arg0: i32) -> (i32, i32, i32) {
    %c0_i32 = arith.constant 0 : i32
    %c0_i32_0 = arith.constant 0 : i32
    %c0_i32_1 = arith.constant 0 : i32
    return %c0_i32, %arg0, %c0_i32_0 : i32, i32, i32
  }
  func.func @transform_1(%arg0: i32) -> (i32, i32, i32, i32) {
    %c0_i32 = arith.constant 0 : i32
    %c0_i32_0 = arith.constant 0 : i32
    %c0_i32_1 = arith.constant 0 : i32
    %c0_i32_2 = arith.constant 0 : i32
    return %c0_i32, %c0_i32_0, %arg0, %c0_i32_1 : i32, i32, i32, i32
  }
  func.func @transform_2(%arg0: i32) -> (i32, i32, i32) {
    %c0_i32 = arith.constant 0 : i32
    %c0_i32_0 = arith.constant 0 : i32
    %c0_i32_1 = arith.constant 0 : i32
    return %c0_i32, %arg0, %c0_i32_0 : i32, i32, i32
  }
}

module attributes {stable_mosaic.version = 14 : i64} {
  func.func @_tc3_body(%arg0: i32, %arg1: memref<2x1000x64xf32, #tpu.memory_space<vmem>>, %arg2: memref<2x2x1000x16xf32, #tpu.memory_space<vmem>>, %arg3: memref<128x64xf32, #tpu.memory_space<vmem>>, %arg4: memref<128x64xf32, #tpu.memory_space<vmem>>, %arg5: memref<1000x64xf32, #tpu.memory_space<vmem>>, %arg6: memref<1000x64xf32, #tpu.memory_space<vmem>>, %arg7: memref<1000x64xf32, #tpu.memory_space<vmem>>, %arg8: memref<1000x64xf32, #tpu.memory_space<vmem>>) attributes {dimension_semantics = [#tpu.dimension_semantics<arbitrary>], iteration_bounds = array<i64: 10>, scalar_prefetch = 0 : i64, scratch_operands = 0 : i64, tpu.core_type = #tpu.core_type<tc>, window_params = [{transform_indices = @transform_0, window_bounds = array<i64: 2, 1000, 64>}, {transform_indices = @transform_1, window_bounds = array<i64: 2, 2, 1000, 16>}, {pipeline_mode = #tpu.pipeline_mode<synchronous>, transform_indices = @transform_2, window_bounds = array<i64: 128, 64>}, {pipeline_mode = #tpu.pipeline_mode<synchronous>, transform_indices = @transform_3, window_bounds = array<i64: 128, 64>}, {transform_indices = @transform_4, window_bounds = array<i64: 1000, 64>}, {transform_indices = @transform_5, window_bounds = array<i64: 1000, 64>}, {transform_indices = @transform_6, window_bounds = array<i64: 1000, 64>}, {transform_indices = @transform_7, window_bounds = array<i64: 1000, 64>}]} {
    %get3A = arith.constant 0 : index
    %get3A_0 = arith.constant 1 : index
    %get3A_1 = arith.constant 0 : index
    %get3A_2 = arith.constant 0 : index
    %get3A_3 = vector.load %arg2[%get3A, %get3A_0, %get3A_1, %get3A_2] : memref<2x2x1000x16xf32, #tpu.memory_space<vmem>>, vector<1x1x1000x1xf32>
    %get3A_4 = vector.shape_cast %get3A_3 : vector<1x1x1000x1xf32> to vector<1000x1xf32>
    %get3A_5 = arith.constant 1 : index
    %get3A_6 = arith.constant 1 : index
    %get3A_7 = arith.constant 0 : index
    %get3A_8 = arith.constant 0 : index
    %get3A_9 = vector.load %arg2[%get3A_5, %get3A_6, %get3A_7, %get3A_8] : memref<2x2x1000x16xf32, #tpu.memory_space<vmem>>, vector<1x1x1000x1xf32>
    %get3A_10 = vector.shape_cast %get3A_9 : vector<1x1x1000x1xf32> to vector<1000x1xf32>
    %add3A = arith.addf %get3A_4, %get3A_10 : vector<1000x1xf32>
    %max3A = arith.constant 1.000000e+00 : f32
    %max3A_11 = vector.broadcast %max3A : f32 to vector<1000x1xf32>
    %max3A_12 = arith.maximumf %add3A, %max3A_11 : vector<1000x1xf32>
    %rsqrt3A = math.rsqrt %max3A_12 : vector<1000x1xf32>
    %get3A_13 = arith.constant 0 : index
    %get3A_14 = arith.constant 0 : index
    %get3A_15 = arith.constant 0 : index
    %get3A_16 = vector.load %arg1[%get3A_13, %get3A_14, %get3A_15] : memref<2x1000x64xf32, #tpu.memory_space<vmem>>, vector<1x1000x64xf32>
    %get3A_17 = vector.shape_cast %get3A_16 : vector<1x1000x64xf32> to vector<1000x64xf32>
    %mul3A = vector.broadcast %rsqrt3A : vector<1000x1xf32> to vector<1000x64xf32>
    %mul3A_18 = arith.mulf %get3A_17, %mul3A : vector<1000x64xf32>
    %get3A_19 = arith.constant 1 : index
    %get3A_20 = arith.constant 0 : index
    %get3A_21 = arith.constant 0 : index
    %get3A_22 = vector.load %arg1[%get3A_19, %get3A_20, %get3A_21] : memref<2x1000x64xf32, #tpu.memory_space<vmem>>, vector<1x1000x64xf32>
    %get3A_23 = vector.shape_cast %get3A_22 : vector<1x1000x64xf32> to vector<1000x64xf32>
    %mul3A_24 = vector.broadcast %rsqrt3A : vector<1000x1xf32> to vector<1000x64xf32>
    %mul3A_25 = arith.mulf %get3A_23, %mul3A_24 : vector<1000x64xf32>
    %get3A_26 = arith.constant 0 : index
    %get3A_27 = arith.constant 0 : index
    %get3A_28 = vector.load %arg3[%get3A_26, %get3A_27] : memref<128x64xf32, #tpu.memory_space<vmem>>, vector<64x64xf32>
    %dot_general3A = arith.constant dense<0.000000e+00> : vector<1000x64xf32>
    %dot_general3A_29 = tpu.matmul %mul3A_18, %get3A_28, %dot_general3A {dimension_numbers = #tpu.dot_dimension_numbers<[1], [0], [0], [1], [0, 0, 1, 1], [], []>, transpose_lhs_hint = false} : vector<1000x64xf32>, vector<64x64xf32>, vector<1000x64xf32> -> vector<1000x64xf32>
    %get3A_30 = arith.constant 64 : index
    %get3A_31 = arith.constant 0 : index
    %get3A_32 = vector.load %arg3[%get3A_30, %get3A_31] : memref<128x64xf32, #tpu.memory_space<vmem>>, vector<64x64xf32>
    %dot_general3A_33 = arith.constant dense<0.000000e+00> : vector<1000x64xf32>
    %dot_general3A_34 = tpu.matmul %mul3A_25, %get3A_32, %dot_general3A_33 {dimension_numbers = #tpu.dot_dimension_numbers<[1], [0], [0], [1], [0, 0, 1, 1], [], []>, transpose_lhs_hint = false} : vector<1000x64xf32>, vector<64x64xf32>, vector<1000x64xf32> -> vector<1000x64xf32>
    %add3A_35 = arith.addf %dot_general3A_29, %dot_general3A_34 : vector<1000x64xf32>
    %get3A_36 = arith.constant 0 : index
    %get3A_37 = arith.constant 0 : index
    %get3A_38 = vector.load %arg4[%get3A_36, %get3A_37] : memref<128x64xf32, #tpu.memory_space<vmem>>, vector<64x64xf32>
    %dot_general3A_39 = arith.constant dense<0.000000e+00> : vector<1000x64xf32>
    %dot_general3A_40 = tpu.matmul %mul3A_18, %get3A_38, %dot_general3A_39 {dimension_numbers = #tpu.dot_dimension_numbers<[1], [0], [0], [1], [0, 0, 1, 1], [], []>, transpose_lhs_hint = false} : vector<1000x64xf32>, vector<64x64xf32>, vector<1000x64xf32> -> vector<1000x64xf32>
    %get3A_41 = arith.constant 64 : index
    %get3A_42 = arith.constant 0 : index
    %get3A_43 = vector.load %arg4[%get3A_41, %get3A_42] : memref<128x64xf32, #tpu.memory_space<vmem>>, vector<64x64xf32>
    %dot_general3A_44 = arith.constant dense<0.000000e+00> : vector<1000x64xf32>
    %dot_general3A_45 = tpu.matmul %mul3A_25, %get3A_43, %dot_general3A_44 {dimension_numbers = #tpu.dot_dimension_numbers<[1], [0], [0], [1], [0, 0, 1, 1], [], []>, transpose_lhs_hint = false} : vector<1000x64xf32>, vector<64x64xf32>, vector<1000x64xf32> -> vector<1000x64xf32>
    %add3A_46 = arith.addf %dot_general3A_40, %dot_general3A_45 : vector<1000x64xf32>
    %swap3A = arith.constant 0 : index
    %swap3A_47 = arith.constant 0 : index
    %swap3A_48 = vector.load %arg7[%swap3A, %swap3A_47] : memref<1000x64xf32, #tpu.memory_space<vmem>>, vector<1000x64xf32>
    tpu.vector_store %arg7[%swap3A, %swap3A_47], %add3A_35 {strides = array<i32>} : memref<1000x64xf32, #tpu.memory_space<vmem>>, vector<1000x64xf32>,
    %swap3A_49 = arith.constant 0 : index
    %swap3A_50 = arith.constant 0 : index
    %swap3A_51 = vector.load %arg8[%swap3A_49, %swap3A_50] : memref<1000x64xf32, #tpu.memory_space<vmem>>, vector<1000x64xf32>
    tpu.vector_store %arg8[%swap3A_49, %swap3A_50], %add3A_46 {strides = array<i32>} : memref<1000x64xf32, #tpu.memory_space<vmem>>, vector<1000x64xf32>,
    %mul3A_52 = arith.constant 5.000000e-01 : f32
    %mul3A_53 = vector.broadcast %mul3A_52 : f32 to vector<1000x64xf32>
    %mul3A_54 = arith.mulf %mul3A_53, %add3A_46 : vector<1000x64xf32>
    %exp3A = math.exp %mul3A_54 : vector<1000x64xf32>
    %get3A_55 = arith.constant 0 : index
    %get3A_56 = arith.constant 0 : index
    %get3A_57 = vector.load %arg5[%get3A_55, %get3A_56] : memref<1000x64xf32, #tpu.memory_space<vmem>>, vector<1000x64xf32>
    %mul3A_58 = arith.mulf %exp3A, %get3A_57 : vector<1000x64xf32>
    %add3A_59 = arith.addf %add3A_35, %mul3A_58 : vector<1000x64xf32>
    %swap3A_60 = arith.constant 0 : index
    %swap3A_61 = arith.constant 0 : index
    %swap3A_62 = vector.load %arg6[%swap3A_60, %swap3A_61] : memref<1000x64xf32, #tpu.memory_space<vmem>>, vector<1000x64xf32>
    tpu.vector_store %arg6[%swap3A_60, %swap3A_61], %add3A_59 {strides = array<i32>} : memref<1000x64xf32, #tpu.memory_space<vmem>>, vector<1000x64xf32>,
    return
  }
  func.func @transform_0(%arg0: i32) -> (i32, i32, i32) {
    %c0_i32 = arith.constant 0 : i32
    %c0_i32_0 = arith.constant 0 : i32
    %c0_i32_1 = arith.constant 0 : i32
    return %c0_i32, %arg0, %c0_i32_0 : i32, i32, i32
  }
  func.func @transform_1(%arg0: i32) -> (i32, i32, i32, i32) {
    %c0_i32 = arith.constant 0 : i32
    %c0_i32_0 = arith.constant 0 : i32
    %c0_i32_1 = arith.constant 0 : i32
    %c0_i32_2 = arith.constant 0 : i32
    return %c0_i32, %c0_i32_0, %arg0, %c0_i32_1 : i32, i32, i32, i32
  }
  func.func @transform_2(%arg0: i32) -> (i32, i32) {
    %c0_i32 = arith.constant 0 : i32
    %c0_i32_0 = arith.constant 0 : i32
    %c0_i32_1 = arith.constant 0 : i32
    return %c0_i32, %c0_i32_0 : i32, i32
  }
  func.func @transform_3(%arg0: i32) -> (i32, i32) {
    %c0_i32 = arith.constant 0 : i32
    %c0_i32_0 = arith.constant 0 : i32
    %c0_i32_1 = arith.constant 0 : i32
    return %c0_i32, %c0_i32_0 : i32, i32
  }
  func.func @transform_4(%arg0: i32) -> (i32, i32) {
    %c0_i32 = arith.constant 0 : i32
    %c0_i32_0 = arith.constant 0 : i32
    return %arg0, %c0_i32 : i32, i32
  }
  func.func @transform_5(%arg0: i32) -> (i32, i32) {
    %c0_i32 = arith.constant 0 : i32
    %c0_i32_0 = arith.constant 0 : i32
    return %arg0, %c0_i32 : i32, i32
  }
  func.func @transform_6(%arg0: i32) -> (i32, i32) {
    %c0_i32 = arith.constant 0 : i32
    %c0_i32_0 = arith.constant 0 : i32
    return %arg0, %c0_i32 : i32, i32
  }
  func.func @transform_7(%arg0: i32) -> (i32, i32) {
    %c0_i32 = arith.constant 0 : i32
    %c0_i32_0 = arith.constant 0 : i32
    return %arg0, %c0_i32 : i32, i32
  }
}

</mosaic_0001>

<sc_bundles>
// kernel: kernel.11.cloned.1.call-start
scs
__scs_entry_jumppad:
0x0: {  	(pc) =	sbr.rel $0x88, $3  }
0x1: {  	(tag) =	ssettag $0x0;
	lr =	simm.s32 $0x1  }
0x2: {  	[smem:$0x3F9C] =	sst lr;
	_ =	strace $0xD0000000  }
0x3: {  	_ = 	snop  }
0x4: {  	_ = 	snop  }
0x5: {  	_ = 	snop  }
0x6: {  	_ = 	snop  }
0x7: {  	_ = 	snop  }
__scs_overlays_trampoline_lowered:
0x8: {  	[smem:$0x3FAB] =	sst s0  }
0x9: {  	[smem:$0x3FAC] =	sst s1  }
0xa: {  	[smem:$0x3FAD] =	sst s2  }
0xb: {  	[smem:$0x3FAE] =	sst s3  }
0xc: {  	[smem:$0x3FAF] =	sst s4  }
0xd: {  	[smem:$0x3FB0] =	sst s5  }
0xe: {  	[smem:$0x3FB1] =	sst s6  }
0xf: {  	[smem:$0x3FB2] =	sst s7  }
0x10: {  	[smem:$0x3FB3] =	sst s8  }
0x11: {  	[smem:$0x3FB4] =	sst s9;
	s0 =	simm.s32 @!p0 $0x0  }
0x12: {  	s1 =	sld [smem:$0x3F9A];
	s0 =	simm.s32 @p0 $0x1  }
0x13: {  	[smem:$0x3FB5] =	sst s0;
	s0 =	simm.s32 @!p1 $0x0  }
0x14: {  	s2 =	sld [smem:$0x3F99];
	s0 =	simm.s32 @p1 $0x1  }
0x15: {  	[smem:$0x3FB6] =	sst s0;
	s0 =	simm.s32 @!p2 $0x0  }
0x16: {  	s3 =	sld [smem:$0x3FDB];
	s0 =	simm.s32 @p2 $0x1  }
0x17: {  	s4 =	simm.s32 $0x1BF5;
	[smem:$0x3FB8] =	sst s0  }
0x18: {  	s0 =	sld [smem:$0x3F9B];
	_ =	swait.ge [sflag:s4], $0x0  }
0x19: {  	s7 =	sld [smem:$0x3F9C]  }
0x1a: {  	s8 =	sadd.s32 $0xFFFFE003, lr  }
0x1b: {  	s9 =	sadd.s32 $0xFFFFFEF7, lr;
	s5 =	simm.s32 $0xFFFFFFFF;
	p2 =	slt.u32 s8, $0xFFFFF086  }
0x1c: {  	p1 =	slt.u32 s9, $0xF7A;
	s5 =	simm.s32 @!p2 $0x0  }
0x1d: {  	s5 =	simm.s32 @p1 $0x1;
	p0 =	seq.s32 s7, s2  }
0x1e: {  	s7 =	smul.u32 @!p0 $0xF7A, s2;
	p2 =	seq.s32 @!p0 s5, $0x0  }
0x1f: {  	s9 =	smul.u32 $0xF7A, s1;
	s8 =	simm.s32 @!p0 $0x1BF5;
	p2 =	por !p2, p0  }
0x20: {  	[sflag:s8] =	ssyncset.s32 @!p0 $0xFFFFF086;
	s6 =	sadd.s32 @!p0 s3, s7;
	s7 =	simm.s32 @!p0 $0x108  }
0x21: {  	s3 =	sadd.s32 s3, s9;
	s6 =	sadd.s32 @!p0 $0x88, s6;
	s7 =	simm.s32 @p2 $0x1082  }
0x22: {  	[simem:s7], [sflag:s8] =	dma.local @!p0 [hbm:s6], $0xF7A  }
0x23: {  	s9 =	sor.u32 $0xD0000000, s2;
	s6 =	simm.s32 $0x108;
	_ =	swait.ge @!p0 [sflag:s8], $0x0  }
0x24: {  	s3 =	sadd.s32 $0x88, s3;
	s6 =	simm.s32 @!p1 $0x1082;
	[sflag:s4] =	ssyncset.s32 $0xFFFFF086  }
0x25: {  	[simem:s6], [sflag:s4] =	dma.local [hbm:s3], $0xF7A  }
0x26: {  	[smem:$0x3F9C] =	sst s1;
	(tag) =	ssettag s2;
	_ =	strace s9  }
0x27: {  	s1 =	sld [smem:$0x3FAC]  }
0x28: {  	s2 =	sld [smem:$0x3FAD]  }
0x29: {  	s4 =	sld [smem:$0x3FAF]  }
0x2a: {  	p0 =	seq.s32 s5, $0x0;
	s5 =	sld [smem:$0x3FB0]  }
0x2b: {  	s6 =	sld [smem:$0x3FB1]  }
0x2c: {  	s7 =	sld [smem:$0x3FB2]  }
0x2d: {  	s3 =	simm.s32 $0x108;
	s8 =	sld [smem:$0x3FB3]  }
0x2e: {  	s3 =	simm.s32 @!p0 $0x1082;
	s9 =	sld [smem:$0x3FB4]  }
0x2f: {  	lr =	sadd.s32 s0, s3;
	s0 =	sld [smem:$0x3FAB]  }
0x30: {  	s3 =	sld [smem:$0x3FAE]  }
0x31: {  	[smem:$0x3FB7] =	sst s10  }
0x32: {  	s10 =	sld [smem:$0x3FB5];
	_ =	sdelay $0x3  }
0x33: {  	p0 =	seq.s32 s10, $0x1;
	s10 =	sld [smem:$0x3FB7];
	_ =	sdelay $0x3  }
0x34: {  	[smem:$0x3FB7] =	sst s10  }
0x35: {  	s10 =	sld [smem:$0x3FB6];
	_ =	sdelay $0x3  }
0x36: {  	p1 =	seq.s32 s10, $0x1;
	s10 =	sld [smem:$0x3FB7];
	_ =	sdelay $0x3  }
0x37: {  	[smem:$0x3FB7] =	sst s10  }
0x38: {  	s10 =	sld [smem:$0x3FB8]  }
0x39: {  	_ = 	snop;
	(pc) =	sbr.ind lr, $3  }
0x3a: {  	_ = 	snop  }
0x3b: {  	_ = 	snop  }
0x3c: {  	p2 =	seq.s32 s10, $0x1;
	s10 =	sld [smem:$0x3FB7]  }
0x3d: {  	_ =	shalt  }
0x3e: {  	_ =	shalt  }
0x3f: {  	_ =	shalt  }
0x40: {  	_ =	shalt  }
0x41: {  	_ =	shalt  }
0x42: {  	_ =	shalt  }
0x43: {  	_ =	shalt  }
0x44: {  	_ =	shalt  }
0x45: {  	_ =	shalt  }
0x46: {  	_ =	shalt  }
0x47: {  	_ =	shalt  }
0x48: {  	_ =	shalt  }
0x49: {  	_ =	shalt  }
0x4a: {  	_ =	shalt  }
0x4b: {  	_ =	shalt  }
0x4c: {  	_ =	shalt  }
0x4d: {  	_ =	shalt  }
0x4e: {  	_ =	shalt  }
0x4f: {  	_ =	shalt  }
0x50: {  	_ =	shalt  }
0x51: {  	_ =	shalt  }
0x52: {  	_ =	shalt  }
0x53: {  	_ =	shalt  }
0x54: {  	_ =	shalt  }
0x55: {  	_ =	shalt  }
0x56: {  	_ =	shalt  }
0x57: {  	_ =	shalt  }
0x58: {  	_ =	shalt  }
0x59: {  	_ =	shalt  }
0x5a: {  	_ =	shalt  }
0x5b: {  	_ =	shalt  }
0x5c: {  	_ =	shalt  }
0x5d: {  	_ =	shalt  }
0x5e: {  	_ =	shalt  }
0x5f: {  	_ =	shalt  }
0x60: {  	_ =	shalt  }
0x61: {  	_ =	shalt  }
0x62: {  	_ =	shalt  }
0x63: {  	_ =	shalt  }
0x64: {  	_ =	shalt  }
0x65: {  	_ =	shalt  }
0x66: {  	_ =	shalt  }
0x67: {  	_ =	shalt  }
0x68: {  	_ =	shalt  }
0x69: {  	_ =	shalt  }
0x6a: {  	_ =	shalt  }
0x6b: {  	_ =	shalt  }
0x6c: {  	_ =	shalt  }
0x6d: {  	_ =	shalt  }
0x6e: {  	_ =	shalt  }
0x6f: {  	_ =	shalt  }
0x70: {  	_ =	shalt  }
0x71: {  	_ =	shalt  }
0x72: {  	_ =	shalt  }
0x73: {  	_ =	shalt  }
0x74: {  	_ =	shalt  }
0x75: {  	_ =	shalt  }
0x76: {  	_ =	shalt  }
0x77: {  	_ =	shalt  }
0x78: {  	_ =	shalt  }
0x79: {  	_ =	shalt  }
0x7a: {  	_ =	shalt  }
0x7b: {  	_ =	shalt  }
0x7c: {  	_ =	shalt  }
0x7d: {  	_ =	shalt  }
0x7e: {  	_ =	shalt  }
0x7f: {  	_ =	shalt  }
0x80: {  	_ =	shalt  }
0x81: {  	_ =	shalt  }
0x82: {  	_ =	shalt  }
0x83: {  	_ =	shalt  }
0x84: {  	_ =	shalt  }
0x85: {  	_ =	shalt  }
0x86: {  	_ =	shalt  }
0x87: {  	_ =	shalt  }
.Lfunc_end0:
.L_simem_size_0:
called_computation.1_lowered:
.L_overlay_start_0:
0x88: {  	s2 =	sld [smem:$0x3FD9]  }
0x89: {  	s3 =	sld [smem:$0x3FFE];
	_ =	sdelay $0x1  }
0x8a: {  	s1 =	srdreg.scid  }
0x8b: {  	s0 =	sand.u32 $0x1, s1  }
0x8c: {  	s14 =	sshll.u32 s0, $0xA;
	s2 =	sadd.s32 s3, s2  }
0x8d: {  	s2 =	sadd.s32 s2, s14  }
0x8e: {  	[smem:$0x3FC3] =	sst s2  }
0x8f: {  	_ = 	snop  }
0x90: {  	s2 =	sld [smem:$0x3FD0];
	_ =	sdelay $0x2  }
0x91: {  	s15 =	simm.s32 $0xA;
	s4 =	simm.s32 $0x10  }
0x92: {  	[smem:s4], [sflag:s15] =	dma.local [hbm:s2], $0x1  }
0x93: {  	_ =	swait.eq [sflag:s15], $0x1  }
0x94: {  	s16 =	sld [smem:$0x10];
	[sflag:s15] =	ssyncset.done $0x0  }
0x95: {  	s17 =	sld [smem:$0x11];
	[sflag:s15] =	ssyncadd.s32 $0xFFFFFFFF  }
0x96: {  	s18 =	sld [smem:$0x12];
	(tm) =	ssettm $0x1  }
0x97: {  	s5 =	sld [smem:$0x3FFB];
	_ =	sdelay $0x3  }
0x98: {  	_ =	strace s5  }
0x99: {  	s5 =	sld [smem:$0x3FFC];
	_ =	sdelay $0x3  }
0x9a: {  	_ =	strace s5  }
0x9b: {  	s5 =	sld [smem:$0x3FFD];
	_ =	sdelay $0x3  }
0x9c: {  	_ =	strace s5  }
0x9d: {  	_ =	strace $0x8FFFFFFF  }
0x9e: {  	s19 =	sld [smem:$0x3FDB];
	_ =	sdelay $0x1  }
0x9f: {  	s6 =	simm.s32 $_scs_section_size  }
0xa0: {  	s7 =	simm.s32 $_size__tile_overlayer_lowered;
	s8 =	simm.s32 $_tile_overlayer_lowered  }
0xa1: {  	s22 =	simm.s32 $0x1BFF;
	s21 =	sshll.u32 s8, $0x1;
	s5 =	sadd.s32 s6, s19  }
0xa2: {  	s9 =	simm.s32 $0x0;
	s20 =	sshll.u32 s7, $0x1;
	s7 =	sadd.s32 s21, s5  }
0xa3: {  	[timem:s9], [sflag:s22] =	dma.local [hbm:s7], s20  }
0xa4: {  	_ =	swait.ge [sflag:s22], s20  }
0xa5: {  	s6 =	ssub.s32 $0x0, s20;
	[sflag:s22] =	ssyncset.done $0x0  }
0xa6: {  	[sflag:s22] =	ssyncadd.s32 s6;
	_ =	sdelay $0x1  }
0xa7: {  	s23 =	simm.s32 $0x1B8B  }
0xa8: {  	_ =	swait.ge [sflag:s23], $0x1  }
0xa9: {  	[sflag:s23] =	ssyncset.done $0x0  }
0xaa: {  	s25 =	simm.s32 $0x1B8E;
	s24 =	sld [smem:$0x3FFE];
	[sflag:s23] =	ssyncadd.s32 $0xFFFFFFFF  }
0xab: {  	s26 =	simm.s32 $execute0_lowered;
	[smem:$0x3FD2] =	sst s25  }
0xac: {  	s7 =	sshll.u32 s26, $0x1;
	_ =	strace $0x80000049;
	[dreg:$0x1] =	wrdreg $0xFFFFFFFF  }
0xad: {  	s28 =	simm.s32 $_size_execute0_lowered;
	s5 =	sadd.s32 s5, s7;
	[dreg:$0x0] =	wrdreg $0x0  }
0xae: {  	s7 =	sshll.u32 s28, $0x1;
	[dreg:$0x2] =	wrdreg s5  }
0xaf: {  	[dreg:$0x3] =	wrdreg s7  }
0xb0: {  	[dreg:$0x4] =	wrdreg $0xC0  }
0xb1: {  	_ =	task [dreg:s9], $0x5FFFF  }
0xb2: {  	[dreg:$0x1] =	wrdreg $0xFFFFFFFF  }
0xb3: {  	[dreg:$0x0] =	wrdreg $0x60  }
0xb4: {  	[dreg:$0x2] =	wrdreg s24  }
0xb5: {  	[dreg:$0x3] =	wrdreg s16  }
0xb6: {  	[dreg:$0x4] =	wrdreg s17  }
0xb7: {  	[dreg:$0x5] =	wrdreg s18  }
0xb8: {  	[dreg:$0x6] =	wrdreg $0x43000  }
0xb9: {  	[dreg:$0x7] =	wrdreg $0xDF400  }
0xba: {  	[dreg:$0x8] =	wrdreg $0x9  }
0xbb: {  	_ =	task.clear_ibuf [dreg:s9], $0x9FFFF;
	_ =	strace $0x90000049  }
0xbc: {  	s29 =	simm.s32 $0x9;
	_ =	strace $0x8000004B  }
0xbd: {  	_ =	swait.ge [sflag:s29], $0x1  }
0xbe: {  	[sflag:s29] =	ssyncadd.s32 $0xFFFFFFFF  }
0xbf: {  	_ =	strace $0x9000004B  }
0xc0: {  	_ =	sfence  }
0xc1: {  	s30 =	sld [smem:$0x0];
	_ =	sdelay $0x2  }
0xc2: {  	s31 =	sshll.u32 s1, $0xD;
	s1 =	sshrl.u32 s1, $0x2  }
0xc3: {  	s3 =	sand.u32 $0x4000, s31;
	s1 =	sadd.s32 s1, s30  }
0xc4: {  	s0 =	sor.u32 s3, s0;
	s1 =	sshll.u32 s1, $0x11  }
0xc5: {  	s0 =	sor.u32 s1, s0  }
0xc6: {  	s0 =	sadd.s32 $0x8F2B, s0  }
0xc7: {  	[sflag:s0] =	ssyncadd.remote.s32 $0x1  }
0xc8: {  	_ =	sfence.sel $0xFFFF  }
0xc9: {  	[dreg:$0x0] =	wrdreg $0xFFFFFFFF;
	(pc) =	sbr.abs _section_cstart, $3  }
0xca: {  	[dreg:$0x1] =	wrdreg $0xFFFFFFFF  }
0xcb: {  	_ =	task.clear_ibuf [dreg:s9], $0x2FFFF;
	_ =	strace $0x9FFFFFFF  }
0xcc: {  	(tm) =	ssettm $0x7FFFFFFF  }
0xcd: {  	_ =	shalt  }
tec
execute0_lowered:
.L_overlay_start_1:
0x0: {  	(tag) =	ssettag $0x1  }
0x1: {  	s0 =	rddreg [dreg:$0x0]  }
0x2: {  	s1 =	rddreg [dreg:$0x1]  }
0x3: {  	s2 =	rddreg [dreg:$0x2]  }
0x4: {  	s4 =	rddreg [dreg:$0x4]  }
0x5: {  	s5 =	rddreg [dreg:$0x5];
	s7 =	simm.s32 $0x0;
	s3 =	srdreg.scid  }
0x6: {  	s13 =	stileid.u32;
	s28 =	simm.s32 $0x80;
	s31 =	simm.s32 $0x5  }
0x7: {  	s29 =	simm.s32 $0x0;
	[smem:$0x7FF] =	sst s7;
	s6 =	sadd.s32 $0x9DA00, s0  }
0x8: {  	s3 =	sand.u32 $0x1, s3;
	s8 =	smul.u32 $0x9C, s13;
	s0 =	sadd.s32 $0xC4C00, s0  }
0x9: {  	s10 =	smax.u32 s13, $0xC;
	p0 =	sgt.u32 s13, $0xB;
	s12 =	smul.u32 $0x9C00, s13  }
0xa: {  	s21 =	sshll.u32 s13, $0x6;
	s23 =	sadd.s32 $0x9C000, s5;
	s25 =	smul.u32 $0x9D, s13  }
0xb: {  	_ =	strace $0x8000004A;
	s9 =	ssub.s32 $0x2, s3;
	s3 =	smul.u32 $0x9C400, s3  }
0xc: {  	[dreg:$0xa] =	wrdreg s23;
	s11 =	sshrl.u32 s9, $0x1;
	s10 =	sadd.s32 s8, s10  }
0xd: {  	s8 =	simm.s32 $0x9D;
	s22 =	sadd.s32 s12, s4;
	s9 =	ssub.s32 s9, s11  }
0xe: {  	s8 =	simm.s32 @!p0 $0x9C;
	s18 =	sshll.u32 s10, $0x4;
	s20 =	sadd.s32 s12, s3  }
0xf: {  	s3 =	sshrl.u32 s3, $0x3;
	s10 =	sor.u32 $0x1C06, s21;
	s12 =	sadd.s32 s12, s5  }
0x10: {  	p0 =	sne.s32 s13, $0xF;
	s23 =	sshrl.u32 s22, $0x3;
	s15 =	sadd.s32 $0xFFFFFF40, s18  }
0x11: {  	s19 =	sshrl.u32 s20, $0x3;
	s3 =	sadd.s32 $0x13800, s3;
	[dreg:$0x8] =	wrdreg s12  }
0x12: {  	s12 =	sadd.s32 $0x9C000, s4;
	s11 =	sadd.s32 $0xFFFFFF50, s18;
	s18 =	smin.u32 s13, $0xC  }
0x13: {  	s21 =	smax.u32 s9, $0x1;
	s14 =	sadd.s32 s6, s19;
	s6 =	sadd.s32 s6, s3  }
0x14: {  	s24 =	sadd.s32 s1, s15;
	s26 =	sadd.s32 s2, s15;
	[dreg:$0x7] =	wrdreg s14  }
0x15: {  	s30 =	sadd.s32 s1, s11;
	s17 =	sadd.s32 s2, s11;
	[dreg:$0x9] =	wrdreg s6  }
.Ltmp0:
0x16: {  	s19 =	sadd.s32 s0, s19;
	[dreg:$0xb] =	wrdreg s24;
	(pc) =	sbr.rel .LBB2_1-.Ltmp0, $4  }
0x17: {  	s20 =	sadd.s32 s0, s3;
	s0 =	simm.s32 $0x4;
	[dreg:$0xc] =	wrdreg s26  }
0x18: {  	[dreg:$0xd] =	wrdreg s30;
	s6 =	ssub.s32 s25, s18;
	s18 =	sadd.s32 $0xFFFFFFFF, s8  }
0x19: {  	s24 =	simm.s32 $0x6;
	s25 =	sshrl.u32 @!p0 s12, $0x3;
	s6 =	sshll.u32 s6, $0x4  }
0x1a: {  	s26 =	simm.s32 $0x1;
	s11 =	sadd.s32 $0x20, s6;
	s6 =	simm.s32 $0x2300  }
.LBB2_5:
0x1b: {  	_ =	swait.ge [sflag:s31], $0x2000  }
0x1c: {  	[sflag:s31] =	ssyncset.done $0x0  }
0x1d: {  	[sflag:s31] =	ssyncadd.s32 $0xFFFFE000  }
0x1e: {  	[bflag:$0x0] =	sbarrier.arrive $0xFFFF  }
0x1f: {  	[hbm:s19], [sflag:s10] =	dma.local [spmem:s30], $0x1380  }
0x20: {  	_ =	swait.ge [sflag:s24], $0x1380  }
0x21: {  	s29 =	sadd.s32 $0x1, s29;
	[sflag:s24] =	ssyncset.done $0x0  }
0x22: {  	p1 =	sne.s32 s29, s21;
	[sflag:s24] =	ssyncadd.s32 $0xFFFFEC80  }
0x23: {  	[hbm:s20], [sflag:s10] =	dma.local @!p0 [spmem:s3], $0x80  }
.Ltmp1:
0x24: {  	_ = 	snop;
	(pc) =	sbr.rel @!p1 .LBB2_6-.Ltmp1, $4  }
0x25: {  	s3 =	simm.s32 @!p0 $0x6  }
0x26: {  	_ =	swait.ge @!p0 [sflag:s3], $0x80  }
0x27: {  	[sflag:s3] =	ssyncset.done @!p0 $0x0  }
0x28: {  	[sflag:s3] =	ssyncadd.s32 @!p0 $0xFFFFFF80  }
.LBB2_1:
0x29: {  	s3 =	rddreg [dreg:$0x7]  }
0x2a: {  	[spmem:s23], [sflag:s10] =	dma.local [hbm:s3], $0x1380  }
0x2b: {  	_ =	swait.ge [sflag:s24], $0x1380  }
0x2c: {  	[sflag:s24] =	ssyncset.done $0x0  }
0x2d: {  	s12 =	rddreg [dreg:$0x8];
	[sflag:s24] =	ssyncadd.s32 $0xFFFFEC80  }
0x2e: {  	s30 =	sshrl.u32 s12, $0x3;
	s12 =	rddreg [dreg:$0x3]  }
0x2f: {  	[spmem:s30], [sflag:s10] =	dma.local [hbm:s12], $0x1380  }
0x30: {  	_ =	swait.ge [sflag:s24], $0x1380  }
0x31: {  	[sflag:s24] =	ssyncset.done $0x0  }
0x32: {  	s9 =	simm.s32 @!p0 $0x6;
	s3 =	rddreg [dreg:$0x9];
	[sflag:s24] =	ssyncadd.s32 $0xFFFFEC80  }
0x33: {  	[spmem:s25], [sflag:s10] =	dma.local @!p0 [hbm:s3], $0x80  }
0x34: {  	_ =	swait.ge @!p0 [sflag:s9], $0x80  }
0x35: {  	[sflag:s9] =	ssyncset.done @!p0 $0x0;
	s3 =	rddreg [dreg:$0xa]  }
0x36: {  	[sflag:s9] =	ssyncadd.s32 @!p0 $0xFFFFFF80;
	s3 =	sshrl.u32 @!p0 s3, $0x3  }
0x37: {  	[spmem:s3], [sflag:s10] =	dma.local @!p0 [hbm:s12], $0x80  }
0x38: {  	_ =	swait.ge @!p0 [sflag:s9], $0x80  }
0x39: {  	[sflag:s9] =	ssyncset.done @!p0 $0x0  }
0x3a: {  	s13 =	rddreg [dreg:$0xb];
	[sflag:s9] =	ssyncadd.s32 @!p0 $0xFFFFFF80  }
0x3b: {  	[tilespmem:s7], [sflag:$0x1] =	stream.linear.gather [hbm4b:s13+s7], $0x80, $0x38;
	[tilespmem:$0x17D80] =	vst v63  }
0x3c: {  	s14 =	rddreg [dreg:$0xc];
	s9 =	simm.s32 $0x100  }
0x3d: {  	[tilespmem:s9], [sflag:$0x1] =	stream.linear.gather [hbm4b:s14+s7], $0x80, $0x38;
	[tilespmem:$0x17D80] =	vst v63  }
0x3e: {  	_ =	swait.ge [sflag:s26], $0x80  }
0x3f: {  	[sflag:s26] =	ssyncset.done $0x0  }
0x40: {  	[sflag:s26] =	ssyncadd.s32 $0xFFFFFF80  }
0x41: {  	_ =	swait.ge [sflag:s26], $0x80  }
0x42: {  	[sflag:s26] =	ssyncset.done $0x0  }
0x43: {  	s15 =	rddreg [dreg:$0xd];
	[sflag:s26] =	ssyncadd.s32 $0xFFFFFF80  }
0x44: {  	[tilespmem:s28], [sflag:$0x2] =	stream.linear.gather [hbm4b:s15+s7], $0x80, $0x38;
	[tilespmem:$0x17D80] =	vst v63  }
.Ltmp2:
0x45: {  	s16 =	simm.s32 $0x180;
	(pc) =	sbr.rel .LBB2_2-.Ltmp2, $4  }
0x46: {  	[tilespmem:s16], [sflag:$0x2] =	stream.linear.gather [hbm4b:s17+s7], $0x80, $0x38;
	[tilespmem:$0x17D80] =	vst v63  }
0x47: {  	s22 =	simm.s32 $0x300;
	[bflag:$0x0] =	sbarrier.arrive $0xFFFF  }
0x48: {  	[tilespmem:s22], [sflag:$0x3] =	stream.indirect.gather [spmem:s4], $0x40, s7, s28, $0xb8;
	[tilespmem:$0x17D80] =	vst v63  }
0x49: {  	s12 =	simm.s32 $0x0;
	s22 =	smov.u32 s11  }
.LBB2_4:
0x4a: {  	s12 =	sadd.s32 $0x1, s12  }
0x4b: {  	p1 =	sne.s32 s8, s12  }
.Ltmp3:
0x4c: {  	_ = 	snop;
	(pc) =	sbr.rel @!p1 .LBB2_5-.Ltmp3, $2  }
0x4d: {  	_ =	sdelay $0x2  }
0x4e: {  	s22 =	sadd.s32 $0x10, s22;
	s9 =	sadd.s32 $0x80, s9  }
.LBB2_2:
0x4f: {  	s13 =	sand.u32 $0x1, s12  }
0x50: {  	p1 =	seq.s32 s13, $0x1  }
0x51: {  	p2 =	sge.u32 @!p1 s12, s18  }
0x52: {  	p2 =	por p2, p1  }
0x53: {  	s14 =	simm.s32 @!p2 $0x2  }
0x54: {  	_ =	swait.ge @!p2 [sflag:s14], $0x80  }
0x55: {  	[sflag:s14] =	ssyncset.done @!p2 $0x0  }
0x56: {  	[sflag:s14] =	ssyncadd.s32 @!p2 $0xFFFFFF80  }
0x57: {  	p3 =	seq.s32 @!p1 s12, $0x0;
	_ =	swait.ge @!p2 [sflag:s14], $0x80  }
0x58: {  	p3 =	por p3, p1;
	[sflag:s14] =	ssyncset.done @!p2 $0x0  }
0x59: {  	[sflag:s14] =	ssyncadd.s32 @!p2 $0xFFFFFF80;
	s14 =	simm.s32 @!p3 $0x5  }
0x5a: {  	_ =	swait.ge @!p3 [sflag:s14], $0x2000  }
0x5b: {  	[sflag:s14] =	ssyncset.done @!p3 $0x0  }
0x5c: {  	s15 =	simm.s32 @!p2 $0x2300;
	[sflag:s14] =	ssyncadd.s32 @!p3 $0xFFFFE000;
	s14 =	simm.s32 @!p2 $0x80  }
0x5d: {  	[tilespmem:s15], [sflag:$0x4] =	stream.indirect.gather @!p2 [spmem:s4], $0x40, s14, s14, $0xb8;
	[tilespmem:$0x17D80] =	vst v63  }
0x5e: {  	s14 =	simm.s32 @!p1 $0x3  }
0x5f: {  	_ =	swait.ge @!p1 [sflag:s14], $0x2000  }
0x60: {  	s15 =	sadd.s32 @!p1 $0xFFFFFF00, s9;
	[sflag:s14] =	ssyncset.done @!p1 $0x0  }
0x61: {  	[sflag:s14] =	ssyncadd.s32 @!p1 $0xFFFFE000;
	s14 =	sand.u32 @!p1 $0x100, s15  }
0x62: {  	s16 =	simm.s32 @!p1 $0x300;
	s15 =	simm.s32 @!p1 $0x80;
	s14 =	sadd.s32 @!p1 $0x100, s14  }
0x63: {  	[spmem:s5] =	stream.indirect.scatter.add.f32 @!p1 [tilespmem:s16], [sflag:$0x5], $0x40, s14, s15, $0xb8;
	[tilespmem:$0x17D80] =	vst v63  }
0x64: {  	s14 =	sadd.s32 @!p1 $0x2, s12  }
0x65: {  	p2 =	sge.u32 @!p1 s14, s8  }
0x66: {  	p2 =	por p2, p1  }
0x67: {  	s14 =	sand.u32 @!p2 $0x1FFFFFF0, s22  }
0x68: {  	s16 =	simm.s32 @!p2 $0x0;
	s15 =	sadd.s32 @!p2 s1, s14  }
0x69: {  	[tilespmem:s16], [sflag:$0x1] =	stream.linear.gather @!p2 [hbm4b:s15+s16], $0x80, $0x38;
	[tilespmem:$0x17D80] =	vst v63  }
0x6a: {  	s15 =	sand.u32 @!p2 $0x100, s9  }
0x6b: {  	s14 =	sadd.s32 @!p2 s2, s14;
	s15 =	sadd.s32 @!p2 $0x100, s15  }
0x6c: {  	[tilespmem:s15], [sflag:$0x1] =	stream.linear.gather @!p2 [hbm4b:s14+s16], $0x80, $0x38;
	[tilespmem:$0x17D80] =	vst v63  }
0x6d: {  	p2 =	seq.s32 @!p1 s13, $0x0  }
0x6e: {  	p1 =	por p1, !p2  }
.Ltmp4:
0x6f: {  	_ = 	snop;
	(pc) =	sbr.rel @!p1 .LBB2_4-.Ltmp4, $1  }
0x70: {  	_ =	sdelay $0x3  }
0x71: {  	p1 =	slt.u32 s12, s18  }
0x72: {  	s13 =	simm.s32 @p1 $0x1  }
0x73: {  	_ =	swait.ge @p1 [sflag:s13], $0x80  }
0x74: {  	[sflag:s13] =	ssyncset.done @p1 $0x0  }
0x75: {  	[sflag:s13] =	ssyncadd.s32 @p1 $0xFFFFFF80  }
0x76: {  	_ =	swait.ge @p1 [sflag:s13], $0x80  }
0x77: {  	[sflag:s13] =	ssyncset.done @p1 $0x0  }
0x78: {  	[sflag:s13] =	ssyncadd.s32 @p1 $0xFFFFFF80;
	s13 =	simm.s32 @p1 $0x5  }
0x79: {  	_ =	swait.ge @p1 [sflag:s13], $0x2000  }
0x7a: {  	s14 =	simm.s32 @p1 $0x0;
	[sflag:s13] =	ssyncset.done @p1 $0x0  }
0x7b: {  	s15 =	simm.s32 @p1 $0x300;
	[sflag:s13] =	ssyncadd.s32 @p1 $0xFFFFE000;
	s13 =	simm.s32 @p1 $0x80  }
0x7c: {  	[tilespmem:s15], [sflag:$0x3] =	stream.indirect.gather @p1 [spmem:s4], $0x40, s14, s13, $0xb8;
	[tilespmem:$0x17D80] =	vst v63  }
0x7d: {  	s13 =	simm.s32 @!p1 $0x5  }
0x7e: {  	_ =	swait.ge @!p1 [sflag:s13], $0x2000  }
0x7f: {  	[sflag:s13] =	ssyncset.done @!p1 $0x0  }
0x80: {  	[sflag:s13] =	ssyncadd.s32 @!p1 $0xFFFFE000  }
0x81: {  	s15 =	sadd.s32 $0xFFFFFF00, s9;
	_ =	swait.ge [sflag:s0], $0x2000  }
0x82: {  	s16 =	sadd.s32 $0x2, s12;
	s13 =	sand.u32 $0x180, s15;
	[sflag:s0] =	ssyncset.done $0x0  }
0x83: {  	p1 =	sge.u32 s16, s8;
	s13 =	sadd.s32 $0x100, s13;
	[sflag:s0] =	ssyncadd.s32 $0xFFFFE000  }
0x84: {  	[spmem:s5] =	stream.indirect.scatter.add.f32 [tilespmem:s6], [sflag:$0x5], $0x40, s13, s28, $0xb8;
	[tilespmem:$0x17D80] =	vst v63  }
0x85: {  	s15 =	simm.s32 @!p1 $0x0;
	s13 =	sand.u32 @!p1 $0x1FFFFFF0, s22  }
.Ltmp5:
0x86: {  	s16 =	simm.s32 @!p1 $0x80;
	s14 =	sadd.s32 @!p1 s1, s13;
	(pc) =	sbr.rel .LBB2_4-.Ltmp5, $4  }
0x87: {  	[tilespmem:s16], [sflag:$0x2] =	stream.linear.gather @!p1 [hbm4b:s14+s15], $0x80, $0x38;
	[tilespmem:$0x17D80] =	vst v63  }
0x88: {  	s14 =	sand.u32 @!p1 $0x180, s9  }
0x89: {  	s13 =	sadd.s32 @!p1 s2, s13;
	s14 =	sadd.s32 @!p1 $0x100, s14  }
0x8a: {  	[tilespmem:s14], [sflag:$0x2] =	stream.linear.gather @!p1 [hbm4b:s13+s15], $0x80, $0x38;
	[tilespmem:$0x17D80] =	vst v63  }
.LBB2_6:
0x8b: {  	_ =	sfence.sel $0x180000  }
0x8c: {  	[bflag:$0x0] =	sbarrier.arrive $0xFFFF  }
0x8d: {  	_ =	strace $0x9000004A  }
0x8e: {  	s0 =	stileid.u32;
	[bflag:$0x2] =	sbarrier.arrive $0xFFFF  }
0x8f: {  	p0 =	sne.s32 s0, $0x0;
	s0 =	rddreg [dreg:$0x6]  }
0x90: {  	s0 =	sadd.s32 @!p0 $0x100000, s0  }
0x91: {  	[sflag:s0] =	ssyncadd.tile.s32 @!p0 $0x1;
	_ =	shalt  }
.Lfunc_end2:
_tile_overlayer_lowered:
.L_overlay_start_2:
0x92: {  	(tag) =	ssettag $0x2  }
0x93: {  	s0 =	rddreg [dreg:$0x0];
	s2 =	stileid.u32  }
0x94: {  	s1 =	rddreg [dreg:$0x1];
	p0 =	sne.s32 s2, $0x0  }
0x95: {  	s3 =	rddreg [dreg:$0x2];
	[bflag:$0x3] =	sbarrier.arrive $0xFFFF;
	s2 =	simm.s32 @!p0 $0x1C06  }
0x96: {  	[timem:s3], [sflag:s2] =	dma.local @!p0 [hbm:s0], s1  }
0x97: {  	s0 =	simm.s32 @!p0 $0x6  }
0x98: {  	_ =	swait.ge @!p0 [sflag:s0], s1  }
0x99: {  	s1 =	ssub.s32 @!p0 $0x0, s1;
	[sflag:s0] =	ssyncset.done @!p0 $0x0  }
0x9a: {  	[sflag:s0] =	ssyncadd.s32 @!p0 s1  }
0x9b: {  	[bflag:$0x3] =	sbarrier.arrive $0xFFFF  }
0x9c: {  	_ =	shalt  }

// kernel: kernel.14.cloned.1.call-start
scs
__scs_entry_jumppad:
0x0: {  	(pc) =	sbr.rel $0x88, $3  }
0x1: {  	(tag) =	ssettag $0x0;
	lr =	simm.s32 $0x1  }
0x2: {  	[smem:$0x3F9C] =	sst lr;
	_ =	strace $0xD0000000  }
0x3: {  	_ = 	snop  }
0x4: {  	_ = 	snop  }
0x5: {  	_ = 	snop  }
0x6: {  	_ = 	snop  }
0x7: {  	_ = 	snop  }
__scs_overlays_trampoline_lowered:
0x8: {  	[smem:$0x3FAB] =	sst s0  }
0x9: {  	[smem:$0x3FAC] =	sst s1  }
0xa: {  	[smem:$0x3FAD] =	sst s2  }
0xb: {  	[smem:$0x3FAE] =	sst s3  }
0xc: {  	[smem:$0x3FAF] =	sst s4  }
0xd: {  	[smem:$0x3FB0] =	sst s5  }
0xe: {  	[smem:$0x3FB1] =	sst s6  }
0xf: {  	[smem:$0x3FB2] =	sst s7  }
0x10: {  	[smem:$0x3FB3] =	sst s8  }
0x11: {  	[smem:$0x3FB4] =	sst s9;
	s0 =	simm.s32 @!p0 $0x0  }
0x12: {  	s1 =	sld [smem:$0x3F9A];
	s0 =	simm.s32 @p0 $0x1  }
0x13: {  	[smem:$0x3FB5] =	sst s0;
	s0 =	simm.s32 @!p1 $0x0  }
0x14: {  	s2 =	sld [smem:$0x3F99];
	s0 =	simm.s32 @p1 $0x1  }
0x15: {  	[smem:$0x3FB6] =	sst s0;
	s0 =	simm.s32 @!p2 $0x0  }
0x16: {  	s3 =	sld [smem:$0x3FDB];
	s0 =	simm.s32 @p2 $0x1  }
0x17: {  	s4 =	simm.s32 $0x1BF5;
	[smem:$0x3FB8] =	sst s0  }
0x18: {  	s0 =	sld [smem:$0x3F9B];
	_ =	swait.ge [sflag:s4], $0x0  }
0x19: {  	s7 =	sld [smem:$0x3F9C]  }
0x1a: {  	s8 =	sadd.s32 $0xFFFFE003, lr  }
0x1b: {  	s9 =	sadd.s32 $0xFFFFFEF7, lr;
	s5 =	simm.s32 $0xFFFFFFFF;
	p2 =	slt.u32 s8, $0xFFFFF086  }
0x1c: {  	p1 =	slt.u32 s9, $0xF7A;
	s5 =	simm.s32 @!p2 $0x0  }
0x1d: {  	s5 =	simm.s32 @p1 $0x1;
	p0 =	seq.s32 s7, s2  }
0x1e: {  	s7 =	smul.u32 @!p0 $0xF7A, s2;
	p2 =	seq.s32 @!p0 s5, $0x0  }
0x1f: {  	s9 =	smul.u32 $0xF7A, s1;
	s8 =	simm.s32 @!p0 $0x1BF5;
	p2 =	por !p2, p0  }
0x20: {  	[sflag:s8] =	ssyncset.s32 @!p0 $0xFFFFF086;
	s6 =	sadd.s32 @!p0 s3, s7;
	s7 =	simm.s32 @!p0 $0x108  }
0x21: {  	s3 =	sadd.s32 s3, s9;
	s6 =	sadd.s32 @!p0 $0x88, s6;
	s7 =	simm.s32 @p2 $0x1082  }
0x22: {  	[simem:s7], [sflag:s8] =	dma.local @!p0 [hbm:s6], $0xF7A  }
0x23: {  	s9 =	sor.u32 $0xD0000000, s2;
	s6 =	simm.s32 $0x108;
	_ =	swait.ge @!p0 [sflag:s8], $0x0  }
0x24: {  	s3 =	sadd.s32 $0x88, s3;
	s6 =	simm.s32 @!p1 $0x1082;
	[sflag:s4] =	ssyncset.s32 $0xFFFFF086  }
0x25: {  	[simem:s6], [sflag:s4] =	dma.local [hbm:s3], $0xF7A  }
0x26: {  	[smem:$0x3F9C] =	sst s1;
	(tag) =	ssettag s2;
	_ =	strace s9  }
0x27: {  	s1 =	sld [smem:$0x3FAC]  }
0x28: {  	s2 =	sld [smem:$0x3FAD]  }
0x29: {  	s4 =	sld [smem:$0x3FAF]  }
0x2a: {  	p0 =	seq.s32 s5, $0x0;
	s5 =	sld [smem:$0x3FB0]  }
0x2b: {  	s6 =	sld [smem:$0x3FB1]  }
0x2c: {  	s7 =	sld [smem:$0x3FB2]  }
0x2d: {  	s3 =	simm.s32 $0x108;
	s8 =	sld [smem:$0x3FB3]  }
0x2e: {  	s3 =	simm.s32 @!p0 $0x1082;
	s9 =	sld [smem:$0x3FB4]  }
0x2f: {  	lr =	sadd.s32 s0, s3;
	s0 =	sld [smem:$0x3FAB]  }
0x30: {  	s3 =	sld [smem:$0x3FAE]  }
0x31: {  	[smem:$0x3FB7] =	sst s10  }
0x32: {  	s10 =	sld [smem:$0x3FB5];
	_ =	sdelay $0x3  }
0x33: {  	p0 =	seq.s32 s10, $0x1;
	s10 =	sld [smem:$0x3FB7];
	_ =	sdelay $0x3  }
0x34: {  	[smem:$0x3FB7] =	sst s10  }
0x35: {  	s10 =	sld [smem:$0x3FB6];
	_ =	sdelay $0x3  }
0x36: {  	p1 =	seq.s32 s10, $0x1;
	s10 =	sld [smem:$0x3FB7];
	_ =	sdelay $0x3  }
0x37: {  	[smem:$0x3FB7] =	sst s10  }
0x38: {  	s10 =	sld [smem:$0x3FB8]  }
0x39: {  	_ = 	snop;
	(pc) =	sbr.ind lr, $3  }
0x3a: {  	_ = 	snop  }
0x3b: {  	_ = 	snop  }
0x3c: {  	p2 =	seq.s32 s10, $0x1;
	s10 =	sld [smem:$0x3FB7]  }
0x3d: {  	_ =	shalt  }
0x3e: {  	_ =	shalt  }
0x3f: {  	_ =	shalt  }
0x40: {  	_ =	shalt  }
0x41: {  	_ =	shalt  }
0x42: {  	_ =	shalt  }
0x43: {  	_ =	shalt  }
0x44: {  	_ =	shalt  }
0x45: {  	_ =	shalt  }
0x46: {  	_ =	shalt  }
0x47: {  	_ =	shalt  }
0x48: {  	_ =	shalt  }
0x49: {  	_ =	shalt  }
0x4a: {  	_ =	shalt  }
0x4b: {  	_ =	shalt  }
0x4c: {  	_ =	shalt  }
0x4d: {  	_ =	shalt  }
0x4e: {  	_ =	shalt  }
0x4f: {  	_ =	shalt  }
0x50: {  	_ =	shalt  }
0x51: {  	_ =	shalt  }
0x52: {  	_ =	shalt  }
0x53: {  	_ =	shalt  }
0x54: {  	_ =	shalt  }
0x55: {  	_ =	shalt  }
0x56: {  	_ =	shalt  }
0x57: {  	_ =	shalt  }
0x58: {  	_ =	shalt  }
0x59: {  	_ =	shalt  }
0x5a: {  	_ =	shalt  }
0x5b: {  	_ =	shalt  }
0x5c: {  	_ =	shalt  }
0x5d: {  	_ =	shalt  }
0x5e: {  	_ =	shalt  }
0x5f: {  	_ =	shalt  }
0x60: {  	_ =	shalt  }
0x61: {  	_ =	shalt  }
0x62: {  	_ =	shalt  }
0x63: {  	_ =	shalt  }
0x64: {  	_ =	shalt  }
0x65: {  	_ =	shalt  }
0x66: {  	_ =	shalt  }
0x67: {  	_ =	shalt  }
0x68: {  	_ =	shalt  }
0x69: {  	_ =	shalt  }
0x6a: {  	_ =	shalt  }
0x6b: {  	_ =	shalt  }
0x6c: {  	_ =	shalt  }
0x6d: {  	_ =	shalt  }
0x6e: {  	_ =	shalt  }
0x6f: {  	_ =	shalt  }
0x70: {  	_ =	shalt  }
0x71: {  	_ =	shalt  }
0x72: {  	_ =	shalt  }
0x73: {  	_ =	shalt  }
0x74: {  	_ =	shalt  }
0x75: {  	_ =	shalt  }
0x76: {  	_ =	shalt  }
0x77: {  	_ =	shalt  }
0x78: {  	_ =	shalt  }
0x79: {  	_ =	shalt  }
0x7a: {  	_ =	shalt  }
0x7b: {  	_ =	shalt  }
0x7c: {  	_ =	shalt  }
0x7d: {  	_ =	shalt  }
0x7e: {  	_ =	shalt  }
0x7f: {  	_ =	shalt  }
0x80: {  	_ =	shalt  }
0x81: {  	_ =	shalt  }
0x82: {  	_ =	shalt  }
0x83: {  	_ =	shalt  }
0x84: {  	_ =	shalt  }
0x85: {  	_ =	shalt  }
0x86: {  	_ =	shalt  }
0x87: {  	_ =	shalt  }
.Lfunc_end0:
.L_simem_size_0:
called_computation.2_lowered:
.L_overlay_start_0:
0x88: {  	s2 =	sld [smem:$0x3FD9]  }
0x89: {  	s3 =	sld [smem:$0x3FFE];
	_ =	sdelay $0x1  }
0x8a: {  	s1 =	srdreg.scid  }
0x8b: {  	s0 =	sand.u32 $0x1, s1  }
0x8c: {  	s14 =	sshll.u32 s0, $0xA;
	s2 =	sadd.s32 s3, s2  }
0x8d: {  	s2 =	sadd.s32 s2, s14  }
0x8e: {  	[smem:$0x3FC3] =	sst s2  }
0x8f: {  	_ = 	snop  }
0x90: {  	s2 =	sld [smem:$0x3FD0];
	_ =	sdelay $0x2  }
0x91: {  	s15 =	simm.s32 $0xA;
	s4 =	simm.s32 $0x10  }
0x92: {  	[smem:s4], [sflag:s15] =	dma.local [hbm:s2], $0x1  }
0x93: {  	_ =	swait.eq [sflag:s15], $0x1  }
0x94: {  	s16 =	sld [smem:$0x10];
	[sflag:s15] =	ssyncset.done $0x0  }
0x95: {  	s17 =	sld [smem:$0x11];
	[sflag:s15] =	ssyncadd.s32 $0xFFFFFFFF  }
0x96: {  	s18 =	sld [smem:$0x12];
	(tm) =	ssettm $0x1  }
0x97: {  	s5 =	sld [smem:$0x3FFB];
	_ =	sdelay $0x3  }
0x98: {  	_ =	strace s5  }
0x99: {  	s5 =	sld [smem:$0x3FFC];
	_ =	sdelay $0x3  }
0x9a: {  	_ =	strace s5  }
0x9b: {  	s5 =	sld [smem:$0x3FFD];
	_ =	sdelay $0x3  }
0x9c: {  	_ =	strace s5  }
0x9d: {  	_ =	strace $0x8FFFFFFF  }
0x9e: {  	s19 =	sld [smem:$0x3FDB];
	_ =	sdelay $0x1  }
0x9f: {  	s6 =	simm.s32 $_scs_section_size  }
0xa0: {  	s7 =	simm.s32 $_size__tile_overlayer_lowered;
	s8 =	simm.s32 $_tile_overlayer_lowered  }
0xa1: {  	s22 =	simm.s32 $0x1BFF;
	s21 =	sshll.u32 s8, $0x1;
	s5 =	sadd.s32 s6, s19  }
0xa2: {  	s9 =	simm.s32 $0x0;
	s20 =	sshll.u32 s7, $0x1;
	s7 =	sadd.s32 s21, s5  }
0xa3: {  	[timem:s9], [sflag:s22] =	dma.local [hbm:s7], s20  }
0xa4: {  	_ =	swait.ge [sflag:s22], s20  }
0xa5: {  	s6 =	ssub.s32 $0x0, s20;
	[sflag:s22] =	ssyncset.done $0x0  }
0xa6: {  	[sflag:s22] =	ssyncadd.s32 s6;
	_ =	sdelay $0x1  }
0xa7: {  	s23 =	simm.s32 $0x1B8B  }
0xa8: {  	_ =	swait.ge [sflag:s23], $0x1  }
0xa9: {  	[sflag:s23] =	ssyncset.done $0x0  }
0xaa: {  	s25 =	simm.s32 $0x1B8E;
	s24 =	sld [smem:$0x3FFE];
	[sflag:s23] =	ssyncadd.s32 $0xFFFFFFFF  }
0xab: {  	s26 =	simm.s32 $execute0_lowered;
	[smem:$0x3FD2] =	sst s25  }
0xac: {  	s7 =	sshll.u32 s26, $0x1;
	_ =	strace $0x8000004C;
	[dreg:$0x1] =	wrdreg $0xFFFFFFFF  }
0xad: {  	s28 =	simm.s32 $_size_execute0_lowered;
	s5 =	sadd.s32 s5, s7;
	[dreg:$0x0] =	wrdreg $0x0  }
0xae: {  	s7 =	sshll.u32 s28, $0x1;
	[dreg:$0x2] =	wrdreg s5  }
0xaf: {  	[dreg:$0x3] =	wrdreg s7  }
0xb0: {  	[dreg:$0x4] =	wrdreg $0xC0  }
0xb1: {  	_ =	task [dreg:s9], $0x5FFFF  }
0xb2: {  	[dreg:$0x1] =	wrdreg $0xFFFFFFFF  }
0xb3: {  	[dreg:$0x0] =	wrdreg $0x60  }
0xb4: {  	[dreg:$0x2] =	wrdreg s24  }
0xb5: {  	[dreg:$0x3] =	wrdreg s16  }
0xb6: {  	[dreg:$0x4] =	wrdreg s17  }
0xb7: {  	[dreg:$0x5] =	wrdreg s18  }
0xb8: {  	[dreg:$0x6] =	wrdreg $0x43000  }
0xb9: {  	[dreg:$0x7] =	wrdreg $0xDF400  }
0xba: {  	[dreg:$0x8] =	wrdreg $0x9  }
0xbb: {  	_ =	task.clear_ibuf [dreg:s9], $0x9FFFF;
	_ =	strace $0x9000004C  }
0xbc: {  	s29 =	simm.s32 $0x9;
	_ =	strace $0x8000004E  }
0xbd: {  	_ =	swait.ge [sflag:s29], $0x1  }
0xbe: {  	[sflag:s29] =	ssyncadd.s32 $0xFFFFFFFF  }
0xbf: {  	_ =	strace $0x9000004E  }
0xc0: {  	_ =	sfence  }
0xc1: {  	s30 =	sld [smem:$0x0];
	_ =	sdelay $0x2  }
0xc2: {  	s31 =	sshll.u32 s1, $0xD;
	s1 =	sshrl.u32 s1, $0x2  }
0xc3: {  	s3 =	sand.u32 $0x4000, s31;
	s1 =	sadd.s32 s1, s30  }
0xc4: {  	s0 =	sor.u32 s3, s0;
	s1 =	sshll.u32 s1, $0x11  }
0xc5: {  	s0 =	sor.u32 s1, s0  }
0xc6: {  	s0 =	sadd.s32 $0x8F2B, s0  }
0xc7: {  	[sflag:s0] =	ssyncadd.remote.s32 $0x1  }
0xc8: {  	_ =	sfence.sel $0xFFFF  }
0xc9: {  	[dreg:$0x0] =	wrdreg $0xFFFFFFFF;
	(pc) =	sbr.abs _section_cstart, $3  }
0xca: {  	[dreg:$0x1] =	wrdreg $0xFFFFFFFF  }
0xcb: {  	_ =	task.clear_ibuf [dreg:s9], $0x2FFFF;
	_ =	strace $0x9FFFFFFF  }
0xcc: {  	(tm) =	ssettm $0x7FFFFFFF  }
0xcd: {  	_ =	shalt  }
tec
execute0_lowered:
.L_overlay_start_1:
0x0: {  	(tag) =	ssettag $0x1  }
0x1: {  	s0 =	rddreg [dreg:$0x0]  }
0x2: {  	s1 =	rddreg [dreg:$0x1]  }
0x3: {  	s2 =	rddreg [dreg:$0x2]  }
0x4: {  	s4 =	rddreg [dreg:$0x4]  }
0x5: {  	s5 =	rddreg [dreg:$0x5];
	s7 =	simm.s32 $0x0;
	s3 =	srdreg.scid  }
0x6: {  	s13 =	stileid.u32;
	s28 =	simm.s32 $0x80;
	s31 =	simm.s32 $0x5  }
0x7: {  	s29 =	simm.s32 $0x0;
	[smem:$0x7FF] =	sst s7;
	s6 =	sadd.s32 $0x9DA00, s0  }
0x8: {  	s3 =	sand.u32 $0x1, s3;
	s8 =	smul.u32 $0x9C, s13;
	s0 =	sadd.s32 $0xC4C00, s0  }
0x9: {  	s10 =	smax.u32 s13, $0xC;
	p0 =	sgt.u32 s13, $0xB;
	s12 =	smul.u32 $0x9C00, s13  }
0xa: {  	s21 =	sshll.u32 s13, $0x6;
	s23 =	sadd.s32 $0x9C000, s5;
	s25 =	smul.u32 $0x9D, s13  }
0xb: {  	_ =	strace $0x8000004D;
	s9 =	ssub.s32 $0x2, s3;
	s3 =	smul.u32 $0x9C400, s3  }
0xc: {  	[dreg:$0xa] =	wrdreg s23;
	s11 =	sshrl.u32 s9, $0x1;
	s10 =	sadd.s32 s8, s10  }
0xd: {  	s8 =	simm.s32 $0x9D;
	s22 =	sadd.s32 s12, s4;
	s9 =	ssub.s32 s9, s11  }
0xe: {  	s8 =	simm.s32 @!p0 $0x9C;
	s18 =	sshll.u32 s10, $0x4;
	s20 =	sadd.s32 s12, s3  }
0xf: {  	s3 =	sshrl.u32 s3, $0x3;
	s10 =	sor.u32 $0x1C06, s21;
	s12 =	sadd.s32 s12, s5  }
0x10: {  	p0 =	sne.s32 s13, $0xF;
	s23 =	sshrl.u32 s22, $0x3;
	s15 =	sadd.s32 $0xFFFFFF40, s18  }
0x11: {  	s19 =	sshrl.u32 s20, $0x3;
	s3 =	sadd.s32 $0x13800, s3;
	[dreg:$0x8] =	wrdreg s12  }
0x12: {  	s12 =	sadd.s32 $0x9C000, s4;
	s11 =	sadd.s32 $0xFFFFFF50, s18;
	s18 =	smin.u32 s13, $0xC  }
0x13: {  	s21 =	smax.u32 s9, $0x1;
	s14 =	sadd.s32 s6, s19;
	s6 =	sadd.s32 s6, s3  }
0x14: {  	s24 =	sadd.s32 s1, s15;
	s26 =	sadd.s32 s2, s15;
	[dreg:$0x7] =	wrdreg s14  }
0x15: {  	s30 =	sadd.s32 s1, s11;
	s17 =	sadd.s32 s2, s11;
	[dreg:$0x9] =	wrdreg s6  }
.Ltmp0:
0x16: {  	s19 =	sadd.s32 s0, s19;
	[dreg:$0xb] =	wrdreg s24;
	(pc) =	sbr.rel .LBB2_1-.Ltmp0, $4  }
0x17: {  	s20 =	sadd.s32 s0, s3;
	s0 =	simm.s32 $0x4;
	[dreg:$0xc] =	wrdreg s26  }
0x18: {  	[dreg:$0xd] =	wrdreg s30;
	s6 =	ssub.s32 s25, s18;
	s18 =	sadd.s32 $0xFFFFFFFF, s8  }
0x19: {  	s24 =	simm.s32 $0x6;
	s25 =	sshrl.u32 @!p0 s12, $0x3;
	s6 =	sshll.u32 s6, $0x4  }
0x1a: {  	s26 =	simm.s32 $0x1;
	s11 =	sadd.s32 $0x20, s6;
	s6 =	simm.s32 $0x2300  }
.LBB2_5:
0x1b: {  	_ =	swait.ge [sflag:s31], $0x2000  }
0x1c: {  	[sflag:s31] =	ssyncset.done $0x0  }
0x1d: {  	[sflag:s31] =	ssyncadd.s32 $0xFFFFE000  }
0x1e: {  	[bflag:$0x0] =	sbarrier.arrive $0xFFFF  }
0x1f: {  	[hbm:s19], [sflag:s10] =	dma.local [spmem:s30], $0x1380  }
0x20: {  	_ =	swait.ge [sflag:s24], $0x1380  }
0x21: {  	s29 =	sadd.s32 $0x1, s29;
	[sflag:s24] =	ssyncset.done $0x0  }
0x22: {  	p1 =	sne.s32 s29, s21;
	[sflag:s24] =	ssyncadd.s32 $0xFFFFEC80  }
0x23: {  	[hbm:s20], [sflag:s10] =	dma.local @!p0 [spmem:s3], $0x80  }
.Ltmp1:
0x24: {  	_ = 	snop;
	(pc) =	sbr.rel @!p1 .LBB2_6-.Ltmp1, $4  }
0x25: {  	s3 =	simm.s32 @!p0 $0x6  }
0x26: {  	_ =	swait.ge @!p0 [sflag:s3], $0x80  }
0x27: {  	[sflag:s3] =	ssyncset.done @!p0 $0x0  }
0x28: {  	[sflag:s3] =	ssyncadd.s32 @!p0 $0xFFFFFF80  }
.LBB2_1:
0x29: {  	s3 =	rddreg [dreg:$0x7]  }
0x2a: {  	[spmem:s23], [sflag:s10] =	dma.local [hbm:s3], $0x1380  }
0x2b: {  	_ =	swait.ge [sflag:s24], $0x1380  }
0x2c: {  	[sflag:s24] =	ssyncset.done $0x0  }
0x2d: {  	s12 =	rddreg [dreg:$0x8];
	[sflag:s24] =	ssyncadd.s32 $0xFFFFEC80  }
0x2e: {  	s30 =	sshrl.u32 s12, $0x3;
	s12 =	rddreg [dreg:$0x3]  }
0x2f: {  	[spmem:s30], [sflag:s10] =	dma.local [hbm:s12], $0x1380  }
0x30: {  	_ =	swait.ge [sflag:s24], $0x1380  }
0x31: {  	[sflag:s24] =	ssyncset.done $0x0  }
0x32: {  	s9 =	simm.s32 @!p0 $0x6;
	s3 =	rddreg [dreg:$0x9];
	[sflag:s24] =	ssyncadd.s32 $0xFFFFEC80  }
0x33: {  	[spmem:s25], [sflag:s10] =	dma.local @!p0 [hbm:s3], $0x80  }
0x34: {  	_ =	swait.ge @!p0 [sflag:s9], $0x80  }
0x35: {  	[sflag:s9] =	ssyncset.done @!p0 $0x0;
	s3 =	rddreg [dreg:$0xa]  }
0x36: {  	[sflag:s9] =	ssyncadd.s32 @!p0 $0xFFFFFF80;
	s3 =	sshrl.u32 @!p0 s3, $0x3  }
0x37: {  	[spmem:s3], [sflag:s10] =	dma.local @!p0 [hbm:s12], $0x80  }
0x38: {  	_ =	swait.ge @!p0 [sflag:s9], $0x80  }
0x39: {  	[sflag:s9] =	ssyncset.done @!p0 $0x0  }
0x3a: {  	s13 =	rddreg [dreg:$0xb];
	[sflag:s9] =	ssyncadd.s32 @!p0 $0xFFFFFF80  }
0x3b: {  	[tilespmem:s7], [sflag:$0x1] =	stream.linear.gather [hbm4b:s13+s7], $0x80, $0x38;
	[tilespmem:$0x17D80] =	vst v63  }
0x3c: {  	s14 =	rddreg [dreg:$0xc];
	s9 =	simm.s32 $0x100  }
0x3d: {  	[tilespmem:s9], [sflag:$0x1] =	stream.linear.gather [hbm4b:s14+s7], $0x80, $0x38;
	[tilespmem:$0x17D80] =	vst v63  }
0x3e: {  	_ =	swait.ge [sflag:s26], $0x80  }
0x3f: {  	[sflag:s26] =	ssyncset.done $0x0  }
0x40: {  	[sflag:s26] =	ssyncadd.s32 $0xFFFFFF80  }
0x41: {  	_ =	swait.ge [sflag:s26], $0x80  }
0x42: {  	[sflag:s26] =	ssyncset.done $0x0  }
0x43: {  	s15 =	rddreg [dreg:$0xd];
	[sflag:s26] =	ssyncadd.s32 $0xFFFFFF80  }
0x44: {  	[tilespmem:s28], [sflag:$0x2] =	stream.linear.gather [hbm4b:s15+s7], $0x80, $0x38;
	[tilespmem:$0x17D80] =	vst v63  }
.Ltmp2:
0x45: {  	s16 =	simm.s32 $0x180;
	(pc) =	sbr.rel .LBB2_2-.Ltmp2, $4  }
0x46: {  	[tilespmem:s16], [sflag:$0x2] =	stream.linear.gather [hbm4b:s17+s7], $0x80, $0x38;
	[tilespmem:$0x17D80] =	vst v63  }
0x47: {  	s22 =	simm.s32 $0x300;
	[bflag:$0x0] =	sbarrier.arrive $0xFFFF  }
0x48: {  	[tilespmem:s22], [sflag:$0x3] =	stream.indirect.gather [spmem:s4], $0x40, s7, s28, $0xb8;
	[tilespmem:$0x17D80] =	vst v63  }
0x49: {  	s12 =	simm.s32 $0x0;
	s22 =	smov.u32 s11  }
.LBB2_4:
0x4a: {  	s12 =	sadd.s32 $0x1, s12  }
0x4b: {  	p1 =	sne.s32 s8, s12  }
.Ltmp3:
0x4c: {  	_ = 	snop;
	(pc) =	sbr.rel @!p1 .LBB2_5-.Ltmp3, $2  }
0x4d: {  	_ =	sdelay $0x2  }
0x4e: {  	s22 =	sadd.s32 $0x10, s22;
	s9 =	sadd.s32 $0x80, s9  }
.LBB2_2:
0x4f: {  	s13 =	sand.u32 $0x1, s12  }
0x50: {  	p1 =	seq.s32 s13, $0x1  }
0x51: {  	p2 =	sge.u32 @!p1 s12, s18  }
0x52: {  	p2 =	por p2, p1  }
0x53: {  	s14 =	simm.s32 @!p2 $0x2  }
0x54: {  	_ =	swait.ge @!p2 [sflag:s14], $0x80  }
0x55: {  	[sflag:s14] =	ssyncset.done @!p2 $0x0  }
0x56: {  	[sflag:s14] =	ssyncadd.s32 @!p2 $0xFFFFFF80  }
0x57: {  	p3 =	seq.s32 @!p1 s12, $0x0;
	_ =	swait.ge @!p2 [sflag:s14], $0x80  }
0x58: {  	p3 =	por p3, p1;
	[sflag:s14] =	ssyncset.done @!p2 $0x0  }
0x59: {  	[sflag:s14] =	ssyncadd.s32 @!p2 $0xFFFFFF80;
	s14 =	simm.s32 @!p3 $0x5  }
0x5a: {  	_ =	swait.ge @!p3 [sflag:s14], $0x2000  }
0x5b: {  	[sflag:s14] =	ssyncset.done @!p3 $0x0  }
0x5c: {  	s15 =	simm.s32 @!p2 $0x2300;
	[sflag:s14] =	ssyncadd.s32 @!p3 $0xFFFFE000;
	s14 =	simm.s32 @!p2 $0x80  }
0x5d: {  	[tilespmem:s15], [sflag:$0x4] =	stream.indirect.gather @!p2 [spmem:s4], $0x40, s14, s14, $0xb8;
	[tilespmem:$0x17D80] =	vst v63  }
0x5e: {  	s14 =	simm.s32 @!p1 $0x3  }
0x5f: {  	_ =	swait.ge @!p1 [sflag:s14], $0x2000  }
0x60: {  	s15 =	sadd.s32 @!p1 $0xFFFFFF00, s9;
	[sflag:s14] =	ssyncset.done @!p1 $0x0  }
0x61: {  	[sflag:s14] =	ssyncadd.s32 @!p1 $0xFFFFE000;
	s14 =	sand.u32 @!p1 $0x100, s15  }
0x62: {  	s16 =	simm.s32 @!p1 $0x300;
	s15 =	simm.s32 @!p1 $0x80;
	s14 =	sadd.s32 @!p1 $0x100, s14  }
0x63: {  	[spmem:s5] =	stream.indirect.scatter.add.f32 @!p1 [tilespmem:s16], [sflag:$0x5], $0x40, s14, s15, $0xb8;
	[tilespmem:$0x17D80] =	vst v63  }
0x64: {  	s14 =	sadd.s32 @!p1 $0x2, s12  }
0x65: {  	p2 =	sge.u32 @!p1 s14, s8  }
0x66: {  	p2 =	por p2, p1  }
0x67: {  	s14 =	sand.u32 @!p2 $0x1FFFFFF0, s22  }
0x68: {  	s16 =	simm.s32 @!p2 $0x0;
	s15 =	sadd.s32 @!p2 s1, s14  }
0x69: {  	[tilespmem:s16], [sflag:$0x1] =	stream.linear.gather @!p2 [hbm4b:s15+s16], $0x80, $0x38;
	[tilespmem:$0x17D80] =	vst v63  }
0x6a: {  	s15 =	sand.u32 @!p2 $0x100, s9  }
0x6b: {  	s14 =	sadd.s32 @!p2 s2, s14;
	s15 =	sadd.s32 @!p2 $0x100, s15  }
0x6c: {  	[tilespmem:s15], [sflag:$0x1] =	stream.linear.gather @!p2 [hbm4b:s14+s16], $0x80, $0x38;
	[tilespmem:$0x17D80] =	vst v63  }
0x6d: {  	p2 =	seq.s32 @!p1 s13, $0x0  }
0x6e: {  	p1 =	por p1, !p2  }
.Ltmp4:
0x6f: {  	_ = 	snop;
	(pc) =	sbr.rel @!p1 .LBB2_4-.Ltmp4, $1  }
0x70: {  	_ =	sdelay $0x3  }
0x71: {  	p1 =	slt.u32 s12, s18  }
0x72: {  	s13 =	simm.s32 @p1 $0x1  }
0x73: {  	_ =	swait.ge @p1 [sflag:s13], $0x80  }
0x74: {  	[sflag:s13] =	ssyncset.done @p1 $0x0  }
0x75: {  	[sflag:s13] =	ssyncadd.s32 @p1 $0xFFFFFF80  }
0x76: {  	_ =	swait.ge @p1 [sflag:s13], $0x80  }
0x77: {  	[sflag:s13] =	ssyncset.done @p1 $0x0  }
0x78: {  	[sflag:s13] =	ssyncadd.s32 @p1 $0xFFFFFF80;
	s13 =	simm.s32 @p1 $0x5  }
0x79: {  	_ =	swait.ge @p1 [sflag:s13], $0x2000  }
0x7a: {  	s14 =	simm.s32 @p1 $0x0;
	[sflag:s13] =	ssyncset.done @p1 $0x0  }
0x7b: {  	s15 =	simm.s32 @p1 $0x300;
	[sflag:s13] =	ssyncadd.s32 @p1 $0xFFFFE000;
	s13 =	simm.s32 @p1 $0x80  }
0x7c: {  	[tilespmem:s15], [sflag:$0x3] =	stream.indirect.gather @p1 [spmem:s4], $0x40, s14, s13, $0xb8;
	[tilespmem:$0x17D80] =	vst v63  }
0x7d: {  	s13 =	simm.s32 @!p1 $0x5  }
0x7e: {  	_ =	swait.ge @!p1 [sflag:s13], $0x2000  }
0x7f: {  	[sflag:s13] =	ssyncset.done @!p1 $0x0  }
0x80: {  	[sflag:s13] =	ssyncadd.s32 @!p1 $0xFFFFE000  }
0x81: {  	s15 =	sadd.s32 $0xFFFFFF00, s9;
	_ =	swait.ge [sflag:s0], $0x2000  }
0x82: {  	s16 =	sadd.s32 $0x2, s12;
	s13 =	sand.u32 $0x180, s15;
	[sflag:s0] =	ssyncset.done $0x0  }
0x83: {  	p1 =	sge.u32 s16, s8;
	s13 =	sadd.s32 $0x100, s13;
	[sflag:s0] =	ssyncadd.s32 $0xFFFFE000  }
0x84: {  	[spmem:s5] =	stream.indirect.scatter.add.f32 [tilespmem:s6], [sflag:$0x5], $0x40, s13, s28, $0xb8;
	[tilespmem:$0x17D80] =	vst v63  }
0x85: {  	s15 =	simm.s32 @!p1 $0x0;
	s13 =	sand.u32 @!p1 $0x1FFFFFF0, s22  }
.Ltmp5:
0x86: {  	s16 =	simm.s32 @!p1 $0x80;
	s14 =	sadd.s32 @!p1 s1, s13;
	(pc) =	sbr.rel .LBB2_4-.Ltmp5, $4  }
0x87: {  	[tilespmem:s16], [sflag:$0x2] =	stream.linear.gather @!p1 [hbm4b:s14+s15], $0x80, $0x38;
	[tilespmem:$0x17D80] =	vst v63  }
0x88: {  	s14 =	sand.u32 @!p1 $0x180, s9  }
0x89: {  	s13 =	sadd.s32 @!p1 s2, s13;
	s14 =	sadd.s32 @!p1 $0x100, s14  }
0x8a: {  	[tilespmem:s14], [sflag:$0x2] =	stream.linear.gather @!p1 [hbm4b:s13+s15], $0x80, $0x38;
	[tilespmem:$0x17D80] =	vst v63  }
.LBB2_6:
0x8b: {  	_ =	sfence.sel $0x180000  }
0x8c: {  	[bflag:$0x0] =	sbarrier.arrive $0xFFFF  }
0x8d: {  	_ =	strace $0x9000004D  }
0x8e: {  	s0 =	stileid.u32;
	[bflag:$0x2] =	sbarrier.arrive $0xFFFF  }
0x8f: {  	p0 =	sne.s32 s0, $0x0;
	s0 =	rddreg [dreg:$0x6]  }
0x90: {  	s0 =	sadd.s32 @!p0 $0x100000, s0  }
0x91: {  	[sflag:s0] =	ssyncadd.tile.s32 @!p0 $0x1;
	_ =	shalt  }
.Lfunc_end2:
_tile_overlayer_lowered:
.L_overlay_start_2:
0x92: {  	(tag) =	ssettag $0x2  }
0x93: {  	s0 =	rddreg [dreg:$0x0];
	s2 =	stileid.u32  }
0x94: {  	s1 =	rddreg [dreg:$0x1];
	p0 =	sne.s32 s2, $0x0  }
0x95: {  	s3 =	rddreg [dreg:$0x2];
	[bflag:$0x3] =	sbarrier.arrive $0xFFFF;
	s2 =	simm.s32 @!p0 $0x1C06  }
0x96: {  	[timem:s3], [sflag:s2] =	dma.local @!p0 [hbm:s0], s1  }
0x97: {  	s0 =	simm.s32 @!p0 $0x6  }
0x98: {  	_ =	swait.ge @!p0 [sflag:s0], s1  }
0x99: {  	s1 =	ssub.s32 @!p0 $0x0, s1;
	[sflag:s0] =	ssyncset.done @!p0 $0x0  }
0x9a: {  	[sflag:s0] =	ssyncadd.s32 @!p0 s1  }
0x9b: {  	[bflag:$0x3] =	sbarrier.arrive $0xFFFF  }
0x9c: {  	_ =	shalt  }

// kernel: kernel.8.cloned.1.call-start
scs
__scs_entry_jumppad:
0x0: {  	(pc) =	sbr.rel $0x88, $3  }
0x1: {  	(tag) =	ssettag $0x0;
	lr =	simm.s32 $0x1  }
0x2: {  	[smem:$0x3F9C] =	sst lr;
	_ =	strace $0xD0000000  }
0x3: {  	_ = 	snop  }
0x4: {  	_ = 	snop  }
0x5: {  	_ = 	snop  }
0x6: {  	_ = 	snop  }
0x7: {  	_ = 	snop  }
__scs_overlays_trampoline_lowered:
0x8: {  	[smem:$0x3FAB] =	sst s0  }
0x9: {  	[smem:$0x3FAC] =	sst s1  }
0xa: {  	[smem:$0x3FAD] =	sst s2  }
0xb: {  	[smem:$0x3FAE] =	sst s3  }
0xc: {  	[smem:$0x3FAF] =	sst s4  }
0xd: {  	[smem:$0x3FB0] =	sst s5  }
0xe: {  	[smem:$0x3FB1] =	sst s6  }
0xf: {  	[smem:$0x3FB2] =	sst s7  }
0x10: {  	[smem:$0x3FB3] =	sst s8  }
0x11: {  	[smem:$0x3FB4] =	sst s9;
	s0 =	simm.s32 @!p0 $0x0  }
0x12: {  	s1 =	sld [smem:$0x3F9A];
	s0 =	simm.s32 @p0 $0x1  }
0x13: {  	[smem:$0x3FB5] =	sst s0;
	s0 =	simm.s32 @!p1 $0x0  }
0x14: {  	s2 =	sld [smem:$0x3F99];
	s0 =	simm.s32 @p1 $0x1  }
0x15: {  	[smem:$0x3FB6] =	sst s0;
	s0 =	simm.s32 @!p2 $0x0  }
0x16: {  	s3 =	sld [smem:$0x3FDB];
	s0 =	simm.s32 @p2 $0x1  }
0x17: {  	s4 =	simm.s32 $0x1BF5;
	[smem:$0x3FB8] =	sst s0  }
0x18: {  	s0 =	sld [smem:$0x3F9B];
	_ =	swait.ge [sflag:s4], $0x0  }
0x19: {  	s7 =	sld [smem:$0x3F9C]  }
0x1a: {  	s8 =	sadd.s32 $0xFFFFE003, lr  }
0x1b: {  	s9 =	sadd.s32 $0xFFFFFEF7, lr;
	s5 =	simm.s32 $0xFFFFFFFF;
	p2 =	slt.u32 s8, $0xFFFFF086  }
0x1c: {  	p1 =	slt.u32 s9, $0xF7A;
	s5 =	simm.s32 @!p2 $0x0  }
0x1d: {  	s5 =	simm.s32 @p1 $0x1;
	p0 =	seq.s32 s7, s2  }
0x1e: {  	s7 =	smul.u32 @!p0 $0xF7A, s2;
	p2 =	seq.s32 @!p0 s5, $0x0  }
0x1f: {  	s9 =	smul.u32 $0xF7A, s1;
	s8 =	simm.s32 @!p0 $0x1BF5;
	p2 =	por !p2, p0  }
0x20: {  	[sflag:s8] =	ssyncset.s32 @!p0 $0xFFFFF086;
	s6 =	sadd.s32 @!p0 s3, s7;
	s7 =	simm.s32 @!p0 $0x108  }
0x21: {  	s3 =	sadd.s32 s3, s9;
	s6 =	sadd.s32 @!p0 $0x88, s6;
	s7 =	simm.s32 @p2 $0x1082  }
0x22: {  	[simem:s7], [sflag:s8] =	dma.local @!p0 [hbm:s6], $0xF7A  }
0x23: {  	s9 =	sor.u32 $0xD0000000, s2;
	s6 =	simm.s32 $0x108;
	_ =	swait.ge @!p0 [sflag:s8], $0x0  }
0x24: {  	s3 =	sadd.s32 $0x88, s3;
	s6 =	simm.s32 @!p1 $0x1082;
	[sflag:s4] =	ssyncset.s32 $0xFFFFF086  }
0x25: {  	[simem:s6], [sflag:s4] =	dma.local [hbm:s3], $0xF7A  }
0x26: {  	[smem:$0x3F9C] =	sst s1;
	(tag) =	ssettag s2;
	_ =	strace s9  }
0x27: {  	s1 =	sld [smem:$0x3FAC]  }
0x28: {  	s2 =	sld [smem:$0x3FAD]  }
0x29: {  	s4 =	sld [smem:$0x3FAF]  }
0x2a: {  	p0 =	seq.s32 s5, $0x0;
	s5 =	sld [smem:$0x3FB0]  }
0x2b: {  	s6 =	sld [smem:$0x3FB1]  }
0x2c: {  	s7 =	sld [smem:$0x3FB2]  }
0x2d: {  	s3 =	simm.s32 $0x108;
	s8 =	sld [smem:$0x3FB3]  }
0x2e: {  	s3 =	simm.s32 @!p0 $0x1082;
	s9 =	sld [smem:$0x3FB4]  }
0x2f: {  	lr =	sadd.s32 s0, s3;
	s0 =	sld [smem:$0x3FAB]  }
0x30: {  	s3 =	sld [smem:$0x3FAE]  }
0x31: {  	[smem:$0x3FB7] =	sst s10  }
0x32: {  	s10 =	sld [smem:$0x3FB5];
	_ =	sdelay $0x3  }
0x33: {  	p0 =	seq.s32 s10, $0x1;
	s10 =	sld [smem:$0x3FB7];
	_ =	sdelay $0x3  }
0x34: {  	[smem:$0x3FB7] =	sst s10  }
0x35: {  	s10 =	sld [smem:$0x3FB6];
	_ =	sdelay $0x3  }
0x36: {  	p1 =	seq.s32 s10, $0x1;
	s10 =	sld [smem:$0x3FB7];
	_ =	sdelay $0x3  }
0x37: {  	[smem:$0x3FB7] =	sst s10  }
0x38: {  	s10 =	sld [smem:$0x3FB8]  }
0x39: {  	_ = 	snop;
	(pc) =	sbr.ind lr, $3  }
0x3a: {  	_ = 	snop  }
0x3b: {  	_ = 	snop  }
0x3c: {  	p2 =	seq.s32 s10, $0x1;
	s10 =	sld [smem:$0x3FB7]  }
0x3d: {  	_ =	shalt  }
0x3e: {  	_ =	shalt  }
0x3f: {  	_ =	shalt  }
0x40: {  	_ =	shalt  }
0x41: {  	_ =	shalt  }
0x42: {  	_ =	shalt  }
0x43: {  	_ =	shalt  }
0x44: {  	_ =	shalt  }
0x45: {  	_ =	shalt  }
0x46: {  	_ =	shalt  }
0x47: {  	_ =	shalt  }
0x48: {  	_ =	shalt  }
0x49: {  	_ =	shalt  }
0x4a: {  	_ =	shalt  }
0x4b: {  	_ =	shalt  }
0x4c: {  	_ =	shalt  }
0x4d: {  	_ =	shalt  }
0x4e: {  	_ =	shalt  }
0x4f: {  	_ =	shalt  }
0x50: {  	_ =	shalt  }
0x51: {  	_ =	shalt  }
0x52: {  	_ =	shalt  }
0x53: {  	_ =	shalt  }
0x54: {  	_ =	shalt  }
0x55: {  	_ =	shalt  }
0x56: {  	_ =	shalt  }
0x57: {  	_ =	shalt  }
0x58: {  	_ =	shalt  }
0x59: {  	_ =	shalt  }
0x5a: {  	_ =	shalt  }
0x5b: {  	_ =	shalt  }
0x5c: {  	_ =	shalt  }
0x5d: {  	_ =	shalt  }
0x5e: {  	_ =	shalt  }
0x5f: {  	_ =	shalt  }
0x60: {  	_ =	shalt  }
0x61: {  	_ =	shalt  }
0x62: {  	_ =	shalt  }
0x63: {  	_ =	shalt  }
0x64: {  	_ =	shalt  }
0x65: {  	_ =	shalt  }
0x66: {  	_ =	shalt  }
0x67: {  	_ =	shalt  }
0x68: {  	_ =	shalt  }
0x69: {  	_ =	shalt  }
0x6a: {  	_ =	shalt  }
0x6b: {  	_ =	shalt  }
0x6c: {  	_ =	shalt  }
0x6d: {  	_ =	shalt  }
0x6e: {  	_ =	shalt  }
0x6f: {  	_ =	shalt  }
0x70: {  	_ =	shalt  }
0x71: {  	_ =	shalt  }
0x72: {  	_ =	shalt  }
0x73: {  	_ =	shalt  }
0x74: {  	_ =	shalt  }
0x75: {  	_ =	shalt  }
0x76: {  	_ =	shalt  }
0x77: {  	_ =	shalt  }
0x78: {  	_ =	shalt  }
0x79: {  	_ =	shalt  }
0x7a: {  	_ =	shalt  }
0x7b: {  	_ =	shalt  }
0x7c: {  	_ =	shalt  }
0x7d: {  	_ =	shalt  }
0x7e: {  	_ =	shalt  }
0x7f: {  	_ =	shalt  }
0x80: {  	_ =	shalt  }
0x81: {  	_ =	shalt  }
0x82: {  	_ =	shalt  }
0x83: {  	_ =	shalt  }
0x84: {  	_ =	shalt  }
0x85: {  	_ =	shalt  }
0x86: {  	_ =	shalt  }
0x87: {  	_ =	shalt  }
.Lfunc_end0:
.L_simem_size_0:
called_computation_lowered:
.L_overlay_start_0:
0x88: {  	s2 =	sld [smem:$0x3FD9]  }
0x89: {  	s3 =	sld [smem:$0x3FFE];
	_ =	sdelay $0x1  }
0x8a: {  	s1 =	srdreg.scid  }
0x8b: {  	s0 =	sand.u32 $0x1, s1  }
0x8c: {  	s14 =	sshll.u32 s0, $0xA;
	s2 =	sadd.s32 s3, s2  }
0x8d: {  	s2 =	sadd.s32 s2, s14  }
0x8e: {  	[smem:$0x3FC3] =	sst s2  }
0x8f: {  	_ = 	snop  }
0x90: {  	s2 =	sld [smem:$0x3FD0];
	_ =	sdelay $0x2  }
0x91: {  	s15 =	simm.s32 $0xA;
	s4 =	simm.s32 $0x10  }
0x92: {  	[smem:s4], [sflag:s15] =	dma.local [hbm:s2], $0x1  }
0x93: {  	_ =	swait.eq [sflag:s15], $0x1  }
0x94: {  	s16 =	sld [smem:$0x10];
	[sflag:s15] =	ssyncset.done $0x0  }
0x95: {  	s17 =	sld [smem:$0x11];
	[sflag:s15] =	ssyncadd.s32 $0xFFFFFFFF  }
0x96: {  	s18 =	sld [smem:$0x12];
	(tm) =	ssettm $0x1  }
0x97: {  	s5 =	sld [smem:$0x3FFB];
	_ =	sdelay $0x3  }
0x98: {  	_ =	strace s5  }
0x99: {  	s5 =	sld [smem:$0x3FFC];
	_ =	sdelay $0x3  }
0x9a: {  	_ =	strace s5  }
0x9b: {  	s5 =	sld [smem:$0x3FFD];
	_ =	sdelay $0x3  }
0x9c: {  	_ =	strace s5  }
0x9d: {  	_ =	strace $0x8FFFFFFF  }
0x9e: {  	s19 =	sld [smem:$0x3FDB];
	_ =	sdelay $0x1  }
0x9f: {  	s6 =	simm.s32 $_scs_section_size  }
0xa0: {  	s7 =	simm.s32 $_size__tile_overlayer_lowered;
	s8 =	simm.s32 $_tile_overlayer_lowered  }
0xa1: {  	s22 =	simm.s32 $0x1BFF;
	s21 =	sshll.u32 s8, $0x1;
	s5 =	sadd.s32 s6, s19  }
0xa2: {  	s9 =	simm.s32 $0x0;
	s20 =	sshll.u32 s7, $0x1;
	s7 =	sadd.s32 s21, s5  }
0xa3: {  	[timem:s9], [sflag:s22] =	dma.local [hbm:s7], s20  }
0xa4: {  	_ =	swait.ge [sflag:s22], s20  }
0xa5: {  	s6 =	ssub.s32 $0x0, s20;
	[sflag:s22] =	ssyncset.done $0x0  }
0xa6: {  	[sflag:s22] =	ssyncadd.s32 s6;
	_ =	sdelay $0x1  }
0xa7: {  	s23 =	simm.s32 $0x1B8B  }
0xa8: {  	_ =	swait.ge [sflag:s23], $0x1  }
0xa9: {  	[sflag:s23] =	ssyncset.done $0x0  }
0xaa: {  	s25 =	simm.s32 $0x1B8E;
	s24 =	sld [smem:$0x3FFE];
	[sflag:s23] =	ssyncadd.s32 $0xFFFFFFFF  }
0xab: {  	s26 =	simm.s32 $execute0_lowered;
	[smem:$0x3FD2] =	sst s25  }
0xac: {  	s7 =	sshll.u32 s26, $0x1;
	_ =	strace $0x80000046;
	[dreg:$0x1] =	wrdreg $0xFFFFFFFF  }
0xad: {  	s28 =	simm.s32 $_size_execute0_lowered;
	s5 =	sadd.s32 s5, s7;
	[dreg:$0x0] =	wrdreg $0x0  }
0xae: {  	s7 =	sshll.u32 s28, $0x1;
	[dreg:$0x2] =	wrdreg s5  }
0xaf: {  	[dreg:$0x3] =	wrdreg s7  }
0xb0: {  	[dreg:$0x4] =	wrdreg $0xC0  }
0xb1: {  	_ =	task [dreg:s9], $0x5FFFF  }
0xb2: {  	[dreg:$0x1] =	wrdreg $0xFFFFFFFF  }
0xb3: {  	[dreg:$0x0] =	wrdreg $0x60  }
0xb4: {  	[dreg:$0x2] =	wrdreg s16  }
0xb5: {  	[dreg:$0x3] =	wrdreg s17  }
0xb6: {  	[dreg:$0x4] =	wrdreg s24  }
0xb7: {  	[dreg:$0x5] =	wrdreg s18  }
0xb8: {  	[dreg:$0x6] =	wrdreg $0xA000  }
0xb9: {  	[dreg:$0x7] =	wrdreg $0x31900  }
0xba: {  	[dreg:$0x8] =	wrdreg $0x9  }
0xbb: {  	_ =	task.clear_ibuf [dreg:s9], $0x9FFFF;
	_ =	strace $0x90000046  }
0xbc: {  	s29 =	simm.s32 $0x9;
	_ =	strace $0x80000048  }
0xbd: {  	_ =	swait.ge [sflag:s29], $0x1  }
0xbe: {  	[sflag:s29] =	ssyncadd.s32 $0xFFFFFFFF  }
0xbf: {  	_ =	strace $0x90000048  }
0xc0: {  	_ =	sfence  }
0xc1: {  	s30 =	sld [smem:$0x0];
	_ =	sdelay $0x2  }
0xc2: {  	s31 =	sshll.u32 s1, $0xD;
	s1 =	sshrl.u32 s1, $0x2  }
0xc3: {  	s3 =	sand.u32 $0x4000, s31;
	s1 =	sadd.s32 s1, s30  }
0xc4: {  	s0 =	sor.u32 s3, s0;
	s1 =	sshll.u32 s1, $0x11  }
0xc5: {  	s0 =	sor.u32 s1, s0  }
0xc6: {  	s0 =	sadd.s32 $0x8F2B, s0  }
0xc7: {  	[sflag:s0] =	ssyncadd.remote.s32 $0x1  }
0xc8: {  	_ =	sfence.sel $0xFFFF  }
0xc9: {  	[dreg:$0x0] =	wrdreg $0xFFFFFFFF;
	(pc) =	sbr.abs _section_cstart, $3  }
0xca: {  	[dreg:$0x1] =	wrdreg $0xFFFFFFFF  }
0xcb: {  	_ =	task.clear_ibuf [dreg:s9], $0x2FFFF;
	_ =	strace $0x9FFFFFFF  }
0xcc: {  	(tm) =	ssettm $0x7FFFFFFF  }
0xcd: {  	_ =	shalt  }
tec
execute0_lowered:
.L_overlay_start_1:
0x0: {  	(tag) =	ssettag $0x1  }
0x1: {  	s1 =	rddreg [dreg:$0x0]  }
0x2: {  	s2 =	rddreg [dreg:$0x1]  }
0x3: {  	s0 =	rddreg [dreg:$0x2]  }
0x4: {  	s6 =	rddreg [dreg:$0x3]  }
0x5: {  	s3 =	rddreg [dreg:$0x4]  }
0x6: {  	s4 =	rddreg [dreg:$0x5];
	s5 =	simm.s32 $0x0  }
0x7: {  	s7 =	srdreg.scid;
	s15 =	stileid.u32;
	s28 =	simm.s32 $0x5  }
0x8: {  	s29 =	simm.s32 $0x100;
	s30 =	simm.s32 $0x80;
	s31 =	simm.s32 $0x180  }
0x9: {  	[smem:$0x7FF] =	sst s5;
	s8 =	sand.u32 $0x1, s7;
	s7 =	sadd.s32 $0x1800, s0  }
0xa: {  	s0 =	sadd.s32 $0x1600, s0;
	s12 =	smul.u32 $0x2700, s15;
	s19 =	sadd.s32 $0x27000, s3  }
0xb: {  	s14 =	sadd.s32 $0x27000, s4;
	_ =	strace $0x80000047;
	[dreg:$0x7] =	wrdreg s0  }
0xc: {  	s9 =	sshll.u32 s8, $0x4;
	s10 =	ssub.s32 $0x2, s8;
	[dreg:$0x9] =	wrdreg s19  }
0xd: {  	s8 =	smul.u32 $0x4E200, s8;
	[dreg:$0xa] =	wrdreg s14;
	s9 =	sor.u32 s15, s9  }
0xe: {  	s16 =	sshrl.u32 s10, $0x1;
	s18 =	sadd.s32 s12, s3;
	s13 =	sadd.s32 s12, s4  }
0xf: {  	s11 =	smul.u32 $0x4E, s9;
	s0 =	ssub.s32 s10, s16;
	s17 =	smax.u32 s9, $0x1C  }
0x10: {  	p0 =	sgt.u32 s9, $0x1B;
	s9 =	simm.s32 $0x4F;
	[dreg:$0x8] =	wrdreg s18  }
0x11: {  	s12 =	sadd.s32 s12, s8;
	s8 =	sshrl.u32 s8, $0x3;
	s9 =	simm.s32 @!p0 $0x4E  }
0x12: {  	s12 =	sshrl.u32 s12, $0x3;
	s0 =	smax.u32 s0, $0x1;
	s10 =	sadd.s32 s11, s17  }
0x13: {  	s23 =	sand.u32 $0x1, s9;
	s12 =	sadd.s32 s6, s12;
	[dreg:$0x11] =	wrdreg s0  }
0x14: {  	s6 =	sadd.s32 s6, s8;
	[dreg:$0xd] =	wrdreg s12;
	s25 =	sadd.s32 $0x4E20, s12  }
0x15: {  	s0 =	simm.s32 $0x2;
	s26 =	sadd.s32 $0x4E00, s6;
	[dreg:$0xe] =	wrdreg s25  }
0x16: {  	s10 =	sadd.s32 $0xFFFFFFE4, s10;
	s6 =	sadd.s32 $0x9C20, s6;
	[dreg:$0xf] =	wrdreg s26  }
0x17: {  	p0 =	seq.s32 s23, $0x1;
	s20 =	sshll.u32 s10, $0x4;
	[dreg:$0x10] =	wrdreg s6  }
.Ltmp0:
0x18: {  	s25 =	simm.s32 $0x3;
	s26 =	simm.s32 $0x200;
	(pc) =	sbr.rel .LBB2_1-.Ltmp0, $4  }
0x19: {  	s6 =	simm.s32 $0x0;
	s21 =	sadd.s32 s1, s20;
	s22 =	sadd.s32 s2, s20  }
0x1a: {  	s24 =	sadd.s32 $0x10, s20;
	s25 =	simm.s32 @!p0 $0x4;
	[dreg:$0xb] =	wrdreg s21  }
0x1b: {  	p0 =	sne.s32 s15, $0xF;
	[dreg:$0xc] =	wrdreg s22;
	s8 =	sand.u32 $0x1FFFFFF0, s24  }
0x1c: {  	s24 =	simm.s32 $0x3;
	s22 =	sadd.s32 s1, s8;
	s23 =	sadd.s32 s2, s8  }
.LBB2_5:
0x1d: {  	_ =	swait.ge [sflag:s25], $0x800  }
0x1e: {  	[sflag:s25] =	ssyncset.done $0x0  }
0x1f: {  	[sflag:s25] =	ssyncadd.s32 $0xFFFFF800  }
0x20: {  	_ =	swait.ge [sflag:s25], $0x800  }
0x21: {  	[sflag:s25] =	ssyncset.done $0x0  }
0x22: {  	[sflag:s25] =	ssyncadd.s32 $0xFFFFF800  }
0x23: {  	[bflag:$0x0] =	sbarrier.arrive $0xFFFF  }
0x24: {  	s15 =	rddreg [dreg:$0xd]  }
0x25: {  	[hbm:s15], [sflag:s8] =	dma.local [spmem:s11], $0x4E0  }
0x26: {  	_ =	swait.ge [sflag:s28], $0x4E0  }
0x27: {  	[sflag:s28] =	ssyncset.done $0x0  }
0x28: {  	s19 =	sshrl.u32 s13, $0x3;
	s20 =	rddreg [dreg:$0xe];
	[sflag:s28] =	ssyncadd.s32 $0xFFFFFB20  }
0x29: {  	[hbm:s20], [sflag:s8] =	dma.local [spmem:s19], $0x4E0  }
0x2a: {  	_ =	swait.ge [sflag:s28], $0x4E0  }
0x2b: {  	[sflag:s28] =	ssyncset.done $0x0  }
0x2c: {  	s11 =	rddreg [dreg:$0xf];
	[sflag:s28] =	ssyncadd.s32 $0xFFFFFB20  }
0x2d: {  	[hbm:s11], [sflag:s8] =	dma.local @!p0 [spmem:s12], $0x20  }
0x2e: {  	s11 =	simm.s32 @!p0 $0x5  }
0x2f: {  	_ =	swait.ge @!p0 [sflag:s11], $0x20  }
0x30: {  	[sflag:s11] =	ssyncset.done @!p0 $0x0  }
0x31: {  	s12 =	rddreg [dreg:$0x10];
	[sflag:s11] =	ssyncadd.s32 @!p0 $0xFFFFFFE0  }
0x32: {  	[hbm:s12], [sflag:s8] =	dma.local @!p0 [spmem:s14], $0x20  }
0x33: {  	_ =	swait.ge @!p0 [sflag:s11], $0x20  }
0x34: {  	s6 =	sadd.s32 $0x1, s6;
	s21 =	rddreg [dreg:$0x11]  }
0x35: {  	p1 =	sne.s32 s6, s21  }
.Ltmp1:
0x36: {  	_ = 	snop;
	(pc) =	sbr.rel @!p1 .LBB2_6-.Ltmp1, $3  }
0x37: {  	_ =	sdelay $0x1  }
0x38: {  	[sflag:s11] =	ssyncset.done @!p0 $0x0  }
0x39: {  	[sflag:s11] =	ssyncadd.s32 @!p0 $0xFFFFFFE0  }
.LBB2_1:
0x3a: {  	s8 =	rddreg [dreg:$0x7]  }
0x3b: {  	[tilespmem:s26], [sflag:$0x5] =	stream.linear.gather [hbm4b:s8+s5], $0x800, $0x38;
	[tilespmem:$0x5920] =	vst v63  }
0x3c: {  	s19 =	stileid.u32;
	_ =	swait.ge [sflag:s28], $0x800  }
0x3d: {  	s8 =	sshll.u32 s19, $0x6;
	[sflag:s28] =	ssyncset.done $0x0;
	s11 =	rddreg [dreg:$0x8]  }
0x3e: {  	s8 =	sor.u32 $0x1C05, s8;
	[sflag:s28] =	ssyncadd.s32 $0xFFFFF800;
	s11 =	sshrl.u32 s11, $0x3  }
0x3f: {  	[spmem:s11], [sflag:s8] =	dma.local [hbm:s7], $0x4E0  }
0x40: {  	_ =	swait.ge [sflag:s28], $0x4E0  }
0x41: {  	[sflag:s28] =	ssyncset.done $0x0  }
0x42: {  	s12 =	sshrl.u32 @p0 s13, $0x3;
	[sflag:s28] =	ssyncadd.s32 $0xFFFFFB20  }
0x43: {  	[spmem:s12], [sflag:s8] =	dma.local @p0 [hbm:s7], $0x4E0  }
0x44: {  	s12 =	simm.s32 @p0 $0x5  }
0x45: {  	_ =	swait.ge @p0 [sflag:s12], $0x4E0  }
0x46: {  	[sflag:s12] =	ssyncset.done @p0 $0x0  }
0x47: {  	[sflag:s12] =	ssyncadd.s32 @p0 $0xFFFFFB20;
	s12 =	rddreg [dreg:$0x9]  }
0x48: {  	s15 =	simm.s32 @!p0 $0x5;
	s12 =	sshrl.u32 @!p0 s12, $0x3  }
0x49: {  	[spmem:s12], [sflag:s8] =	dma.local @!p0 [hbm:s7], $0x20  }
0x4a: {  	_ =	swait.ge @!p0 [sflag:s15], $0x20  }
0x4b: {  	[sflag:s15] =	ssyncset.done @!p0 $0x0  }
0x4c: {  	s14 =	sshrl.u32 @!p0 s13, $0x3;
	[sflag:s15] =	ssyncadd.s32 @!p0 $0xFFFFFFE0  }
0x4d: {  	[spmem:s14], [sflag:s8] =	dma.local @!p0 [hbm:s7], $0x4E0  }
0x4e: {  	_ =	swait.ge @!p0 [sflag:s15], $0x4E0  }
0x4f: {  	[sflag:s15] =	ssyncset.done @!p0 $0x0;
	s14 =	rddreg [dreg:$0xa]  }
0x50: {  	[sflag:s15] =	ssyncadd.s32 @!p0 $0xFFFFFB20;
	s14 =	sshrl.u32 @!p0 s14, $0x3  }
0x51: {  	[spmem:s14], [sflag:s8] =	dma.local @!p0 [hbm:s7], $0x20  }
0x52: {  	_ =	swait.ge @!p0 [sflag:s15], $0x20  }
0x53: {  	[sflag:s15] =	ssyncset.done @!p0 $0x0  }
0x54: {  	[sflag:s15] =	ssyncadd.s32 @!p0 $0xFFFFFFE0  }
0x55: {  	[bflag:$0x0] =	sbarrier.arrive $0xFFFF  }
0x56: {  	s20 =	rddreg [dreg:$0xb]  }
0x57: {  	[tilespmem:s5], [sflag:$0x1] =	stream.linear.gather [hbm4b:s20+s5], $0x80, $0x38;
	[tilespmem:$0x5920] =	vst v63  }
0x58: {  	s16 =	simm.s32 $0x1;
	s21 =	rddreg [dreg:$0xc]  }
0x59: {  	[tilespmem:s29], [sflag:$0x1] =	stream.linear.gather [hbm4b:s21+s5], $0x80, $0x38;
	[tilespmem:$0x5920] =	vst v63  }
0x5a: {  	_ =	swait.ge [sflag:s16], $0x80  }
0x5b: {  	[sflag:s16] =	ssyncset.done $0x0  }
0x5c: {  	[sflag:s16] =	ssyncadd.s32 $0xFFFFFF80  }
0x5d: {  	_ =	swait.ge [sflag:s16], $0x80  }
0x5e: {  	[sflag:s16] =	ssyncset.done $0x0  }
0x5f: {  	[sflag:s16] =	ssyncadd.s32 $0xFFFFFF80  }
0x60: {  	[spmem:s3] =	stream.indirect.scatter.add.f32 [tilespmem:s26], [sflag:$0x3], $0x10, s5, s30, $0xb8;
	[tilespmem:$0x5920] =	vst v63  }
0x61: {  	_ = 	snop  }
0x62: {  	[spmem:s4] =	stream.indirect.scatter.add.f32 [tilespmem:s26], [sflag:$0x3], $0x10, s29, s30, $0xb8;
	[tilespmem:$0x5920] =	vst v63  }
.Ltmp2:
0x63: {  	_ = 	snop;
	(pc) =	sbr.rel .LBB2_2-.Ltmp2, $4  }
0x64: {  	_ = 	snop  }
0x65: {  	[tilespmem:s30], [sflag:$0x2] =	stream.linear.gather [hbm4b:s22+s5], $0x80, $0x38;
	[tilespmem:$0x5920] =	vst v63  }
0x66: {  	_ = 	snop  }
0x67: {  	[tilespmem:s31], [sflag:$0x2] =	stream.linear.gather [hbm4b:s23+s5], $0x80, $0x38;
	[tilespmem:$0x5920] =	vst v63  }
.LBB2_4:
0x68: {  	p1 =	sne.s32 s15, s9  }
.Ltmp3:
0x69: {  	_ = 	snop;
	(pc) =	sbr.rel @!p1 .LBB2_5-.Ltmp3, $2  }
0x6a: {  	_ =	sdelay $0x2  }
0x6b: {  	s16 =	smov.u32 s15  }
.LBB2_2:
0x6c: {  	s18 =	sand.u32 $0x1, s16  }
0x6d: {  	p1 =	seq.s32 s18, $0x1  }
0x6e: {  	s15 =	simm.s32 @!p1 $0x1  }
0x6f: {  	_ =	swait.ge @!p1 [sflag:s15], $0x80  }
0x70: {  	[sflag:s15] =	ssyncset.done @!p1 $0x0  }
0x71: {  	[sflag:s15] =	ssyncadd.s32 @!p1 $0xFFFFFF80  }
0x72: {  	_ =	swait.ge @!p1 [sflag:s15], $0x80  }
0x73: {  	s19 =	simm.s32 @!p1 $0x0;
	[sflag:s15] =	ssyncset.done @!p1 $0x0  }
0x74: {  	s17 =	simm.s32 @!p1 $0x200;
	[sflag:s15] =	ssyncadd.s32 @!p1 $0xFFFFFF80;
	s15 =	simm.s32 @!p1 $0x80  }
0x75: {  	[spmem:s3] =	stream.indirect.scatter.add.f32 @!p1 [tilespmem:s17], [sflag:$0x3], $0x10, s19, s15, $0xb8;
	[tilespmem:$0x5920] =	vst v63  }
0x76: {  	s19 =	simm.s32 @!p1 $0x100  }
0x77: {  	[spmem:s4] =	stream.indirect.scatter.add.f32 @!p1 [tilespmem:s17], [sflag:$0x3], $0x10, s19, s15, $0xb8;
	[tilespmem:$0x5920] =	vst v63  }
0x78: {  	s17 =	simm.s32 @!p1 $0x4  }
0x79: {  	s15 =	sor.u32 @!p1 $0x1, s16;
	_ =	swait.ge @!p1 [sflag:s17], $0x800  }
0x7a: {  	p2 =	sge.u32 @!p1 s15, s9;
	[sflag:s17] =	ssyncset.done @!p1 $0x0  }
0x7b: {  	p2 =	por p2, p1;
	[sflag:s17] =	ssyncadd.s32 @!p1 $0xFFFFF800  }
0x7c: {  	s19 =	sadd.s32 @!p2 s10, s15;
	_ =	swait.ge @!p1 [sflag:s17], $0x800  }
0x7d: {  	s19 =	sshll.u32 @!p2 s19, $0x4;
	[sflag:s17] =	ssyncset.done @!p1 $0x0  }
0x7e: {  	[sflag:s17] =	ssyncadd.s32 @!p1 $0xFFFFF800;
	s17 =	sand.u32 @!p2 $0x1FFFFFF0, s19  }
0x7f: {  	s20 =	simm.s32 @!p2 $0x0;
	s21 =	simm.s32 @!p2 $0x80;
	s19 =	sadd.s32 @!p2 s1, s17  }
0x80: {  	[tilespmem:s21], [sflag:$0x2] =	stream.linear.gather @!p2 [hbm4b:s19+s20], $0x80, $0x38;
	[tilespmem:$0x5920] =	vst v63  }
0x81: {  	s17 =	sadd.s32 @!p2 s2, s17;
	s19 =	simm.s32 @!p2 $0x180  }
0x82: {  	[tilespmem:s19], [sflag:$0x2] =	stream.linear.gather @!p2 [hbm4b:s17+s20], $0x80, $0x38;
	[tilespmem:$0x5920] =	vst v63  }
0x83: {  	p2 =	seq.s32 @!p1 s18, $0x0  }
0x84: {  	p1 =	por p1, !p2  }
.Ltmp4:
0x85: {  	_ = 	snop;
	(pc) =	sbr.rel @!p1 .LBB2_4-.Ltmp4, $1  }
0x86: {  	_ =	sdelay $0x3  }
0x87: {  	_ =	swait.ge [sflag:s0], $0x80  }
0x88: {  	[sflag:s0] =	ssyncset.done $0x0  }
0x89: {  	[sflag:s0] =	ssyncadd.s32 $0xFFFFFF80  }
0x8a: {  	_ =	swait.ge [sflag:s0], $0x80  }
0x8b: {  	[sflag:s0] =	ssyncset.done $0x0  }
0x8c: {  	[sflag:s0] =	ssyncadd.s32 $0xFFFFFF80  }
0x8d: {  	[spmem:s3] =	stream.indirect.scatter.add.f32 [tilespmem:s26], [sflag:$0x4], $0x10, s30, s30, $0xb8;
	[tilespmem:$0x5920] =	vst v63  }
0x8e: {  	_ = 	snop  }
0x8f: {  	[spmem:s4] =	stream.indirect.scatter.add.f32 [tilespmem:s26], [sflag:$0x4], $0x10, s31, s30, $0xb8;
	[tilespmem:$0x5920] =	vst v63  }
0x90: {  	s15 =	sadd.s32 $0x1, s16;
	_ =	swait.ge [sflag:s24], $0x800  }
0x91: {  	p1 =	sge.u32 s15, s9;
	[sflag:s24] =	ssyncset.done $0x0  }
0x92: {  	s16 =	sadd.s32 @!p1 s10, s15;
	[sflag:s24] =	ssyncadd.s32 $0xFFFFF800  }
0x93: {  	s16 =	sshll.u32 @!p1 s16, $0x4;
	_ =	swait.ge [sflag:s24], $0x800  }
.Ltmp5:
0x94: {  	s16 =	sand.u32 @!p1 $0x1FFFFFF0, s16;
	[sflag:s24] =	ssyncset.done $0x0;
	(pc) =	sbr.rel .LBB2_4-.Ltmp5, $4  }
0x95: {  	s18 =	simm.s32 @!p1 $0x0;
	s17 =	sadd.s32 @!p1 s1, s16;
	[sflag:s24] =	ssyncadd.s32 $0xFFFFF800  }
0x96: {  	[tilespmem:s18], [sflag:$0x1] =	stream.linear.gather @!p1 [hbm4b:s17+s18], $0x80, $0x38;
	[tilespmem:$0x5920] =	vst v63  }
0x97: {  	s16 =	sadd.s32 @!p1 s2, s16;
	s17 =	simm.s32 @!p1 $0x100  }
0x98: {  	[tilespmem:s17], [sflag:$0x1] =	stream.linear.gather @!p1 [hbm4b:s16+s18], $0x80, $0x38;
	[tilespmem:$0x5920] =	vst v63  }
.LBB2_6:
0x99: {  	_ =	sfence.sel $0x180000  }
0x9a: {  	[bflag:$0x0] =	sbarrier.arrive $0xFFFF  }
0x9b: {  	_ =	strace $0x90000047  }
0x9c: {  	s0 =	stileid.u32;
	[bflag:$0x2] =	sbarrier.arrive $0xFFFF  }
0x9d: {  	p0 =	sne.s32 s0, $0x0;
	s0 =	rddreg [dreg:$0x6]  }
0x9e: {  	s0 =	sadd.s32 @!p0 $0x100000, s0  }
0x9f: {  	[sflag:s0] =	ssyncadd.tile.s32 @!p0 $0x1;
	_ =	shalt  }
.Lfunc_end2:
_tile_overlayer_lowered:
.L_overlay_start_2:
0xa0: {  	(tag) =	ssettag $0x2  }
0xa1: {  	s0 =	rddreg [dreg:$0x0];
	s2 =	stileid.u32  }
0xa2: {  	s1 =	rddreg [dreg:$0x1];
	p0 =	sne.s32 s2, $0x0  }
0xa3: {  	s3 =	rddreg [dreg:$0x2];
	[bflag:$0x3] =	sbarrier.arrive $0xFFFF;
	s2 =	simm.s32 @!p0 $0x1C05  }
0xa4: {  	[timem:s3], [sflag:s2] =	dma.local @!p0 [hbm:s0], s1  }
0xa5: {  	s0 =	simm.s32 @!p0 $0x5  }
0xa6: {  	_ =	swait.ge @!p0 [sflag:s0], s1  }
0xa7: {  	s1 =	ssub.s32 @!p0 $0x0, s1;
	[sflag:s0] =	ssyncset.done @!p0 $0x0  }
0xa8: {  	[sflag:s0] =	ssyncadd.s32 @!p0 s1  }
0xa9: {  	[bflag:$0x3] =	sbarrier.arrive $0xFFFF  }
0xaa: {  	_ =	shalt  }

</sc_bundles>
